<compile_context>
chip_gen: v7x
topology: tpu7x:2x2x1
jax: 0.10.2.dev20260603
libtpu: 0.0.44.dev20260713+nightly
codegen_flags: <defaults>
</compile_context>

<pallas_src>
import functools

import jax
import jax.numpy as jnp
from jax import lax
from jax.experimental import pallas as pl
from jax.experimental.pallas import tpu as pltpu
from jax.experimental.pallas import tpu_sc as plsc

_NE = 8192
_D = 32
_H = 64
_A = 16
_BT = 256
_NCH = 64
_CW = 128
_NG = 8
_NC, _NS, _L = 2, 16, 16
_NW = _NC * _NS
_TPW = 1024 // _NW
_CAP = 2176


def _dist_chunks_body(r_ref, cb_ref, d3_ref, ids_ref, thr_ref, cm_ref):
    g = pl.program_id(0)
    r = r_ref[...]
    cb = cb_ref[...]
    rr = jnp.sum(r * r, axis=-1, keepdims=True)
    rc = lax.dot_general(r, cb, (((1,), (1,)), ((), ())),
                         preferred_element_type=jnp.float32)
    cc = jnp.sum(cb * cb, axis=-1)[None, :]
    d = (rr - 2.0 * rc) + cc
    mins = []
    for jj in range(_NG):
        slab = d[:, _CW * jj: _CW * (jj + 1)]
        d3_ref[jj] = slab
        mins.append(jnp.min(slab, axis=1, keepdims=True))
    cm_ref[g] = jnp.concatenate(mins, axis=1)

    @pl.when(g == _NG - 1)
    def _fin():
        cm = jnp.concatenate([cm_ref[i] for i in range(_NG)], axis=1)
        iota = lax.broadcasted_iota(jnp.int32, cm.shape, 1)
        inf = jnp.float32(float("inf"))
        cols = []
        m = None
        for _ in range(_A):
            m = jnp.min(cm, axis=1, keepdims=True)
            sel = jnp.min(jnp.where(cm == m, iota, _NCH), axis=1)
            cols.append(sel[:, None])
            cm = jnp.where(iota == sel[:, None], inf, cm)
        ids_ref[...] = jnp.concatenate(cols, axis=1)
        thr_ref[...] = jnp.broadcast_to(m, thr_ref.shape)


def _dist_chunks(r, cb):
    B = r.shape[0]
    return pl.pallas_call(
        _dist_chunks_body,
        grid=(_NG,),
        in_specs=[
            pl.BlockSpec((B, _D), lambda g: (0, 0)),
            pl.BlockSpec((_NE // _NG, _D), lambda g: (g, 0)),
        ],
        out_specs=[
            pl.BlockSpec((_NG, B, _CW), lambda g: (g, 0, 0)),
            pl.BlockSpec((B, _A), lambda g: (0, 0)),
            pl.BlockSpec((B, _A), lambda g: (0, 0)),
        ],
        out_shape=[
            jax.ShapeDtypeStruct((_NCH, B, _CW), jnp.float32),
            jax.ShapeDtypeStruct((B, _A), jnp.int32),
            jax.ShapeDtypeStruct((B, _A), jnp.float32),
        ],
        scratch_shapes=[pltpu.VMEM((_NG, B, _NG), jnp.float32)],
    )(r, cb)


def _splat_lane(vec, i):
    idx = jnp.full((_L,), i, jnp.int32)
    return lax.gather(
        vec, idx[:, None],
        lax.GatherDimensionNumbers(offset_dims=(), collapsed_slice_dims=(0,),
                                   start_index_map=(0,)),
        (1,), mode=lax.GatherScatterMode.PROMISE_IN_BOUNDS)


def _sc_topk_gather(dist_rows, ids_flat, thr_flat, cb_pad):
    mesh = plsc.VectorSubcoreMesh(core_axis_name="c", subcore_axis_name="s",
                                  num_cores=_NC, num_subcores=_NS)
    npt = _TPW * _A
    nbat = _TPW // 8

    @functools.partial(
        pl.kernel, mesh=mesh,
        compiler_params=pltpu.CompilerParams(needs_layout_passes=False),
        out_type=[
            jax.ShapeDtypeStruct((1024 * _A,), jnp.int32),
            jax.ShapeDtypeStruct((1024 * _A, _CW), jnp.float32),
        ],
        scratch_types=[
            pltpu.VMEM((npt,), jnp.int32),
            pltpu.VMEM((npt,), jnp.float32),
            pltpu.VMEM((nbat, 8 * _A), jnp.int32),
            pltpu.VMEM((8 * _A, _CW), jnp.float32),
            pltpu.VMEM((_CAP,), jnp.float32),
            pltpu.VMEM((_CAP,), jnp.int32),
            pltpu.VMEM((npt,), jnp.int32),
            pltpu.VMEM((npt, _CW), jnp.float32),
            pltpu.SemaphoreType.DMA,
        ],
    )
    def k(dist_hbm, ids_hbm, thr_hbm, cb_hbm, topk_hbm, codes_hbm,
          ids_v, thr_v, rows_v, chunks_v, candv_v, candi_v, topk_v,
          codes_v, sem):
        wid = lax.axis_index("s") * _NC + lax.axis_index("c")
        base = wid * npt
        tok0 = wid * _TPW
        pltpu.sync_copy(ids_hbm.at[pl.ds(base, npt)], ids_v)
        pltpu.sync_copy(thr_hbm.at[pl.ds(base, npt)], thr_v)

        iota = lax.iota(jnp.int32, _L)
        inf = jnp.float32(float("inf"))

        for g in range(nbat):
            def prep(u, _):
                s = g * 8 + u
                cidv = ids_v[pl.ds(_A * s, _A)]
                rows_v[g, pl.ds(_A * u, _A)] = cidv * 1024 + (tok0 + s)
                return 0
            lax.fori_loop(0, 8, prep, 0)

        for g in range(nbat):
            pltpu.async_copy(dist_hbm.at[rows_v.at[g]], chunks_v, sem).wait()

            def tok(u, _):
                s = g * 8 + u
                tvec = thr_v[pl.ds(_A * s, _A)]
                cidv = ids_v[pl.ds(_A * s, _A)]

                laneoff = iota * (_CAP // _L)

                def scan(c, pcnt):
                    cid128 = _splat_lane(cidv, c) * _CW
                    row = u * _A + c
                    for v in range(_CW // _L):
                        vals = chunks_v[row, pl.ds(_L * v, _L)]
                        mask = vals <= tvec
                        offs = laneoff + pcnt
                        gidx = cid128 + (v * _L + iota)
                        plsc.store_scatter(candv_v, [offs], vals, mask=mask)
                        plsc.store_scatter(candi_v, [offs], gidx, mask=mask)
                        pcnt = pcnt + jnp.where(mask, 1, 0)
                    return pcnt

                pcnt = lax.fori_loop(0, _A, scan,
                                     jnp.zeros((_L,), jnp.int32))
                kmax = jnp.max(pcnt)

                runk = jnp.full((_L,), inf)
                runv = jnp.zeros((_L,), jnp.int32)

                def merge(k2, carry):
                    rk0, rv0 = carry
                    idxs = laneoff + k2
                    ck = plsc.load_gather(candv_v, [idxs])
                    cv = plsc.load_gather(candi_v, [idxs])
                    ck = jnp.where(k2 < pcnt, ck, inf)
                    ck, cv = plsc.sort_key_val(ck, cv)
                    ckr = lax.rev(ck, (0,))
                    cvr = lax.rev(cv, (0,))
                    take = rk0 <= ckr
                    nk = jnp.where(take, rk0, ckr)
                    nv = jnp.where(take, rv0, cvr)
                    sk, sv = plsc.sort_key_val(nk, nv)
                    return (sk, sv)

                runk, runv = lax.fori_loop(0, kmax, merge, (runk, runv))
                topk_v[pl.ds(_A * s, _A)] = runv
                return 0

            lax.fori_loop(0, 8, tok, 0)

        pltpu.sync_copy(topk_v, topk_hbm.at[pl.ds(base, npt)])
        pltpu.async_copy(cb_hbm.at[topk_v], codes_v, sem).wait()
        pltpu.sync_copy(codes_v, codes_hbm.at[pl.ds(base, npt)])

    return k(dist_rows, ids_flat, thr_flat, cb_pad)


def _refine_body(nblk,
                 codes_ref, rrep_ref, xprep_ref, tki_ref,
                 w_in_ref, b_in_ref, w_h_ref, b_h_ref, w_out_ref, b_out_ref,
                 zq_ref, ind_ref, loss_ref, perp_ref, counts_ref):
    t = pl.program_id(0)

    @pl.when(t == 0)
    def _init():
        loss_ref[...] = jnp.zeros((1, 1), jnp.float32)
        perp_ref[...] = jnp.zeros((1, 1), jnp.float32)
        counts_ref[...] = jnp.zeros_like(counts_ref)

    codes = codes_ref[:, : _D]
    xp = xprep_ref[...]
    cx = jnp.concatenate([codes, xp], axis=1)
    h = cx @ w_in_ref[...] + b_in_ref[...]
    h = jnp.maximum(h, 0.0)
    for i in range(2):
        h = jnp.maximum(h @ w_h_ref[i] + b_h_ref[i][None, :], 0.0) + h
    delta = codes + h @ w_out_ref[...] + b_out_ref[...]

    diff = rrep_ref[...] - delta
    diff3 = diff.reshape(_BT, _A, _D)
    dist = jnp.sum(diff3 * diff3, axis=2)
    m = jnp.min(dist, axis=1, keepdims=True)
    ai = lax.broadcasted_iota(jnp.int32, dist.shape, 1)
    best = jnp.min(jnp.where(dist == m, ai, _A), axis=1)

    sel = ai == best[:, None]
    ind = jnp.sum(jnp.where(sel, tki_ref[...], 0), axis=1)
    ind_ref[...] = ind[:, None]

    zq = jnp.sum(delta.reshape(_BT, _A, _D)
                 * sel.astype(jnp.float32)[:, :, None], axis=1)
    zq_ref[...] = zq

    loss_ref[...] += jnp.sum(m).reshape(1, 1)
    onehot = (ind[:, None]
              == lax.broadcasted_iota(jnp.int32, (_BT, _NE), 1))
    counts_ref[...] += jnp.sum(onehot.astype(jnp.float32), axis=0,
                               keepdims=True)

    @pl.when(t == nblk - 1)
    def _fin():
        ntok = jnp.float32(nblk * _BT)
        p = counts_ref[...] / ntok
        ent = jnp.sum(p * jnp.log(p + 1e-10))
        perp_ref[...] = jnp.exp(-ent).reshape(1, 1)
        le = loss_ref[...] / (ntok * _D)
        loss_ref[...] = le + 0.25 * le


def _refine(codes_sel, r_rep, xp_rep, tki, params):
    B = tki.shape[0]
    nblk = B // _BT
    rb = _BT * _A
    out = pl.pallas_call(
        functools.partial(_refine_body, nblk),
        grid=(nblk,),
        in_specs=[
            pl.BlockSpec((rb, _CW), lambda t: (t, 0)),
            pl.BlockSpec((rb, _D), lambda t: (t, 0)),
            pl.BlockSpec((rb, _D), lambda t: (t, 0)),
            pl.BlockSpec((_BT, _A), lambda t: (t, 0)),
            pl.BlockSpec((2 * _D, _H), lambda t: (0, 0)),
            pl.BlockSpec((1, _H), lambda t: (0, 0)),
            pl.BlockSpec((2, _H, _H), lambda t: (0, 0, 0)),
            pl.BlockSpec((2, _H), lambda t: (0, 0)),
            pl.BlockSpec((_H, _D), lambda t: (0, 0)),
            pl.BlockSpec((1, _D), lambda t: (0, 0)),
        ],
        out_specs=[
            pl.BlockSpec((_BT, _D), lambda t: (t, 0)),
            pl.BlockSpec((_BT, 1), lambda t: (t, 0)),
            pl.BlockSpec((1, 1), lambda t: (0, 0)),
            pl.BlockSpec((1, 1), lambda t: (0, 0)),
        ],
        out_shape=[
            jax.ShapeDtypeStruct((B, _D), jnp.float32),
            jax.ShapeDtypeStruct((B, 1), jnp.int32),
            jax.ShapeDtypeStruct((1, 1), jnp.float32),
            jax.ShapeDtypeStruct((1, 1), jnp.float32),
        ],
        scratch_shapes=[pltpu.VMEM((1, _NE), jnp.float32)],
    )(codes_sel, r_rep, xp_rep, tki,
      params["W_in"], params["b_in"].reshape(1, _H),
      params["W_h"], params["b_h"],
      params["W_out"], params["b_out"].reshape(1, _D))
    return out


def kernel(residual, x_prev, codebook, params):
    orig_shape = residual.shape
    B = residual.size // _D
    r = residual.reshape(B, _D)
    xp = x_prev.reshape(B, _D)

    dist3, ids, thr16 = _dist_chunks(r, codebook)
    cb_pad = jnp.pad(codebook, ((0, 0), (0, _CW - _D)))
    tki_flat, codes_sel = _sc_topk_gather(
        dist3.reshape(_NCH * B, _CW), ids.reshape(-1), thr16.reshape(-1),
        cb_pad)
    tki = tki_flat.reshape(B, _A)
    r_rep = jnp.repeat(r, _A, axis=0)
    xp_rep = jnp.repeat(xp, _A, axis=0)
    zq, ind, loss, perp = _refine(codes_sel, r_rep, xp_rep, tki, params)

    return (zq.reshape(orig_shape), loss.reshape(()), perp.reshape(()),
            ind.reshape(-1))

# --- scband reference (transcript-rebuilt; emitter-appended) ---
"""Pipeline reference for scband-qinco-80590766342848 (READ-ONLY COPY).

The authoritative reference and input builder live on the scoring server;
editing this copy changes nothing except your own understanding.
"""

import jax, jax.numpy as jnp
import numpy as np

N_E = 8192
E_DIM = 32
HIDDEN = 64
NUM_LAYERS = 2
TOP_A = 16
BETA = 0.25


def setup_inputs(seed: int = 0) -> dict:
    key = jax.random.key(seed)
    ks = jax.random.split(key, 10)
    residual = jax.random.normal(ks[0], (4, 256, E_DIM), dtype=jnp.float32)
    x_prev = jax.random.normal(ks[1], (4, 256, E_DIM), dtype=jnp.float32)
    # ImplicitEmbedding.weight materialized as a (n_e, e_dim) table
    codebook = jax.random.normal(ks[2], (N_E, E_DIM), dtype=jnp.float32) * 0.05
    # QincoSubstep params: MLP on concat(code, x_prev) with residual hidden blocks,
    # output added to code (delta prediction), per QINCo paper structure.
    params = {
        "W_in": jax.random.normal(ks[3], (2 * E_DIM, HIDDEN), dtype=jnp.float32) / np.sqrt(2 * E_DIM),
        "b_in": jnp.zeros((HIDDEN,), dtype=jnp.float32),
        "W_h": jax.random.normal(ks[4], (NUM_LAYERS, HIDDEN, HIDDEN), dtype=jnp.float32) / np.sqrt(HIDDEN),
        "b_h": jnp.zeros((NUM_LAYERS, HIDDEN), dtype=jnp.float32),
        "W_out": jax.random.normal(ks[5], (HIDDEN, E_DIM), dtype=jnp.float32) / np.sqrt(HIDDEN),
        "b_out": jnp.zeros((E_DIM,), dtype=jnp.float32),
    }
    return {"residual": residual, "x_prev": x_prev, "codebook": codebook, "params": params}


def _substep(codes, xprev, params):
    h = jnp.concatenate([codes, xprev], axis=-1) @ params["W_in"] + params["b_in"]
    h = jax.nn.relu(h)
    for i in range(NUM_LAYERS):
        h = jax.nn.relu(h @ params["W_h"][i] + params["b_h"][i]) + h
    return codes + h @ params["W_out"] + params["b_out"]


def reference(residual, x_prev, codebook, params):
    orig_shape = residual.shape
    D = E_DIM
    B_flat = residual.size // D
    r = residual.reshape(B_flat, D)
    xp = x_prev.reshape(B_flat, D)
    # squared L2 distances to all base codes (expanded form, same math as
    # ((r[:,None]-c[None])**2).sum(-1) without materializing B x K x D)
    dist_base = (
        jnp.sum(r * r, axis=-1, keepdims=True)
        - 2.0 * (r @ codebook.T)
        + jnp.sum(codebook * codebook, axis=-1)[None, :]
    )
    A = min(TOP_A, N_E)
    neg_topk, topk_idx = jax.lax.top_k(-dist_base, A)
    codes_sel = codebook[topk_idx]  # (B_flat, A, D) gather
    x_prev_sel = jnp.broadcast_to(xp[:, None, :], (B_flat, A, D))
    deltas_sel = _substep(codes_sel.reshape(-1, D), x_prev_sel.reshape(-1, D), params)
    deltas_sel = deltas_sel.reshape(B_flat, A, D)
    diff = r[:, None, :] - deltas_sel
    dist = jnp.sum(diff * diff, axis=-1)
    best_in_A = jnp.argmin(dist, axis=-1)
    indices = jnp.take_along_axis(topk_idx, best_in_A[:, None], axis=1)[:, 0]
    chosen_base = codebook[indices]
    z_q_flat = _substep(chosen_base, xp, params)
    z_q = z_q_flat.reshape(orig_shape)
    loss_commit = jnp.mean((jax.lax.stop_gradient(z_q_flat) - r) ** 2)
    loss_embed = jnp.mean((z_q_flat - jax.lax.stop_gradient(r)) ** 2)
    loss = loss_embed + BETA * loss_commit
    one_hot = jax.nn.one_hot(indices, N_E, dtype=jnp.float32)
    avg_probs = one_hot.mean(axis=0)
    perplexity = jnp.exp(-jnp.sum(avg_probs * jnp.log(avg_probs + 1e-10)))
    return (z_q, loss, perplexity, indices)

if __name__ == "__main__":
    import jax
    _d = setup_inputs()
    print(jax.jit(kernel)(*tuple(_d.values())))

</pallas_src>

<mosaic_0001>
#map = affine_map<(d0, d1) -> (0, 0)>
#map1 = affine_map<(d0, d1) -> (0)>
module attributes {stable_mosaic.version = 14 : i64} {
  func.func @k(%arg0: i32, %arg1: i32, %arg2: memref<65536x128xf32, #tpu.memory_space<hbm>>, %arg3: memref<16384xi32, #tpu.memory_space<hbm>>, %arg4: memref<16384xf32, #tpu.memory_space<hbm>>, %arg5: memref<8192x128xf32, #tpu.memory_space<hbm>>, %arg6: memref<16384xi32, #tpu.memory_space<hbm>>, %arg7: memref<16384x128xf32, #tpu.memory_space<hbm>>, %arg8: memref<512xi32, #tpu.memory_space<vmem>>, %arg9: memref<512xf32, #tpu.memory_space<vmem>>, %arg10: memref<4x128xi32, #tpu.memory_space<vmem>>, %arg11: memref<128x128xf32, #tpu.memory_space<vmem>>, %arg12: memref<2176xf32, #tpu.memory_space<vmem>>, %arg13: memref<2176xi32, #tpu.memory_space<vmem>>, %arg14: memref<512xi32, #tpu.memory_space<vmem>>, %arg15: memref<512x128xf32, #tpu.memory_space<vmem>>, %arg16: memref<!tpu.dma_semaphore, #tpu.memory_space<semaphore_mem>>) attributes {dimension_semantics = [#tpu.dimension_semantics<core_parallel>, #tpu.dimension_semantics<subcore_parallel>], iteration_bounds = array<i64: 2, 16>, scalar_prefetch = 0 : i64, scratch_operands = 9 : i64, tpu.core_type = #tpu.core_type<sc_vector_subcore>, window_params = [{transform_indices = #map}, {transform_indices = #map1}, {transform_indices = #map1}, {transform_indices = #map}, {transform_indices = #map1}, {transform_indices = #map}]} {
    %mul3A = arith.constant 2 : i32
    %mul3A_0 = arith.muli %arg1, %mul3A : i32
    %add3A = arith.addi %mul3A_0, %arg0 : i32
    %mul3A_1 = arith.constant 512 : i32
    %mul3A_2 = arith.muli %add3A, %mul3A_1 : i32
    %mul3A_3 = arith.constant 32 : i32
    %mul3A_4 = arith.muli %add3A, %mul3A_3 : i32
    "tpu.region"() ({
      %run_scoped3A = tpu.sem_alloc : memref<!tpu.dma_semaphore, #tpu.memory_space<semaphore_mem>>
      %dma_start3A_124 = tpu.memref_slice %arg3[%mul3A_2] : memref<16384xi32, #tpu.memory_space<hbm>> -> memref<512xi32, #tpu.memory_space<hbm>>
      %dma_start3A_125 = tpu.memref_slice %arg3[%mul3A_2] : memref<16384xi32, #tpu.memory_space<hbm>> -> memref<512xi32, #tpu.memory_space<hbm>>
      tpu.enqueue_dma source(%dma_start3A_125 : memref<512xi32, #tpu.memory_space<hbm>>) target(%arg8 : memref<512xi32, #tpu.memory_space<vmem>>) target_semaphore(%run_scoped3A : memref<!tpu.dma_semaphore, #tpu.memory_space<semaphore_mem>>)
      %dma_wait3A_126 = tpu.memref_slice %arg3[%mul3A_2] : memref<16384xi32, #tpu.memory_space<hbm>> -> memref<512xi32, #tpu.memory_space<hbm>>
      %dma_wait3A_127 = tpu.memref_slice %arg3[%mul3A_2] : memref<16384xi32, #tpu.memory_space<hbm>> -> memref<512xi32, #tpu.memory_space<hbm>>
      tpu.wait_dma2 semaphore(%run_scoped3A : memref<!tpu.dma_semaphore, #tpu.memory_space<semaphore_mem>>) src(%dma_wait3A_127 : memref<512xi32, #tpu.memory_space<hbm>>) dst(%arg8 : memref<512xi32, #tpu.memory_space<vmem>>)
      tpu.yield
    }) : () -> ()
    "tpu.region"() ({
      %run_scoped3A = tpu.sem_alloc : memref<!tpu.dma_semaphore, #tpu.memory_space<semaphore_mem>>
      %dma_start3A_124 = tpu.memref_slice %arg4[%mul3A_2] : memref<16384xf32, #tpu.memory_space<hbm>> -> memref<512xf32, #tpu.memory_space<hbm>>
      %dma_start3A_125 = tpu.memref_slice %arg4[%mul3A_2] : memref<16384xf32, #tpu.memory_space<hbm>> -> memref<512xf32, #tpu.memory_space<hbm>>
      tpu.enqueue_dma source(%dma_start3A_125 : memref<512xf32, #tpu.memory_space<hbm>>) target(%arg9 : memref<512xf32, #tpu.memory_space<vmem>>) target_semaphore(%run_scoped3A : memref<!tpu.dma_semaphore, #tpu.memory_space<semaphore_mem>>)
      %dma_wait3A_126 = tpu.memref_slice %arg4[%mul3A_2] : memref<16384xf32, #tpu.memory_space<hbm>> -> memref<512xf32, #tpu.memory_space<hbm>>
      %dma_wait3A_127 = tpu.memref_slice %arg4[%mul3A_2] : memref<16384xf32, #tpu.memory_space<hbm>> -> memref<512xf32, #tpu.memory_space<hbm>>
      tpu.wait_dma2 semaphore(%run_scoped3A : memref<!tpu.dma_semaphore, #tpu.memory_space<semaphore_mem>>) src(%dma_wait3A_127 : memref<512xf32, #tpu.memory_space<hbm>>) dst(%arg9 : memref<512xf32, #tpu.memory_space<vmem>>)
      tpu.yield
    }) : () -> ()
    %iota3A = tpu.iota {dimensions = array<i32: 0>} : vector<16xi32>
    %scan3A = arith.constant 0 : i32
    %scan3A_5 = arith.constant 0 : i32
    %scan3A_6 = arith.constant 8 : i32
    %scan3A_7 = arith.addi %scan3A_5, %scan3A_6 : i32
    %scan3A_8 = arith.constant 1 : i32
    %scan3A_9 = scf.for %scan3A_124 = %scan3A_5 to %scan3A_7 step %scan3A_8 iter_args(%scan3A_125 = %scan3A) -> (i32)  : i32 {
      %add3A_126 = arith.constant 0 : i32
      %add3A_127 = arith.addi %add3A_126, %scan3A_124 : i32
      %mul3A_128 = arith.constant 16 : i32
      %mul3A_129 = arith.muli %mul3A_128, %add3A_127 : i32
      %get3A = arith.index_cast %mul3A_129 : i32 to index
      %get3A_130 = tpu.vector_load %arg8[%get3A] {strides = array<i32>} : memref<512xi32, #tpu.memory_space<vmem>>, vector<16xi32>,
      %mul3A_131 = arith.constant 1024 : i32
      %mul3A_132 = vector.broadcast %mul3A_131 : i32 to vector<16xi32>
      %mul3A_133 = arith.muli %get3A_130, %mul3A_132 : vector<16xi32>
      %add3A_134 = arith.addi %mul3A_4, %add3A_127 : i32
      %add3A_135 = vector.broadcast %add3A_134 : i32 to vector<16xi32>
      %add3A_136 = arith.addi %mul3A_133, %add3A_135 : vector<16xi32>
      %mul3A_137 = arith.constant 16 : i32
      %mul3A_138 = arith.muli %mul3A_137, %scan3A_124 : i32
      %swap3A = arith.constant 0 : i32
      %swap3A_139 = arith.index_cast %swap3A : i32 to index
      %swap3A_140 = arith.index_cast %mul3A_138 : i32 to index
      %swap3A_141 = tpu.vector_load %arg10[%swap3A_139, %swap3A_140] {strides = array<i32>} : memref<4x128xi32, #tpu.memory_space<vmem>>, vector<16xi32>,
      tpu.vector_store %arg10[%swap3A_139, %swap3A_140], %add3A_136 {strides = array<i32>} : memref<4x128xi32, #tpu.memory_space<vmem>>, vector<16xi32>,
      %scan3A_142 = arith.constant 0 : i32
      scf.yield %scan3A_142 : i32
    }
    %scan3A_10 = arith.constant 8 : i32
    %scan3A_11 = arith.constant 0 : i32
    %scan3A_12 = arith.constant 0 : i32
    %scan3A_13 = arith.constant 8 : i32
    %scan3A_14 = arith.addi %scan3A_12, %scan3A_13 : i32
    %scan3A_15 = arith.constant 1 : i32
    %scan3A_16 = scf.for %scan3A_124 = %scan3A_12 to %scan3A_14 step %scan3A_15 iter_args(%scan3A_125 = %scan3A_11) -> (i32)  : i32 {
      %add3A_126 = arith.constant 8 : i32
      %add3A_127 = arith.addi %add3A_126, %scan3A_124 : i32
      %mul3A_128 = arith.constant 16 : i32
      %mul3A_129 = arith.muli %mul3A_128, %add3A_127 : i32
      %get3A = arith.index_cast %mul3A_129 : i32 to index
      %get3A_130 = tpu.vector_load %arg8[%get3A] {strides = array<i32>} : memref<512xi32, #tpu.memory_space<vmem>>, vector<16xi32>,
      %mul3A_131 = arith.constant 1024 : i32
      %mul3A_132 = vector.broadcast %mul3A_131 : i32 to vector<16xi32>
      %mul3A_133 = arith.muli %get3A_130, %mul3A_132 : vector<16xi32>
      %add3A_134 = arith.addi %mul3A_4, %add3A_127 : i32
      %add3A_135 = vector.broadcast %add3A_134 : i32 to vector<16xi32>
      %add3A_136 = arith.addi %mul3A_133, %add3A_135 : vector<16xi32>
      %mul3A_137 = arith.constant 16 : i32
      %mul3A_138 = arith.muli %mul3A_137, %scan3A_124 : i32
      %swap3A = arith.constant 1 : i32
      %swap3A_139 = arith.index_cast %swap3A : i32 to index
      %swap3A_140 = arith.index_cast %mul3A_138 : i32 to index
      %swap3A_141 = tpu.vector_load %arg10[%swap3A_139, %swap3A_140] {strides = array<i32>} : memref<4x128xi32, #tpu.memory_space<vmem>>, vector<16xi32>,
      tpu.vector_store %arg10[%swap3A_139, %swap3A_140], %add3A_136 {strides = array<i32>} : memref<4x128xi32, #tpu.memory_space<vmem>>, vector<16xi32>,
      %scan3A_142 = arith.constant 0 : i32
      scf.yield %scan3A_142 : i32
    }
    %scan3A_17 = arith.constant 8 : i32
    %scan3A_18 = arith.constant 0 : i32
    %scan3A_19 = arith.constant 0 : i32
    %scan3A_20 = arith.constant 8 : i32
    %scan3A_21 = arith.addi %scan3A_19, %scan3A_20 : i32
    %scan3A_22 = arith.constant 1 : i32
    %scan3A_23 = scf.for %scan3A_124 = %scan3A_19 to %scan3A_21 step %scan3A_22 iter_args(%scan3A_125 = %scan3A_18) -> (i32)  : i32 {
      %add3A_126 = arith.constant 16 : i32
      %add3A_127 = arith.addi %add3A_126, %scan3A_124 : i32
      %mul3A_128 = arith.constant 16 : i32
      %mul3A_129 = arith.muli %mul3A_128, %add3A_127 : i32
      %get3A = arith.index_cast %mul3A_129 : i32 to index
      %get3A_130 = tpu.vector_load %arg8[%get3A] {strides = array<i32>} : memref<512xi32, #tpu.memory_space<vmem>>, vector<16xi32>,
      %mul3A_131 = arith.constant 1024 : i32
      %mul3A_132 = vector.broadcast %mul3A_131 : i32 to vector<16xi32>
      %mul3A_133 = arith.muli %get3A_130, %mul3A_132 : vector<16xi32>
      %add3A_134 = arith.addi %mul3A_4, %add3A_127 : i32
      %add3A_135 = vector.broadcast %add3A_134 : i32 to vector<16xi32>
      %add3A_136 = arith.addi %mul3A_133, %add3A_135 : vector<16xi32>
      %mul3A_137 = arith.constant 16 : i32
      %mul3A_138 = arith.muli %mul3A_137, %scan3A_124 : i32
      %swap3A = arith.constant 2 : i32
      %swap3A_139 = arith.index_cast %swap3A : i32 to index
      %swap3A_140 = arith.index_cast %mul3A_138 : i32 to index
      %swap3A_141 = tpu.vector_load %arg10[%swap3A_139, %swap3A_140] {strides = array<i32>} : memref<4x128xi32, #tpu.memory_space<vmem>>, vector<16xi32>,
      tpu.vector_store %arg10[%swap3A_139, %swap3A_140], %add3A_136 {strides = array<i32>} : memref<4x128xi32, #tpu.memory_space<vmem>>, vector<16xi32>,
      %scan3A_142 = arith.constant 0 : i32
      scf.yield %scan3A_142 : i32
    }
    %scan3A_24 = arith.constant 8 : i32
    %scan3A_25 = arith.constant 0 : i32
    %scan3A_26 = arith.constant 0 : i32
    %scan3A_27 = arith.constant 8 : i32
    %scan3A_28 = arith.addi %scan3A_26, %scan3A_27 : i32
    %scan3A_29 = arith.constant 1 : i32
    %scan3A_30 = scf.for %scan3A_124 = %scan3A_26 to %scan3A_28 step %scan3A_29 iter_args(%scan3A_125 = %scan3A_25) -> (i32)  : i32 {
      %add3A_126 = arith.constant 24 : i32
      %add3A_127 = arith.addi %add3A_126, %scan3A_124 : i32
      %mul3A_128 = arith.constant 16 : i32
      %mul3A_129 = arith.muli %mul3A_128, %add3A_127 : i32
      %get3A = arith.index_cast %mul3A_129 : i32 to index
      %get3A_130 = tpu.vector_load %arg8[%get3A] {strides = array<i32>} : memref<512xi32, #tpu.memory_space<vmem>>, vector<16xi32>,
      %mul3A_131 = arith.constant 1024 : i32
      %mul3A_132 = vector.broadcast %mul3A_131 : i32 to vector<16xi32>
      %mul3A_133 = arith.muli %get3A_130, %mul3A_132 : vector<16xi32>
      %add3A_134 = arith.addi %mul3A_4, %add3A_127 : i32
      %add3A_135 = vector.broadcast %add3A_134 : i32 to vector<16xi32>
      %add3A_136 = arith.addi %mul3A_133, %add3A_135 : vector<16xi32>
      %mul3A_137 = arith.constant 16 : i32
      %mul3A_138 = arith.muli %mul3A_137, %scan3A_124 : i32
      %swap3A = arith.constant 3 : i32
      %swap3A_139 = arith.index_cast %swap3A : i32 to index
      %swap3A_140 = arith.index_cast %mul3A_138 : i32 to index
      %swap3A_141 = tpu.vector_load %arg10[%swap3A_139, %swap3A_140] {strides = array<i32>} : memref<4x128xi32, #tpu.memory_space<vmem>>, vector<16xi32>,
      tpu.vector_store %arg10[%swap3A_139, %swap3A_140], %add3A_136 {strides = array<i32>} : memref<4x128xi32, #tpu.memory_space<vmem>>, vector<16xi32>,
      %scan3A_142 = arith.constant 0 : i32
      scf.yield %scan3A_142 : i32
    }
    %scan3A_31 = arith.constant 8 : i32
    %dma_start3A = arith.constant 0 : i32
    %dma_start3A_32 = arith.constant 0 : i32
    %dma_start3A_33 = tpu.memref_slice %arg10[%dma_start3A, %dma_start3A_32] : memref<4x128xi32, #tpu.memory_space<vmem>> -> memref<1x128xi32, #tpu.memory_space<vmem>>
    %dma_start3A_34 = tpu.memref_squeeze %dma_start3A_33 : memref<1x128xi32, #tpu.memory_space<vmem>> -> memref<128xi32, #tpu.memory_space<vmem>>
    %dma_start3A_35 = arith.constant 0 : i32
    %dma_start3A_36 = arith.constant 0 : i32
    %dma_start3A_37 = tpu.memref_slice %arg2[%dma_start3A_35, %dma_start3A_36] : memref<65536x128xf32, #tpu.memory_space<hbm>> -> memref<65536x128xf32, #tpu.memory_space<hbm>>
    tpu.enqueue_indirect_dma source(%dma_start3A_37 : memref<65536x128xf32, #tpu.memory_space<hbm>>) target(%arg11 : memref<128x128xf32, #tpu.memory_space<vmem>>) offsets(%dma_start3A_34 : memref<128xi32, #tpu.memory_space<vmem>>) semaphore(%arg16 : memref<!tpu.dma_semaphore, #tpu.memory_space<semaphore_mem>>)
    %dma_wait3A = arith.constant 0 : i32
    %dma_wait3A_38 = arith.constant 0 : i32
    %dma_wait3A_39 = tpu.memref_slice %arg10[%dma_wait3A, %dma_wait3A_38] : memref<4x128xi32, #tpu.memory_space<vmem>> -> memref<1x128xi32, #tpu.memory_space<vmem>>
    %dma_wait3A_40 = tpu.memref_squeeze %dma_wait3A_39 : memref<1x128xi32, #tpu.memory_space<vmem>> -> memref<128xi32, #tpu.memory_space<vmem>>
    %dma_wait3A_41 = arith.constant 0 : i32
    %dma_wait3A_42 = arith.constant 0 : i32
    %dma_wait3A_43 = tpu.memref_slice %arg2[%dma_wait3A_41, %dma_wait3A_42] : memref<65536x128xf32, #tpu.memory_space<hbm>> -> memref<65536x128xf32, #tpu.memory_space<hbm>>
    tpu.wait_indirect_dma semaphore(%arg16 : memref<!tpu.dma_semaphore, #tpu.memory_space<semaphore_mem>>) src(%dma_wait3A_43 : memref<65536x128xf32, #tpu.memory_space<hbm>>) dst(%arg11 : memref<128x128xf32, #tpu.memory_space<vmem>>)
    %scan3A_44 = arith.constant 0x7F800000 : f32
    %scan3A_45 = arith.constant 0 : i32
    %scan3A_46 = arith.constant 0 : i32
    %scan3A_47 = arith.constant 8 : i32
    %scan3A_48 = arith.addi %scan3A_46, %scan3A_47 : i32
    %scan3A_49 = arith.constant 1 : i32
    %scan3A_50 = scf.for %scan3A_124 = %scan3A_46 to %scan3A_48 step %scan3A_49 iter_args(%scan3A_125 = %scan3A_45) -> (i32)  : i32 {
      %add3A_126 = arith.constant 0 : i32
      %add3A_127 = arith.addi %add3A_126, %scan3A_124 : i32
      %mul3A_128 = arith.constant 16 : i32
      %mul3A_129 = arith.muli %mul3A_128, %add3A_127 : i32
      %get3A = arith.index_cast %mul3A_129 : i32 to index
      %get3A_130 = tpu.vector_load %arg9[%get3A] {strides = array<i32>} : memref<512xf32, #tpu.memory_space<vmem>>, vector<16xf32>,
      %mul3A_131 = arith.constant 16 : i32
      %mul3A_132 = arith.muli %mul3A_131, %add3A_127 : i32
      %get3A_133 = arith.index_cast %mul3A_132 : i32 to index
      %get3A_134 = tpu.vector_load %arg8[%get3A_133] {strides = array<i32>} : memref<512xi32, #tpu.memory_space<vmem>>, vector<16xi32>,
      %mul3A_135 = arith.constant 136 : i32
      %mul3A_136 = vector.broadcast %mul3A_135 : i32 to vector<16xi32>
      %mul3A_137 = arith.muli %iota3A, %mul3A_136 : vector<16xi32>
      %broadcast_in_dim3A = arith.constant 0 : i32
      %broadcast_in_dim3A_138 = vector.broadcast %broadcast_in_dim3A : i32 to vector<16xi32>
      %scan3A_139 = arith.constant 0 : i32
      %scan3A_140 = arith.constant 16 : i32
      %scan3A_141 = arith.addi %scan3A_139, %scan3A_140 : i32
      %scan3A_142 = arith.constant 1 : i32
      %scan3A_143 = scf.for %scan3A_169 = %scan3A_139 to %scan3A_141 step %scan3A_142 iter_args(%scan3A_170 = %broadcast_in_dim3A_138) -> (vector<16xi32>)  : i32 {
        %broadcast_in_dim3A_171 = vector.broadcast %scan3A_169 : i32 to vector<16xi32>
        %broadcast_in_dim3A_172 = vector.shape_cast %broadcast_in_dim3A_171 : vector<16xi32> to vector<16x1xi32>
        %gather3A = vector.shape_cast %broadcast_in_dim3A_172 : vector<16x1xi32> to vector<16xi32>
        %gather3A_173 = tpu.dynamic_gather %get3A_134[%gather3A] in [0] : vector<16xi32>, vector<16xi32> -> vector<16xi32>
        %mul3A_174 = arith.constant 128 : i32
        %mul3A_175 = vector.broadcast %mul3A_174 : i32 to vector<16xi32>
        %mul3A_176 = arith.muli %gather3A_173, %mul3A_175 : vector<16xi32>
        %mul3A_177 = arith.constant 16 : i32
        %mul3A_178 = arith.muli %scan3A_124, %mul3A_177 : i32
        %add3A_179 = arith.addi %mul3A_178, %scan3A_169 : i32
        %get3A_180 = arith.index_cast %add3A_179 : i32 to index
        %get3A_181 = arith.constant 0 : index
        %get3A_182 = tpu.vector_load %arg11[%get3A_180, %get3A_181] {strides = array<i32>} : memref<128x128xf32, #tpu.memory_space<vmem>>, vector<16xf32>,
        %le3A = arith.cmpf ole, %get3A_182, %get3A_130 : vector<16xf32>
        %add3A_183 = arith.addi %mul3A_137, %scan3A_170 : vector<16xi32>
        %add3A_184 = arith.constant 0 : i32
        %add3A_185 = vector.broadcast %add3A_184 : i32 to vector<16xi32>
        %add3A_186 = arith.addi %add3A_185, %iota3A : vector<16xi32>
        %add3A_187 = arith.addi %mul3A_176, %add3A_186 : vector<16xi32>
        tpu.vector_store_idx %arg12[%add3A_183], %get3A_182 masked %le3A : memref<2176xf32, #tpu.memory_space<vmem>>[vector<16xi32>], vector<16xf32>, vector<16xi1>
        tpu.vector_store_idx %arg13[%add3A_183], %add3A_187 masked %le3A : memref<2176xi32, #tpu.memory_space<vmem>>[vector<16xi32>], vector<16xi32>, vector<16xi1>
        %jit3A = arith.constant 1 : i32
        %jit3A_188 = arith.constant 0 : i32
        %broadcast_in_dim3A_189 = vector.broadcast %jit3A : i32 to vector<16xi32>
        %broadcast_in_dim3A_190 = vector.broadcast %jit3A_188 : i32 to vector<16xi32>
        %select_n3A = arith.select %le3A, %broadcast_in_dim3A_189, %broadcast_in_dim3A_190 : vector<16xi1>, vector<16xi32>
        %add3A_191 = arith.addi %scan3A_170, %select_n3A : vector<16xi32>
        %get3A_192 = arith.index_cast %add3A_179 : i32 to index
        %get3A_193 = arith.constant 16 : index
        %get3A_194 = tpu.vector_load %arg11[%get3A_192, %get3A_193] {strides = array<i32>} : memref<128x128xf32, #tpu.memory_space<vmem>>, vector<16xf32>,
        %le3A_195 = arith.cmpf ole, %get3A_194, %get3A_130 : vector<16xf32>
        %add3A_196 = arith.addi %mul3A_137, %add3A_191 : vector<16xi32>
        %add3A_197 = arith.constant 16 : i32
        %add3A_198 = vector.broadcast %add3A_197 : i32 to vector<16xi32>
        %add3A_199 = arith.addi %add3A_198, %iota3A : vector<16xi32>
        %add3A_200 = arith.addi %mul3A_176, %add3A_199 : vector<16xi32>
        tpu.vector_store_idx %arg12[%add3A_196], %get3A_194 masked %le3A_195 : memref<2176xf32, #tpu.memory_space<vmem>>[vector<16xi32>], vector<16xf32>, vector<16xi1>
        tpu.vector_store_idx %arg13[%add3A_196], %add3A_200 masked %le3A_195 : memref<2176xi32, #tpu.memory_space<vmem>>[vector<16xi32>], vector<16xi32>, vector<16xi1>
        %jit3A_201 = arith.constant 1 : i32
        %jit3A_202 = arith.constant 0 : i32
        %broadcast_in_dim3A_203 = vector.broadcast %jit3A_201 : i32 to vector<16xi32>
        %broadcast_in_dim3A_204 = vector.broadcast %jit3A_202 : i32 to vector<16xi32>
        %select_n3A_205 = arith.select %le3A_195, %broadcast_in_dim3A_203, %broadcast_in_dim3A_204 : vector<16xi1>, vector<16xi32>
        %add3A_206 = arith.addi %add3A_191, %select_n3A_205 : vector<16xi32>
        %get3A_207 = arith.index_cast %add3A_179 : i32 to index
        %get3A_208 = arith.constant 32 : index
        %get3A_209 = tpu.vector_load %arg11[%get3A_207, %get3A_208] {strides = array<i32>} : memref<128x128xf32, #tpu.memory_space<vmem>>, vector<16xf32>,
        %le3A_210 = arith.cmpf ole, %get3A_209, %get3A_130 : vector<16xf32>
        %add3A_211 = arith.addi %mul3A_137, %add3A_206 : vector<16xi32>
        %add3A_212 = arith.constant 32 : i32
        %add3A_213 = vector.broadcast %add3A_212 : i32 to vector<16xi32>
        %add3A_214 = arith.addi %add3A_213, %iota3A : vector<16xi32>
        %add3A_215 = arith.addi %mul3A_176, %add3A_214 : vector<16xi32>
        tpu.vector_store_idx %arg12[%add3A_211], %get3A_209 masked %le3A_210 : memref<2176xf32, #tpu.memory_space<vmem>>[vector<16xi32>], vector<16xf32>, vector<16xi1>
        tpu.vector_store_idx %arg13[%add3A_211], %add3A_215 masked %le3A_210 : memref<2176xi32, #tpu.memory_space<vmem>>[vector<16xi32>], vector<16xi32>, vector<16xi1>
        %jit3A_216 = arith.constant 1 : i32
        %jit3A_217 = arith.constant 0 : i32
        %broadcast_in_dim3A_218 = vector.broadcast %jit3A_216 : i32 to vector<16xi32>
        %broadcast_in_dim3A_219 = vector.broadcast %jit3A_217 : i32 to vector<16xi32>
        %select_n3A_220 = arith.select %le3A_210, %broadcast_in_dim3A_218, %broadcast_in_dim3A_219 : vector<16xi1>, vector<16xi32>
        %add3A_221 = arith.addi %add3A_206, %select_n3A_220 : vector<16xi32>
        %get3A_222 = arith.index_cast %add3A_179 : i32 to index
        %get3A_223 = arith.constant 48 : index
        %get3A_224 = tpu.vector_load %arg11[%get3A_222, %get3A_223] {strides = array<i32>} : memref<128x128xf32, #tpu.memory_space<vmem>>, vector<16xf32>,
        %le3A_225 = arith.cmpf ole, %get3A_224, %get3A_130 : vector<16xf32>
        %add3A_226 = arith.addi %mul3A_137, %add3A_221 : vector<16xi32>
        %add3A_227 = arith.constant 48 : i32
        %add3A_228 = vector.broadcast %add3A_227 : i32 to vector<16xi32>
        %add3A_229 = arith.addi %add3A_228, %iota3A : vector<16xi32>
        %add3A_230 = arith.addi %mul3A_176, %add3A_229 : vector<16xi32>
        tpu.vector_store_idx %arg12[%add3A_226], %get3A_224 masked %le3A_225 : memref<2176xf32, #tpu.memory_space<vmem>>[vector<16xi32>], vector<16xf32>, vector<16xi1>
        tpu.vector_store_idx %arg13[%add3A_226], %add3A_230 masked %le3A_225 : memref<2176xi32, #tpu.memory_space<vmem>>[vector<16xi32>], vector<16xi32>, vector<16xi1>
        %jit3A_231 = arith.constant 1 : i32
        %jit3A_232 = arith.constant 0 : i32
        %broadcast_in_dim3A_233 = vector.broadcast %jit3A_231 : i32 to vector<16xi32>
        %broadcast_in_dim3A_234 = vector.broadcast %jit3A_232 : i32 to vector<16xi32>
        %select_n3A_235 = arith.select %le3A_225, %broadcast_in_dim3A_233, %broadcast_in_dim3A_234 : vector<16xi1>, vector<16xi32>
        %add3A_236 = arith.addi %add3A_221, %select_n3A_235 : vector<16xi32>
        %get3A_237 = arith.index_cast %add3A_179 : i32 to index
        %get3A_238 = arith.constant 64 : index
        %get3A_239 = tpu.vector_load %arg11[%get3A_237, %get3A_238] {strides = array<i32>} : memref<128x128xf32, #tpu.memory_space<vmem>>, vector<16xf32>,
        %le3A_240 = arith.cmpf ole, %get3A_239, %get3A_130 : vector<16xf32>
        %add3A_241 = arith.addi %mul3A_137, %add3A_236 : vector<16xi32>
        %add3A_242 = arith.constant 64 : i32
        %add3A_243 = vector.broadcast %add3A_242 : i32 to vector<16xi32>
        %add3A_244 = arith.addi %add3A_243, %iota3A : vector<16xi32>
        %add3A_245 = arith.addi %mul3A_176, %add3A_244 : vector<16xi32>
        tpu.vector_store_idx %arg12[%add3A_241], %get3A_239 masked %le3A_240 : memref<2176xf32, #tpu.memory_space<vmem>>[vector<16xi32>], vector<16xf32>, vector<16xi1>
        tpu.vector_store_idx %arg13[%add3A_241], %add3A_245 masked %le3A_240 : memref<2176xi32, #tpu.memory_space<vmem>>[vector<16xi32>], vector<16xi32>, vector<16xi1>
        %jit3A_246 = arith.constant 1 : i32
        %jit3A_247 = arith.constant 0 : i32
        %broadcast_in_dim3A_248 = vector.broadcast %jit3A_246 : i32 to vector<16xi32>
        %broadcast_in_dim3A_249 = vector.broadcast %jit3A_247 : i32 to vector<16xi32>
        %select_n3A_250 = arith.select %le3A_240, %broadcast_in_dim3A_248, %broadcast_in_dim3A_249 : vector<16xi1>, vector<16xi32>
        %add3A_251 = arith.addi %add3A_236, %select_n3A_250 : vector<16xi32>
        %get3A_252 = arith.index_cast %add3A_179 : i32 to index
        %get3A_253 = arith.constant 80 : index
        %get3A_254 = tpu.vector_load %arg11[%get3A_252, %get3A_253] {strides = array<i32>} : memref<128x128xf32, #tpu.memory_space<vmem>>, vector<16xf32>,
        %le3A_255 = arith.cmpf ole, %get3A_254, %get3A_130 : vector<16xf32>
        %add3A_256 = arith.addi %mul3A_137, %add3A_251 : vector<16xi32>
        %add3A_257 = arith.constant 80 : i32
        %add3A_258 = vector.broadcast %add3A_257 : i32 to vector<16xi32>
        %add3A_259 = arith.addi %add3A_258, %iota3A : vector<16xi32>
        %add3A_260 = arith.addi %mul3A_176, %add3A_259 : vector<16xi32>
        tpu.vector_store_idx %arg12[%add3A_256], %get3A_254 masked %le3A_255 : memref<2176xf32, #tpu.memory_space<vmem>>[vector<16xi32>], vector<16xf32>, vector<16xi1>
        tpu.vector_store_idx %arg13[%add3A_256], %add3A_260 masked %le3A_255 : memref<2176xi32, #tpu.memory_space<vmem>>[vector<16xi32>], vector<16xi32>, vector<16xi1>
        %jit3A_261 = arith.constant 1 : i32
        %jit3A_262 = arith.constant 0 : i32
        %broadcast_in_dim3A_263 = vector.broadcast %jit3A_261 : i32 to vector<16xi32>
        %broadcast_in_dim3A_264 = vector.broadcast %jit3A_262 : i32 to vector<16xi32>
        %select_n3A_265 = arith.select %le3A_255, %broadcast_in_dim3A_263, %broadcast_in_dim3A_264 : vector<16xi1>, vector<16xi32>
        %add3A_266 = arith.addi %add3A_251, %select_n3A_265 : vector<16xi32>
        %get3A_267 = arith.index_cast %add3A_179 : i32 to index
        %get3A_268 = arith.constant 96 : index
        %get3A_269 = tpu.vector_load %arg11[%get3A_267, %get3A_268] {strides = array<i32>} : memref<128x128xf32, #tpu.memory_space<vmem>>, vector<16xf32>,
        %le3A_270 = arith.cmpf ole, %get3A_269, %get3A_130 : vector<16xf32>
        %add3A_271 = arith.addi %mul3A_137, %add3A_266 : vector<16xi32>
        %add3A_272 = arith.constant 96 : i32
        %add3A_273 = vector.broadcast %add3A_272 : i32 to vector<16xi32>
        %add3A_274 = arith.addi %add3A_273, %iota3A : vector<16xi32>
        %add3A_275 = arith.addi %mul3A_176, %add3A_274 : vector<16xi32>
        tpu.vector_store_idx %arg12[%add3A_271], %get3A_269 masked %le3A_270 : memref<2176xf32, #tpu.memory_space<vmem>>[vector<16xi32>], vector<16xf32>, vector<16xi1>
        tpu.vector_store_idx %arg13[%add3A_271], %add3A_275 masked %le3A_270 : memref<2176xi32, #tpu.memory_space<vmem>>[vector<16xi32>], vector<16xi32>, vector<16xi1>
        %jit3A_276 = arith.constant 1 : i32
        %jit3A_277 = arith.constant 0 : i32
        %broadcast_in_dim3A_278 = vector.broadcast %jit3A_276 : i32 to vector<16xi32>
        %broadcast_in_dim3A_279 = vector.broadcast %jit3A_277 : i32 to vector<16xi32>
        %select_n3A_280 = arith.select %le3A_270, %broadcast_in_dim3A_278, %broadcast_in_dim3A_279 : vector<16xi1>, vector<16xi32>
        %add3A_281 = arith.addi %add3A_266, %select_n3A_280 : vector<16xi32>
        %get3A_282 = arith.index_cast %add3A_179 : i32 to index
        %get3A_283 = arith.constant 112 : index
        %get3A_284 = tpu.vector_load %arg11[%get3A_282, %get3A_283] {strides = array<i32>} : memref<128x128xf32, #tpu.memory_space<vmem>>, vector<16xf32>,
        %le3A_285 = arith.cmpf ole, %get3A_284, %get3A_130 : vector<16xf32>
        %add3A_286 = arith.addi %mul3A_137, %add3A_281 : vector<16xi32>
        %add3A_287 = arith.constant 112 : i32
        %add3A_288 = vector.broadcast %add3A_287 : i32 to vector<16xi32>
        %add3A_289 = arith.addi %add3A_288, %iota3A : vector<16xi32>
        %add3A_290 = arith.addi %mul3A_176, %add3A_289 : vector<16xi32>
        tpu.vector_store_idx %arg12[%add3A_286], %get3A_284 masked %le3A_285 : memref<2176xf32, #tpu.memory_space<vmem>>[vector<16xi32>], vector<16xf32>, vector<16xi1>
        tpu.vector_store_idx %arg13[%add3A_286], %add3A_290 masked %le3A_285 : memref<2176xi32, #tpu.memory_space<vmem>>[vector<16xi32>], vector<16xi32>, vector<16xi1>
        %jit3A_291 = arith.constant 1 : i32
        %jit3A_292 = arith.constant 0 : i32
        %broadcast_in_dim3A_293 = vector.broadcast %jit3A_291 : i32 to vector<16xi32>
        %broadcast_in_dim3A_294 = vector.broadcast %jit3A_292 : i32 to vector<16xi32>
        %select_n3A_295 = arith.select %le3A_285, %broadcast_in_dim3A_293, %broadcast_in_dim3A_294 : vector<16xi1>, vector<16xi32>
        %add3A_296 = arith.addi %add3A_281, %select_n3A_295 : vector<16xi32>
        scf.yield %add3A_296 : vector<16xi32>
      }
      %scan3A_144 = arith.constant 16 : i32
      %reduce_max3A = arith.constant true
      %reduce_max3A_145 = vector.broadcast %reduce_max3A : i1 to vector<16xi1>
      %reduce_max3A_146 = arith.constant -2147483648 : i32
      %reduce_max3A_147 = vector.broadcast %reduce_max3A_146 : i32 to vector<16xi32>
      %reduce_max3A_148 = arith.xori %scan3A_143, %reduce_max3A_147 : vector<16xi32>
      %reduce_max3A_149 = tpu.scan <max>, %reduce_max3A_148 masked %reduce_max3A_145 : vector<16xi32>, vector<16xi1> -> vector<16xi32>
      %reduce_max3A_150 = arith.xori %reduce_max3A_149, %reduce_max3A_147 : vector<16xi32>
      %reduce_max3A_151 = vector.extract %reduce_max3A_150[15] : i32 from vector<16xi32>
      %broadcast_in_dim3A_152 = vector.broadcast %scan3A_44 : f32 to vector<16xf32>
      %broadcast_in_dim3A_153 = arith.constant 0 : i32
      %broadcast_in_dim3A_154 = vector.broadcast %broadcast_in_dim3A_153 : i32 to vector<16xi32>
      %while3A = arith.constant 0 : i32
      %while3A_155 = arith.subi %reduce_max3A_151, %while3A : i32
      %while3A_156 = arith.addi %while3A, %while3A_155 : i32
      %while3A_157 = arith.constant 1 : i32
      %while3A_158 = arith.divsi %while3A_155, %while3A_157 : i32
      %while3A_159 = arith.muli %while3A_158, %while3A_157 : i32
      %while3A_160 = arith.addi %while3A, %while3A_159 : i32
      %while3A_161 = arith.constant 1 : i32
      %while3A_162:2 = scf.for %while3A_169 = %while3A to %while3A_160 step %while3A_161 iter_args(%while3A_170 = %broadcast_in_dim3A_152, %while3A_171 = %broadcast_in_dim3A_154) -> (vector<16xf32>, vector<16xi32>)  : i32 {
        %add3A_172 = vector.broadcast %while3A_169 : i32 to vector<16xi32>
        %add3A_173 = arith.addi %mul3A_137, %add3A_172 : vector<16xi32>
        %gather3A = tpu.vector_load_idx %arg12[%add3A_173] : memref<2176xf32, #tpu.memory_space<vmem>>[vector<16xi32>], vector<16xf32>,
        %gather3A_174 = tpu.vector_load_idx %arg13[%add3A_173] : memref<2176xi32, #tpu.memory_space<vmem>>[vector<16xi32>], vector<16xi32>,
        %lt3A = vector.broadcast %while3A_169 : i32 to vector<16xi32>
        %lt3A_175 = arith.cmpi slt, %lt3A, %scan3A_143 : vector<16xi32>
        %broadcast_in_dim3A_176 = vector.broadcast %scan3A_44 : f32 to vector<16xf32>
        %select_n3A = arith.select %lt3A_175, %gather3A, %broadcast_in_dim3A_176 : vector<16xi1>, vector<16xf32>
        %masked_sort3A = arith.constant dense<true> : vector<16xi1>
        %masked_sort3A_177, %masked_sort3A_178, %masked_sort3A_179 = tpu.sort %select_n3A, %gather3A_174 masked %masked_sort3A : (vector<16xf32>, vector<16xi32>, vector<16xi1>) -> (vector<16xi1>, vector<16xf32>, vector<16xi32>)
        %rev3A = arith.constant 15 : i32
        %rev3A_180 = vector.broadcast %rev3A : i32 to vector<16xi32>
        %rev3A_181 = tpu.iota {dimensions = array<i32: 0>} : vector<16xi32>
        %rev3A_182 = arith.subi %rev3A_180, %rev3A_181 : vector<16xi32>
        %rev3A_183 = tpu.dynamic_gather %masked_sort3A_178[%rev3A_182] in [0] : vector<16xf32>, vector<16xi32> -> vector<16xf32>
        %rev3A_184 = arith.constant 15 : i32
        %rev3A_185 = vector.broadcast %rev3A_184 : i32 to vector<16xi32>
        %rev3A_186 = tpu.iota {dimensions = array<i32: 0>} : vector<16xi32>
        %rev3A_187 = arith.subi %rev3A_185, %rev3A_186 : vector<16xi32>
        %rev3A_188 = tpu.dynamic_gather %masked_sort3A_179[%rev3A_187] in [0] : vector<16xi32>, vector<16xi32> -> vector<16xi32>
        %le3A = arith.cmpf ole, %while3A_170, %rev3A_183 : vector<16xf32>
        %select_n3A_189 = arith.select %le3A, %while3A_170, %rev3A_183 : vector<16xi1>, vector<16xf32>
        %select_n3A_190 = arith.select %le3A, %while3A_171, %rev3A_188 : vector<16xi1>, vector<16xi32>
        %masked_sort3A_191 = arith.constant dense<true> : vector<16xi1>
        %masked_sort3A_192, %masked_sort3A_193, %masked_sort3A_194 = tpu.sort %select_n3A_189, %select_n3A_190 masked %masked_sort3A_191 : (vector<16xf32>, vector<16xi32>, vector<16xi1>) -> (vector<16xi1>, vector<16xf32>, vector<16xi32>)
        scf.yield %masked_sort3A_193, %masked_sort3A_194 : vector<16xf32>, vector<16xi32>
      }
      %while3A_163 = arith.constant 1 : i32
      %while3A_164:2 = scf.for %while3A_169 = %while3A_160 to %while3A_156 step %while3A_163 iter_args(%while3A_170 = %while3A_162#0, %while3A_171 = %while3A_162#1) -> (vector<16xf32>, vector<16xi32>)  : i32 {
        %add3A_172 = vector.broadcast %while3A_169 : i32 to vector<16xi32>
        %add3A_173 = arith.addi %mul3A_137, %add3A_172 : vector<16xi32>
        %gather3A = tpu.vector_load_idx %arg12[%add3A_173] : memref<2176xf32, #tpu.memory_space<vmem>>[vector<16xi32>], vector<16xf32>,
        %gather3A_174 = tpu.vector_load_idx %arg13[%add3A_173] : memref<2176xi32, #tpu.memory_space<vmem>>[vector<16xi32>], vector<16xi32>,
        %lt3A = vector.broadcast %while3A_169 : i32 to vector<16xi32>
        %lt3A_175 = arith.cmpi slt, %lt3A, %scan3A_143 : vector<16xi32>
        %broadcast_in_dim3A_176 = vector.broadcast %scan3A_44 : f32 to vector<16xf32>
        %select_n3A = arith.select %lt3A_175, %gather3A, %broadcast_in_dim3A_176 : vector<16xi1>, vector<16xf32>
        %masked_sort3A = arith.constant dense<true> : vector<16xi1>
        %masked_sort3A_177, %masked_sort3A_178, %masked_sort3A_179 = tpu.sort %select_n3A, %gather3A_174 masked %masked_sort3A : (vector<16xf32>, vector<16xi32>, vector<16xi1>) -> (vector<16xi1>, vector<16xf32>, vector<16xi32>)
        %rev3A = arith.constant 15 : i32
        %rev3A_180 = vector.broadcast %rev3A : i32 to vector<16xi32>
        %rev3A_181 = tpu.iota {dimensions = array<i32: 0>} : vector<16xi32>
        %rev3A_182 = arith.subi %rev3A_180, %rev3A_181 : vector<16xi32>
        %rev3A_183 = tpu.dynamic_gather %masked_sort3A_178[%rev3A_182] in [0] : vector<16xf32>, vector<16xi32> -> vector<16xf32>
        %rev3A_184 = arith.constant 15 : i32
        %rev3A_185 = vector.broadcast %rev3A_184 : i32 to vector<16xi32>
        %rev3A_186 = tpu.iota {dimensions = array<i32: 0>} : vector<16xi32>
        %rev3A_187 = arith.subi %rev3A_185, %rev3A_186 : vector<16xi32>
        %rev3A_188 = tpu.dynamic_gather %masked_sort3A_179[%rev3A_187] in [0] : vector<16xi32>, vector<16xi32> -> vector<16xi32>
        %le3A = arith.cmpf ole, %while3A_170, %rev3A_183 : vector<16xf32>
        %select_n3A_189 = arith.select %le3A, %while3A_170, %rev3A_183 : vector<16xi1>, vector<16xf32>
        %select_n3A_190 = arith.select %le3A, %while3A_171, %rev3A_188 : vector<16xi1>, vector<16xi32>
        %masked_sort3A_191 = arith.constant dense<true> : vector<16xi1>
        %masked_sort3A_192, %masked_sort3A_193, %masked_sort3A_194 = tpu.sort %select_n3A_189, %select_n3A_190 masked %masked_sort3A_191 : (vector<16xf32>, vector<16xi32>, vector<16xi1>) -> (vector<16xi1>, vector<16xf32>, vector<16xi32>)
        scf.yield %masked_sort3A_193, %masked_sort3A_194 : vector<16xf32>, vector<16xi32>
      }
      %mul3A_165 = arith.constant 16 : i32
      %mul3A_166 = arith.muli %mul3A_165, %add3A_127 : i32
      %swap3A = arith.index_cast %mul3A_166 : i32 to index
      %swap3A_167 = tpu.vector_load %arg14[%swap3A] {strides = array<i32>} : memref<512xi32, #tpu.memory_space<vmem>>, vector<16xi32>,
      tpu.vector_store %arg14[%swap3A], %while3A_164#1 {strides = array<i32>} : memref<512xi32, #tpu.memory_space<vmem>>, vector<16xi32>,
      %scan3A_168 = arith.constant 0 : i32
      scf.yield %scan3A_168 : i32
    }
    %scan3A_51 = arith.constant 8 : i32
    %dma_start3A_52 = arith.constant 1 : i32
    %dma_start3A_53 = arith.constant 0 : i32
    %dma_start3A_54 = tpu.memref_slice %arg10[%dma_start3A_52, %dma_start3A_53] : memref<4x128xi32, #tpu.memory_space<vmem>> -> memref<1x128xi32, #tpu.memory_space<vmem>>
    %dma_start3A_55 = tpu.memref_squeeze %dma_start3A_54 : memref<1x128xi32, #tpu.memory_space<vmem>> -> memref<128xi32, #tpu.memory_space<vmem>>
    %dma_start3A_56 = arith.constant 0 : i32
    %dma_start3A_57 = arith.constant 0 : i32
    %dma_start3A_58 = tpu.memref_slice %arg2[%dma_start3A_56, %dma_start3A_57] : memref<65536x128xf32, #tpu.memory_space<hbm>> -> memref<65536x128xf32, #tpu.memory_space<hbm>>
    tpu.enqueue_indirect_dma source(%dma_start3A_58 : memref<65536x128xf32, #tpu.memory_space<hbm>>) target(%arg11 : memref<128x128xf32, #tpu.memory_space<vmem>>) offsets(%dma_start3A_55 : memref<128xi32, #tpu.memory_space<vmem>>) semaphore(%arg16 : memref<!tpu.dma_semaphore, #tpu.memory_space<semaphore_mem>>)
    %dma_wait3A_59 = arith.constant 1 : i32
    %dma_wait3A_60 = arith.constant 0 : i32
    %dma_wait3A_61 = tpu.memref_slice %arg10[%dma_wait3A_59, %dma_wait3A_60] : memref<4x128xi32, #tpu.memory_space<vmem>> -> memref<1x128xi32, #tpu.memory_space<vmem>>
    %dma_wait3A_62 = tpu.memref_squeeze %dma_wait3A_61 : memref<1x128xi32, #tpu.memory_space<vmem>> -> memref<128xi32, #tpu.memory_space<vmem>>
    %dma_wait3A_63 = arith.constant 0 : i32
    %dma_wait3A_64 = arith.constant 0 : i32
    %dma_wait3A_65 = tpu.memref_slice %arg2[%dma_wait3A_63, %dma_wait3A_64] : memref<65536x128xf32, #tpu.memory_space<hbm>> -> memref<65536x128xf32, #tpu.memory_space<hbm>>
    tpu.wait_indirect_dma semaphore(%arg16 : memref<!tpu.dma_semaphore, #tpu.memory_space<semaphore_mem>>) src(%dma_wait3A_65 : memref<65536x128xf32, #tpu.memory_space<hbm>>) dst(%arg11 : memref<128x128xf32, #tpu.memory_space<vmem>>)
    %scan3A_66 = arith.constant 0x7F800000 : f32
    %scan3A_67 = arith.constant 0 : i32
    %scan3A_68 = arith.constant 0 : i32
    %scan3A_69 = arith.constant 8 : i32
    %scan3A_70 = arith.addi %scan3A_68, %scan3A_69 : i32
    %scan3A_71 = arith.constant 1 : i32
    %scan3A_72 = scf.for %scan3A_124 = %scan3A_68 to %scan3A_70 step %scan3A_71 iter_args(%scan3A_125 = %scan3A_67) -> (i32)  : i32 {
      %add3A_126 = arith.constant 8 : i32
      %add3A_127 = arith.addi %add3A_126, %scan3A_124 : i32
      %mul3A_128 = arith.constant 16 : i32
      %mul3A_129 = arith.muli %mul3A_128, %add3A_127 : i32
      %get3A = arith.index_cast %mul3A_129 : i32 to index
      %get3A_130 = tpu.vector_load %arg9[%get3A] {strides = array<i32>} : memref<512xf32, #tpu.memory_space<vmem>>, vector<16xf32>,
      %mul3A_131 = arith.constant 16 : i32
      %mul3A_132 = arith.muli %mul3A_131, %add3A_127 : i32
      %get3A_133 = arith.index_cast %mul3A_132 : i32 to index
      %get3A_134 = tpu.vector_load %arg8[%get3A_133] {strides = array<i32>} : memref<512xi32, #tpu.memory_space<vmem>>, vector<16xi32>,
      %mul3A_135 = arith.constant 136 : i32
      %mul3A_136 = vector.broadcast %mul3A_135 : i32 to vector<16xi32>
      %mul3A_137 = arith.muli %iota3A, %mul3A_136 : vector<16xi32>
      %broadcast_in_dim3A = arith.constant 0 : i32
      %broadcast_in_dim3A_138 = vector.broadcast %broadcast_in_dim3A : i32 to vector<16xi32>
      %scan3A_139 = arith.constant 0 : i32
      %scan3A_140 = arith.constant 16 : i32
      %scan3A_141 = arith.addi %scan3A_139, %scan3A_140 : i32
      %scan3A_142 = arith.constant 1 : i32
      %scan3A_143 = scf.for %scan3A_169 = %scan3A_139 to %scan3A_141 step %scan3A_142 iter_args(%scan3A_170 = %broadcast_in_dim3A_138) -> (vector<16xi32>)  : i32 {
        %broadcast_in_dim3A_171 = vector.broadcast %scan3A_169 : i32 to vector<16xi32>
        %broadcast_in_dim3A_172 = vector.shape_cast %broadcast_in_dim3A_171 : vector<16xi32> to vector<16x1xi32>
        %gather3A = vector.shape_cast %broadcast_in_dim3A_172 : vector<16x1xi32> to vector<16xi32>
        %gather3A_173 = tpu.dynamic_gather %get3A_134[%gather3A] in [0] : vector<16xi32>, vector<16xi32> -> vector<16xi32>
        %mul3A_174 = arith.constant 128 : i32
        %mul3A_175 = vector.broadcast %mul3A_174 : i32 to vector<16xi32>
        %mul3A_176 = arith.muli %gather3A_173, %mul3A_175 : vector<16xi32>
        %mul3A_177 = arith.constant 16 : i32
        %mul3A_178 = arith.muli %scan3A_124, %mul3A_177 : i32
        %add3A_179 = arith.addi %mul3A_178, %scan3A_169 : i32
        %get3A_180 = arith.index_cast %add3A_179 : i32 to index
        %get3A_181 = arith.constant 0 : index
        %get3A_182 = tpu.vector_load %arg11[%get3A_180, %get3A_181] {strides = array<i32>} : memref<128x128xf32, #tpu.memory_space<vmem>>, vector<16xf32>,
        %le3A = arith.cmpf ole, %get3A_182, %get3A_130 : vector<16xf32>
        %add3A_183 = arith.addi %mul3A_137, %scan3A_170 : vector<16xi32>
        %add3A_184 = arith.constant 0 : i32
        %add3A_185 = vector.broadcast %add3A_184 : i32 to vector<16xi32>
        %add3A_186 = arith.addi %add3A_185, %iota3A : vector<16xi32>
        %add3A_187 = arith.addi %mul3A_176, %add3A_186 : vector<16xi32>
        tpu.vector_store_idx %arg12[%add3A_183], %get3A_182 masked %le3A : memref<2176xf32, #tpu.memory_space<vmem>>[vector<16xi32>], vector<16xf32>, vector<16xi1>
        tpu.vector_store_idx %arg13[%add3A_183], %add3A_187 masked %le3A : memref<2176xi32, #tpu.memory_space<vmem>>[vector<16xi32>], vector<16xi32>, vector<16xi1>
        %jit3A = arith.constant 1 : i32
        %jit3A_188 = arith.constant 0 : i32
        %broadcast_in_dim3A_189 = vector.broadcast %jit3A : i32 to vector<16xi32>
        %broadcast_in_dim3A_190 = vector.broadcast %jit3A_188 : i32 to vector<16xi32>
        %select_n3A = arith.select %le3A, %broadcast_in_dim3A_189, %broadcast_in_dim3A_190 : vector<16xi1>, vector<16xi32>
        %add3A_191 = arith.addi %scan3A_170, %select_n3A : vector<16xi32>
        %get3A_192 = arith.index_cast %add3A_179 : i32 to index
        %get3A_193 = arith.constant 16 : index
        %get3A_194 = tpu.vector_load %arg11[%get3A_192, %get3A_193] {strides = array<i32>} : memref<128x128xf32, #tpu.memory_space<vmem>>, vector<16xf32>,
        %le3A_195 = arith.cmpf ole, %get3A_194, %get3A_130 : vector<16xf32>
        %add3A_196 = arith.addi %mul3A_137, %add3A_191 : vector<16xi32>
        %add3A_197 = arith.constant 16 : i32
        %add3A_198 = vector.broadcast %add3A_197 : i32 to vector<16xi32>
        %add3A_199 = arith.addi %add3A_198, %iota3A : vector<16xi32>
        %add3A_200 = arith.addi %mul3A_176, %add3A_199 : vector<16xi32>
        tpu.vector_store_idx %arg12[%add3A_196], %get3A_194 masked %le3A_195 : memref<2176xf32, #tpu.memory_space<vmem>>[vector<16xi32>], vector<16xf32>, vector<16xi1>
        tpu.vector_store_idx %arg13[%add3A_196], %add3A_200 masked %le3A_195 : memref<2176xi32, #tpu.memory_space<vmem>>[vector<16xi32>], vector<16xi32>, vector<16xi1>
        %jit3A_201 = arith.constant 1 : i32
        %jit3A_202 = arith.constant 0 : i32
        %broadcast_in_dim3A_203 = vector.broadcast %jit3A_201 : i32 to vector<16xi32>
        %broadcast_in_dim3A_204 = vector.broadcast %jit3A_202 : i32 to vector<16xi32>
        %select_n3A_205 = arith.select %le3A_195, %broadcast_in_dim3A_203, %broadcast_in_dim3A_204 : vector<16xi1>, vector<16xi32>
        %add3A_206 = arith.addi %add3A_191, %select_n3A_205 : vector<16xi32>
        %get3A_207 = arith.index_cast %add3A_179 : i32 to index
        %get3A_208 = arith.constant 32 : index
        %get3A_209 = tpu.vector_load %arg11[%get3A_207, %get3A_208] {strides = array<i32>} : memref<128x128xf32, #tpu.memory_space<vmem>>, vector<16xf32>,
        %le3A_210 = arith.cmpf ole, %get3A_209, %get3A_130 : vector<16xf32>
        %add3A_211 = arith.addi %mul3A_137, %add3A_206 : vector<16xi32>
        %add3A_212 = arith.constant 32 : i32
        %add3A_213 = vector.broadcast %add3A_212 : i32 to vector<16xi32>
        %add3A_214 = arith.addi %add3A_213, %iota3A : vector<16xi32>
        %add3A_215 = arith.addi %mul3A_176, %add3A_214 : vector<16xi32>
        tpu.vector_store_idx %arg12[%add3A_211], %get3A_209 masked %le3A_210 : memref<2176xf32, #tpu.memory_space<vmem>>[vector<16xi32>], vector<16xf32>, vector<16xi1>
        tpu.vector_store_idx %arg13[%add3A_211], %add3A_215 masked %le3A_210 : memref<2176xi32, #tpu.memory_space<vmem>>[vector<16xi32>], vector<16xi32>, vector<16xi1>
        %jit3A_216 = arith.constant 1 : i32
        %jit3A_217 = arith.constant 0 : i32
        %broadcast_in_dim3A_218 = vector.broadcast %jit3A_216 : i32 to vector<16xi32>
        %broadcast_in_dim3A_219 = vector.broadcast %jit3A_217 : i32 to vector<16xi32>
        %select_n3A_220 = arith.select %le3A_210, %broadcast_in_dim3A_218, %broadcast_in_dim3A_219 : vector<16xi1>, vector<16xi32>
        %add3A_221 = arith.addi %add3A_206, %select_n3A_220 : vector<16xi32>
        %get3A_222 = arith.index_cast %add3A_179 : i32 to index
        %get3A_223 = arith.constant 48 : index
        %get3A_224 = tpu.vector_load %arg11[%get3A_222, %get3A_223] {strides = array<i32>} : memref<128x128xf32, #tpu.memory_space<vmem>>, vector<16xf32>,
        %le3A_225 = arith.cmpf ole, %get3A_224, %get3A_130 : vector<16xf32>
        %add3A_226 = arith.addi %mul3A_137, %add3A_221 : vector<16xi32>
        %add3A_227 = arith.constant 48 : i32
        %add3A_228 = vector.broadcast %add3A_227 : i32 to vector<16xi32>
        %add3A_229 = arith.addi %add3A_228, %iota3A : vector<16xi32>
        %add3A_230 = arith.addi %mul3A_176, %add3A_229 : vector<16xi32>
        tpu.vector_store_idx %arg12[%add3A_226], %get3A_224 masked %le3A_225 : memref<2176xf32, #tpu.memory_space<vmem>>[vector<16xi32>], vector<16xf32>, vector<16xi1>
        tpu.vector_store_idx %arg13[%add3A_226], %add3A_230 masked %le3A_225 : memref<2176xi32, #tpu.memory_space<vmem>>[vector<16xi32>], vector<16xi32>, vector<16xi1>
        %jit3A_231 = arith.constant 1 : i32
        %jit3A_232 = arith.constant 0 : i32
        %broadcast_in_dim3A_233 = vector.broadcast %jit3A_231 : i32 to vector<16xi32>
        %broadcast_in_dim3A_234 = vector.broadcast %jit3A_232 : i32 to vector<16xi32>
        %select_n3A_235 = arith.select %le3A_225, %broadcast_in_dim3A_233, %broadcast_in_dim3A_234 : vector<16xi1>, vector<16xi32>
        %add3A_236 = arith.addi %add3A_221, %select_n3A_235 : vector<16xi32>
        %get3A_237 = arith.index_cast %add3A_179 : i32 to index
        %get3A_238 = arith.constant 64 : index
        %get3A_239 = tpu.vector_load %arg11[%get3A_237, %get3A_238] {strides = array<i32>} : memref<128x128xf32, #tpu.memory_space<vmem>>, vector<16xf32>,
        %le3A_240 = arith.cmpf ole, %get3A_239, %get3A_130 : vector<16xf32>
        %add3A_241 = arith.addi %mul3A_137, %add3A_236 : vector<16xi32>
        %add3A_242 = arith.constant 64 : i32
        %add3A_243 = vector.broadcast %add3A_242 : i32 to vector<16xi32>
        %add3A_244 = arith.addi %add3A_243, %iota3A : vector<16xi32>
        %add3A_245 = arith.addi %mul3A_176, %add3A_244 : vector<16xi32>
        tpu.vector_store_idx %arg12[%add3A_241], %get3A_239 masked %le3A_240 : memref<2176xf32, #tpu.memory_space<vmem>>[vector<16xi32>], vector<16xf32>, vector<16xi1>
        tpu.vector_store_idx %arg13[%add3A_241], %add3A_245 masked %le3A_240 : memref<2176xi32, #tpu.memory_space<vmem>>[vector<16xi32>], vector<16xi32>, vector<16xi1>
        %jit3A_246 = arith.constant 1 : i32
        %jit3A_247 = arith.constant 0 : i32
        %broadcast_in_dim3A_248 = vector.broadcast %jit3A_246 : i32 to vector<16xi32>
        %broadcast_in_dim3A_249 = vector.broadcast %jit3A_247 : i32 to vector<16xi32>
        %select_n3A_250 = arith.select %le3A_240, %broadcast_in_dim3A_248, %broadcast_in_dim3A_249 : vector<16xi1>, vector<16xi32>
        %add3A_251 = arith.addi %add3A_236, %select_n3A_250 : vector<16xi32>
        %get3A_252 = arith.index_cast %add3A_179 : i32 to index
        %get3A_253 = arith.constant 80 : index
        %get3A_254 = tpu.vector_load %arg11[%get3A_252, %get3A_253] {strides = array<i32>} : memref<128x128xf32, #tpu.memory_space<vmem>>, vector<16xf32>,
        %le3A_255 = arith.cmpf ole, %get3A_254, %get3A_130 : vector<16xf32>
        %add3A_256 = arith.addi %mul3A_137, %add3A_251 : vector<16xi32>
        %add3A_257 = arith.constant 80 : i32
        %add3A_258 = vector.broadcast %add3A_257 : i32 to vector<16xi32>
        %add3A_259 = arith.addi %add3A_258, %iota3A : vector<16xi32>
        %add3A_260 = arith.addi %mul3A_176, %add3A_259 : vector<16xi32>
        tpu.vector_store_idx %arg12[%add3A_256], %get3A_254 masked %le3A_255 : memref<2176xf32, #tpu.memory_space<vmem>>[vector<16xi32>], vector<16xf32>, vector<16xi1>
        tpu.vector_store_idx %arg13[%add3A_256], %add3A_260 masked %le3A_255 : memref<2176xi32, #tpu.memory_space<vmem>>[vector<16xi32>], vector<16xi32>, vector<16xi1>
        %jit3A_261 = arith.constant 1 : i32
        %jit3A_262 = arith.constant 0 : i32
        %broadcast_in_dim3A_263 = vector.broadcast %jit3A_261 : i32 to vector<16xi32>
        %broadcast_in_dim3A_264 = vector.broadcast %jit3A_262 : i32 to vector<16xi32>
        %select_n3A_265 = arith.select %le3A_255, %broadcast_in_dim3A_263, %broadcast_in_dim3A_264 : vector<16xi1>, vector<16xi32>
        %add3A_266 = arith.addi %add3A_251, %select_n3A_265 : vector<16xi32>
        %get3A_267 = arith.index_cast %add3A_179 : i32 to index
        %get3A_268 = arith.constant 96 : index
        %get3A_269 = tpu.vector_load %arg11[%get3A_267, %get3A_268] {strides = array<i32>} : memref<128x128xf32, #tpu.memory_space<vmem>>, vector<16xf32>,
        %le3A_270 = arith.cmpf ole, %get3A_269, %get3A_130 : vector<16xf32>
        %add3A_271 = arith.addi %mul3A_137, %add3A_266 : vector<16xi32>
        %add3A_272 = arith.constant 96 : i32
        %add3A_273 = vector.broadcast %add3A_272 : i32 to vector<16xi32>
        %add3A_274 = arith.addi %add3A_273, %iota3A : vector<16xi32>
        %add3A_275 = arith.addi %mul3A_176, %add3A_274 : vector<16xi32>
        tpu.vector_store_idx %arg12[%add3A_271], %get3A_269 masked %le3A_270 : memref<2176xf32, #tpu.memory_space<vmem>>[vector<16xi32>], vector<16xf32>, vector<16xi1>
        tpu.vector_store_idx %arg13[%add3A_271], %add3A_275 masked %le3A_270 : memref<2176xi32, #tpu.memory_space<vmem>>[vector<16xi32>], vector<16xi32>, vector<16xi1>
        %jit3A_276 = arith.constant 1 : i32
        %jit3A_277 = arith.constant 0 : i32
        %broadcast_in_dim3A_278 = vector.broadcast %jit3A_276 : i32 to vector<16xi32>
        %broadcast_in_dim3A_279 = vector.broadcast %jit3A_277 : i32 to vector<16xi32>
        %select_n3A_280 = arith.select %le3A_270, %broadcast_in_dim3A_278, %broadcast_in_dim3A_279 : vector<16xi1>, vector<16xi32>
        %add3A_281 = arith.addi %add3A_266, %select_n3A_280 : vector<16xi32>
        %get3A_282 = arith.index_cast %add3A_179 : i32 to index
        %get3A_283 = arith.constant 112 : index
        %get3A_284 = tpu.vector_load %arg11[%get3A_282, %get3A_283] {strides = array<i32>} : memref<128x128xf32, #tpu.memory_space<vmem>>, vector<16xf32>,
        %le3A_285 = arith.cmpf ole, %get3A_284, %get3A_130 : vector<16xf32>
        %add3A_286 = arith.addi %mul3A_137, %add3A_281 : vector<16xi32>
        %add3A_287 = arith.constant 112 : i32
        %add3A_288 = vector.broadcast %add3A_287 : i32 to vector<16xi32>
        %add3A_289 = arith.addi %add3A_288, %iota3A : vector<16xi32>
        %add3A_290 = arith.addi %mul3A_176, %add3A_289 : vector<16xi32>
        tpu.vector_store_idx %arg12[%add3A_286], %get3A_284 masked %le3A_285 : memref<2176xf32, #tpu.memory_space<vmem>>[vector<16xi32>], vector<16xf32>, vector<16xi1>
        tpu.vector_store_idx %arg13[%add3A_286], %add3A_290 masked %le3A_285 : memref<2176xi32, #tpu.memory_space<vmem>>[vector<16xi32>], vector<16xi32>, vector<16xi1>
        %jit3A_291 = arith.constant 1 : i32
        %jit3A_292 = arith.constant 0 : i32
        %broadcast_in_dim3A_293 = vector.broadcast %jit3A_291 : i32 to vector<16xi32>
        %broadcast_in_dim3A_294 = vector.broadcast %jit3A_292 : i32 to vector<16xi32>
        %select_n3A_295 = arith.select %le3A_285, %broadcast_in_dim3A_293, %broadcast_in_dim3A_294 : vector<16xi1>, vector<16xi32>
        %add3A_296 = arith.addi %add3A_281, %select_n3A_295 : vector<16xi32>
        scf.yield %add3A_296 : vector<16xi32>
      }
      %scan3A_144 = arith.constant 16 : i32
      %reduce_max3A = arith.constant true
      %reduce_max3A_145 = vector.broadcast %reduce_max3A : i1 to vector<16xi1>
      %reduce_max3A_146 = arith.constant -2147483648 : i32
      %reduce_max3A_147 = vector.broadcast %reduce_max3A_146 : i32 to vector<16xi32>
      %reduce_max3A_148 = arith.xori %scan3A_143, %reduce_max3A_147 : vector<16xi32>
      %reduce_max3A_149 = tpu.scan <max>, %reduce_max3A_148 masked %reduce_max3A_145 : vector<16xi32>, vector<16xi1> -> vector<16xi32>
      %reduce_max3A_150 = arith.xori %reduce_max3A_149, %reduce_max3A_147 : vector<16xi32>
      %reduce_max3A_151 = vector.extract %reduce_max3A_150[15] : i32 from vector<16xi32>
      %broadcast_in_dim3A_152 = vector.broadcast %scan3A_66 : f32 to vector<16xf32>
      %broadcast_in_dim3A_153 = arith.constant 0 : i32
      %broadcast_in_dim3A_154 = vector.broadcast %broadcast_in_dim3A_153 : i32 to vector<16xi32>
      %while3A = arith.constant 0 : i32
      %while3A_155 = arith.subi %reduce_max3A_151, %while3A : i32
      %while3A_156 = arith.addi %while3A, %while3A_155 : i32
      %while3A_157 = arith.constant 1 : i32
      %while3A_158 = arith.divsi %while3A_155, %while3A_157 : i32
      %while3A_159 = arith.muli %while3A_158, %while3A_157 : i32
      %while3A_160 = arith.addi %while3A, %while3A_159 : i32
      %while3A_161 = arith.constant 1 : i32
      %while3A_162:2 = scf.for %while3A_169 = %while3A to %while3A_160 step %while3A_161 iter_args(%while3A_170 = %broadcast_in_dim3A_152, %while3A_171 = %broadcast_in_dim3A_154) -> (vector<16xf32>, vector<16xi32>)  : i32 {
        %add3A_172 = vector.broadcast %while3A_169 : i32 to vector<16xi32>
        %add3A_173 = arith.addi %mul3A_137, %add3A_172 : vector<16xi32>
        %gather3A = tpu.vector_load_idx %arg12[%add3A_173] : memref<2176xf32, #tpu.memory_space<vmem>>[vector<16xi32>], vector<16xf32>,
        %gather3A_174 = tpu.vector_load_idx %arg13[%add3A_173] : memref<2176xi32, #tpu.memory_space<vmem>>[vector<16xi32>], vector<16xi32>,
        %lt3A = vector.broadcast %while3A_169 : i32 to vector<16xi32>
        %lt3A_175 = arith.cmpi slt, %lt3A, %scan3A_143 : vector<16xi32>
        %broadcast_in_dim3A_176 = vector.broadcast %scan3A_66 : f32 to vector<16xf32>
        %select_n3A = arith.select %lt3A_175, %gather3A, %broadcast_in_dim3A_176 : vector<16xi1>, vector<16xf32>
        %masked_sort3A = arith.constant dense<true> : vector<16xi1>
        %masked_sort3A_177, %masked_sort3A_178, %masked_sort3A_179 = tpu.sort %select_n3A, %gather3A_174 masked %masked_sort3A : (vector<16xf32>, vector<16xi32>, vector<16xi1>) -> (vector<16xi1>, vector<16xf32>, vector<16xi32>)
        %rev3A = arith.constant 15 : i32
        %rev3A_180 = vector.broadcast %rev3A : i32 to vector<16xi32>
        %rev3A_181 = tpu.iota {dimensions = array<i32: 0>} : vector<16xi32>
        %rev3A_182 = arith.subi %rev3A_180, %rev3A_181 : vector<16xi32>
        %rev3A_183 = tpu.dynamic_gather %masked_sort3A_178[%rev3A_182] in [0] : vector<16xf32>, vector<16xi32> -> vector<16xf32>
        %rev3A_184 = arith.constant 15 : i32
        %rev3A_185 = vector.broadcast %rev3A_184 : i32 to vector<16xi32>
        %rev3A_186 = tpu.iota {dimensions = array<i32: 0>} : vector<16xi32>
        %rev3A_187 = arith.subi %rev3A_185, %rev3A_186 : vector<16xi32>
        %rev3A_188 = tpu.dynamic_gather %masked_sort3A_179[%rev3A_187] in [0] : vector<16xi32>, vector<16xi32> -> vector<16xi32>
        %le3A = arith.cmpf ole, %while3A_170, %rev3A_183 : vector<16xf32>
        %select_n3A_189 = arith.select %le3A, %while3A_170, %rev3A_183 : vector<16xi1>, vector<16xf32>
        %select_n3A_190 = arith.select %le3A, %while3A_171, %rev3A_188 : vector<16xi1>, vector<16xi32>
        %masked_sort3A_191 = arith.constant dense<true> : vector<16xi1>
        %masked_sort3A_192, %masked_sort3A_193, %masked_sort3A_194 = tpu.sort %select_n3A_189, %select_n3A_190 masked %masked_sort3A_191 : (vector<16xf32>, vector<16xi32>, vector<16xi1>) -> (vector<16xi1>, vector<16xf32>, vector<16xi32>)
        scf.yield %masked_sort3A_193, %masked_sort3A_194 : vector<16xf32>, vector<16xi32>
      }
      %while3A_163 = arith.constant 1 : i32
      %while3A_164:2 = scf.for %while3A_169 = %while3A_160 to %while3A_156 step %while3A_163 iter_args(%while3A_170 = %while3A_162#0, %while3A_171 = %while3A_162#1) -> (vector<16xf32>, vector<16xi32>)  : i32 {
        %add3A_172 = vector.broadcast %while3A_169 : i32 to vector<16xi32>
        %add3A_173 = arith.addi %mul3A_137, %add3A_172 : vector<16xi32>
        %gather3A = tpu.vector_load_idx %arg12[%add3A_173] : memref<2176xf32, #tpu.memory_space<vmem>>[vector<16xi32>], vector<16xf32>,
        %gather3A_174 = tpu.vector_load_idx %arg13[%add3A_173] : memref<2176xi32, #tpu.memory_space<vmem>>[vector<16xi32>], vector<16xi32>,
        %lt3A = vector.broadcast %while3A_169 : i32 to vector<16xi32>
        %lt3A_175 = arith.cmpi slt, %lt3A, %scan3A_143 : vector<16xi32>
        %broadcast_in_dim3A_176 = vector.broadcast %scan3A_66 : f32 to vector<16xf32>
        %select_n3A = arith.select %lt3A_175, %gather3A, %broadcast_in_dim3A_176 : vector<16xi1>, vector<16xf32>
        %masked_sort3A = arith.constant dense<true> : vector<16xi1>
        %masked_sort3A_177, %masked_sort3A_178, %masked_sort3A_179 = tpu.sort %select_n3A, %gather3A_174 masked %masked_sort3A : (vector<16xf32>, vector<16xi32>, vector<16xi1>) -> (vector<16xi1>, vector<16xf32>, vector<16xi32>)
        %rev3A = arith.constant 15 : i32
        %rev3A_180 = vector.broadcast %rev3A : i32 to vector<16xi32>
        %rev3A_181 = tpu.iota {dimensions = array<i32: 0>} : vector<16xi32>
        %rev3A_182 = arith.subi %rev3A_180, %rev3A_181 : vector<16xi32>
        %rev3A_183 = tpu.dynamic_gather %masked_sort3A_178[%rev3A_182] in [0] : vector<16xf32>, vector<16xi32> -> vector<16xf32>
        %rev3A_184 = arith.constant 15 : i32
        %rev3A_185 = vector.broadcast %rev3A_184 : i32 to vector<16xi32>
        %rev3A_186 = tpu.iota {dimensions = array<i32: 0>} : vector<16xi32>
        %rev3A_187 = arith.subi %rev3A_185, %rev3A_186 : vector<16xi32>
        %rev3A_188 = tpu.dynamic_gather %masked_sort3A_179[%rev3A_187] in [0] : vector<16xi32>, vector<16xi32> -> vector<16xi32>
        %le3A = arith.cmpf ole, %while3A_170, %rev3A_183 : vector<16xf32>
        %select_n3A_189 = arith.select %le3A, %while3A_170, %rev3A_183 : vector<16xi1>, vector<16xf32>
        %select_n3A_190 = arith.select %le3A, %while3A_171, %rev3A_188 : vector<16xi1>, vector<16xi32>
        %masked_sort3A_191 = arith.constant dense<true> : vector<16xi1>
        %masked_sort3A_192, %masked_sort3A_193, %masked_sort3A_194 = tpu.sort %select_n3A_189, %select_n3A_190 masked %masked_sort3A_191 : (vector<16xf32>, vector<16xi32>, vector<16xi1>) -> (vector<16xi1>, vector<16xf32>, vector<16xi32>)
        scf.yield %masked_sort3A_193, %masked_sort3A_194 : vector<16xf32>, vector<16xi32>
      }
      %mul3A_165 = arith.constant 16 : i32
      %mul3A_166 = arith.muli %mul3A_165, %add3A_127 : i32
      %swap3A = arith.index_cast %mul3A_166 : i32 to index
      %swap3A_167 = tpu.vector_load %arg14[%swap3A] {strides = array<i32>} : memref<512xi32, #tpu.memory_space<vmem>>, vector<16xi32>,
      tpu.vector_store %arg14[%swap3A], %while3A_164#1 {strides = array<i32>} : memref<512xi32, #tpu.memory_space<vmem>>, vector<16xi32>,
      %scan3A_168 = arith.constant 0 : i32
      scf.yield %scan3A_168 : i32
    }
    %scan3A_73 = arith.constant 8 : i32
    %dma_start3A_74 = arith.constant 2 : i32
    %dma_start3A_75 = arith.constant 0 : i32
    %dma_start3A_76 = tpu.memref_slice %arg10[%dma_start3A_74, %dma_start3A_75] : memref<4x128xi32, #tpu.memory_space<vmem>> -> memref<1x128xi32, #tpu.memory_space<vmem>>
    %dma_start3A_77 = tpu.memref_squeeze %dma_start3A_76 : memref<1x128xi32, #tpu.memory_space<vmem>> -> memref<128xi32, #tpu.memory_space<vmem>>
    %dma_start3A_78 = arith.constant 0 : i32
    %dma_start3A_79 = arith.constant 0 : i32
    %dma_start3A_80 = tpu.memref_slice %arg2[%dma_start3A_78, %dma_start3A_79] : memref<65536x128xf32, #tpu.memory_space<hbm>> -> memref<65536x128xf32, #tpu.memory_space<hbm>>
    tpu.enqueue_indirect_dma source(%dma_start3A_80 : memref<65536x128xf32, #tpu.memory_space<hbm>>) target(%arg11 : memref<128x128xf32, #tpu.memory_space<vmem>>) offsets(%dma_start3A_77 : memref<128xi32, #tpu.memory_space<vmem>>) semaphore(%arg16 : memref<!tpu.dma_semaphore, #tpu.memory_space<semaphore_mem>>)
    %dma_wait3A_81 = arith.constant 2 : i32
    %dma_wait3A_82 = arith.constant 0 : i32
    %dma_wait3A_83 = tpu.memref_slice %arg10[%dma_wait3A_81, %dma_wait3A_82] : memref<4x128xi32, #tpu.memory_space<vmem>> -> memref<1x128xi32, #tpu.memory_space<vmem>>
    %dma_wait3A_84 = tpu.memref_squeeze %dma_wait3A_83 : memref<1x128xi32, #tpu.memory_space<vmem>> -> memref<128xi32, #tpu.memory_space<vmem>>
    %dma_wait3A_85 = arith.constant 0 : i32
    %dma_wait3A_86 = arith.constant 0 : i32
    %dma_wait3A_87 = tpu.memref_slice %arg2[%dma_wait3A_85, %dma_wait3A_86] : memref<65536x128xf32, #tpu.memory_space<hbm>> -> memref<65536x128xf32, #tpu.memory_space<hbm>>
    tpu.wait_indirect_dma semaphore(%arg16 : memref<!tpu.dma_semaphore, #tpu.memory_space<semaphore_mem>>) src(%dma_wait3A_87 : memref<65536x128xf32, #tpu.memory_space<hbm>>) dst(%arg11 : memref<128x128xf32, #tpu.memory_space<vmem>>)
    %scan3A_88 = arith.constant 0x7F800000 : f32
    %scan3A_89 = arith.constant 0 : i32
    %scan3A_90 = arith.constant 0 : i32
    %scan3A_91 = arith.constant 8 : i32
    %scan3A_92 = arith.addi %scan3A_90, %scan3A_91 : i32
    %scan3A_93 = arith.constant 1 : i32
    %scan3A_94 = scf.for %scan3A_124 = %scan3A_90 to %scan3A_92 step %scan3A_93 iter_args(%scan3A_125 = %scan3A_89) -> (i32)  : i32 {
      %add3A_126 = arith.constant 16 : i32
      %add3A_127 = arith.addi %add3A_126, %scan3A_124 : i32
      %mul3A_128 = arith.constant 16 : i32
      %mul3A_129 = arith.muli %mul3A_128, %add3A_127 : i32
      %get3A = arith.index_cast %mul3A_129 : i32 to index
      %get3A_130 = tpu.vector_load %arg9[%get3A] {strides = array<i32>} : memref<512xf32, #tpu.memory_space<vmem>>, vector<16xf32>,
      %mul3A_131 = arith.constant 16 : i32
      %mul3A_132 = arith.muli %mul3A_131, %add3A_127 : i32
      %get3A_133 = arith.index_cast %mul3A_132 : i32 to index
      %get3A_134 = tpu.vector_load %arg8[%get3A_133] {strides = array<i32>} : memref<512xi32, #tpu.memory_space<vmem>>, vector<16xi32>,
      %mul3A_135 = arith.constant 136 : i32
      %mul3A_136 = vector.broadcast %mul3A_135 : i32 to vector<16xi32>
      %mul3A_137 = arith.muli %iota3A, %mul3A_136 : vector<16xi32>
      %broadcast_in_dim3A = arith.constant 0 : i32
      %broadcast_in_dim3A_138 = vector.broadcast %broadcast_in_dim3A : i32 to vector<16xi32>
      %scan3A_139 = arith.constant 0 : i32
      %scan3A_140 = arith.constant 16 : i32
      %scan3A_141 = arith.addi %scan3A_139, %scan3A_140 : i32
      %scan3A_142 = arith.constant 1 : i32
      %scan3A_143 = scf.for %scan3A_169 = %scan3A_139 to %scan3A_141 step %scan3A_142 iter_args(%scan3A_170 = %broadcast_in_dim3A_138) -> (vector<16xi32>)  : i32 {
        %broadcast_in_dim3A_171 = vector.broadcast %scan3A_169 : i32 to vector<16xi32>
        %broadcast_in_dim3A_172 = vector.shape_cast %broadcast_in_dim3A_171 : vector<16xi32> to vector<16x1xi32>
        %gather3A = vector.shape_cast %broadcast_in_dim3A_172 : vector<16x1xi32> to vector<16xi32>
        %gather3A_173 = tpu.dynamic_gather %get3A_134[%gather3A] in [0] : vector<16xi32>, vector<16xi32> -> vector<16xi32>
        %mul3A_174 = arith.constant 128 : i32
        %mul3A_175 = vector.broadcast %mul3A_174 : i32 to vector<16xi32>
        %mul3A_176 = arith.muli %gather3A_173, %mul3A_175 : vector<16xi32>
        %mul3A_177 = arith.constant 16 : i32
        %mul3A_178 = arith.muli %scan3A_124, %mul3A_177 : i32
        %add3A_179 = arith.addi %mul3A_178, %scan3A_169 : i32
        %get3A_180 = arith.index_cast %add3A_179 : i32 to index
        %get3A_181 = arith.constant 0 : index
        %get3A_182 = tpu.vector_load %arg11[%get3A_180, %get3A_181] {strides = array<i32>} : memref<128x128xf32, #tpu.memory_space<vmem>>, vector<16xf32>,
        %le3A = arith.cmpf ole, %get3A_182, %get3A_130 : vector<16xf32>
        %add3A_183 = arith.addi %mul3A_137, %scan3A_170 : vector<16xi32>
        %add3A_184 = arith.constant 0 : i32
        %add3A_185 = vector.broadcast %add3A_184 : i32 to vector<16xi32>
        %add3A_186 = arith.addi %add3A_185, %iota3A : vector<16xi32>
        %add3A_187 = arith.addi %mul3A_176, %add3A_186 : vector<16xi32>
        tpu.vector_store_idx %arg12[%add3A_183], %get3A_182 masked %le3A : memref<2176xf32, #tpu.memory_space<vmem>>[vector<16xi32>], vector<16xf32>, vector<16xi1>
        tpu.vector_store_idx %arg13[%add3A_183], %add3A_187 masked %le3A : memref<2176xi32, #tpu.memory_space<vmem>>[vector<16xi32>], vector<16xi32>, vector<16xi1>
        %jit3A = arith.constant 1 : i32
        %jit3A_188 = arith.constant 0 : i32
        %broadcast_in_dim3A_189 = vector.broadcast %jit3A : i32 to vector<16xi32>
        %broadcast_in_dim3A_190 = vector.broadcast %jit3A_188 : i32 to vector<16xi32>
        %select_n3A = arith.select %le3A, %broadcast_in_dim3A_189, %broadcast_in_dim3A_190 : vector<16xi1>, vector<16xi32>
        %add3A_191 = arith.addi %scan3A_170, %select_n3A : vector<16xi32>
        %get3A_192 = arith.index_cast %add3A_179 : i32 to index
        %get3A_193 = arith.constant 16 : index
        %get3A_194 = tpu.vector_load %arg11[%get3A_192, %get3A_193] {strides = array<i32>} : memref<128x128xf32, #tpu.memory_space<vmem>>, vector<16xf32>,
        %le3A_195 = arith.cmpf ole, %get3A_194, %get3A_130 : vector<16xf32>
        %add3A_196 = arith.addi %mul3A_137, %add3A_191 : vector<16xi32>
        %add3A_197 = arith.constant 16 : i32
        %add3A_198 = vector.broadcast %add3A_197 : i32 to vector<16xi32>
        %add3A_199 = arith.addi %add3A_198, %iota3A : vector<16xi32>
        %add3A_200 = arith.addi %mul3A_176, %add3A_199 : vector<16xi32>
        tpu.vector_store_idx %arg12[%add3A_196], %get3A_194 masked %le3A_195 : memref<2176xf32, #tpu.memory_space<vmem>>[vector<16xi32>], vector<16xf32>, vector<16xi1>
        tpu.vector_store_idx %arg13[%add3A_196], %add3A_200 masked %le3A_195 : memref<2176xi32, #tpu.memory_space<vmem>>[vector<16xi32>], vector<16xi32>, vector<16xi1>
        %jit3A_201 = arith.constant 1 : i32
        %jit3A_202 = arith.constant 0 : i32
        %broadcast_in_dim3A_203 = vector.broadcast %jit3A_201 : i32 to vector<16xi32>
        %broadcast_in_dim3A_204 = vector.broadcast %jit3A_202 : i32 to vector<16xi32>
        %select_n3A_205 = arith.select %le3A_195, %broadcast_in_dim3A_203, %broadcast_in_dim3A_204 : vector<16xi1>, vector<16xi32>
        %add3A_206 = arith.addi %add3A_191, %select_n3A_205 : vector<16xi32>
        %get3A_207 = arith.index_cast %add3A_179 : i32 to index
        %get3A_208 = arith.constant 32 : index
        %get3A_209 = tpu.vector_load %arg11[%get3A_207, %get3A_208] {strides = array<i32>} : memref<128x128xf32, #tpu.memory_space<vmem>>, vector<16xf32>,
        %le3A_210 = arith.cmpf ole, %get3A_209, %get3A_130 : vector<16xf32>
        %add3A_211 = arith.addi %mul3A_137, %add3A_206 : vector<16xi32>
        %add3A_212 = arith.constant 32 : i32
        %add3A_213 = vector.broadcast %add3A_212 : i32 to vector<16xi32>
        %add3A_214 = arith.addi %add3A_213, %iota3A : vector<16xi32>
        %add3A_215 = arith.addi %mul3A_176, %add3A_214 : vector<16xi32>
        tpu.vector_store_idx %arg12[%add3A_211], %get3A_209 masked %le3A_210 : memref<2176xf32, #tpu.memory_space<vmem>>[vector<16xi32>], vector<16xf32>, vector<16xi1>
        tpu.vector_store_idx %arg13[%add3A_211], %add3A_215 masked %le3A_210 : memref<2176xi32, #tpu.memory_space<vmem>>[vector<16xi32>], vector<16xi32>, vector<16xi1>
        %jit3A_216 = arith.constant 1 : i32
        %jit3A_217 = arith.constant 0 : i32
        %broadcast_in_dim3A_218 = vector.broadcast %jit3A_216 : i32 to vector<16xi32>
        %broadcast_in_dim3A_219 = vector.broadcast %jit3A_217 : i32 to vector<16xi32>
        %select_n3A_220 = arith.select %le3A_210, %broadcast_in_dim3A_218, %broadcast_in_dim3A_219 : vector<16xi1>, vector<16xi32>
        %add3A_221 = arith.addi %add3A_206, %select_n3A_220 : vector<16xi32>
        %get3A_222 = arith.index_cast %add3A_179 : i32 to index
        %get3A_223 = arith.constant 48 : index
        %get3A_224 = tpu.vector_load %arg11[%get3A_222, %get3A_223] {strides = array<i32>} : memref<128x128xf32, #tpu.memory_space<vmem>>, vector<16xf32>,
        %le3A_225 = arith.cmpf ole, %get3A_224, %get3A_130 : vector<16xf32>
        %add3A_226 = arith.addi %mul3A_137, %add3A_221 : vector<16xi32>
        %add3A_227 = arith.constant 48 : i32
        %add3A_228 = vector.broadcast %add3A_227 : i32 to vector<16xi32>
        %add3A_229 = arith.addi %add3A_228, %iota3A : vector<16xi32>
        %add3A_230 = arith.addi %mul3A_176, %add3A_229 : vector<16xi32>
        tpu.vector_store_idx %arg12[%add3A_226], %get3A_224 masked %le3A_225 : memref<2176xf32, #tpu.memory_space<vmem>>[vector<16xi32>], vector<16xf32>, vector<16xi1>
        tpu.vector_store_idx %arg13[%add3A_226], %add3A_230 masked %le3A_225 : memref<2176xi32, #tpu.memory_space<vmem>>[vector<16xi32>], vector<16xi32>, vector<16xi1>
        %jit3A_231 = arith.constant 1 : i32
        %jit3A_232 = arith.constant 0 : i32
        %broadcast_in_dim3A_233 = vector.broadcast %jit3A_231 : i32 to vector<16xi32>
        %broadcast_in_dim3A_234 = vector.broadcast %jit3A_232 : i32 to vector<16xi32>
        %select_n3A_235 = arith.select %le3A_225, %broadcast_in_dim3A_233, %broadcast_in_dim3A_234 : vector<16xi1>, vector<16xi32>
        %add3A_236 = arith.addi %add3A_221, %select_n3A_235 : vector<16xi32>
        %get3A_237 = arith.index_cast %add3A_179 : i32 to index
        %get3A_238 = arith.constant 64 : index
        %get3A_239 = tpu.vector_load %arg11[%get3A_237, %get3A_238] {strides = array<i32>} : memref<128x128xf32, #tpu.memory_space<vmem>>, vector<16xf32>,
        %le3A_240 = arith.cmpf ole, %get3A_239, %get3A_130 : vector<16xf32>
        %add3A_241 = arith.addi %mul3A_137, %add3A_236 : vector<16xi32>
        %add3A_242 = arith.constant 64 : i32
        %add3A_243 = vector.broadcast %add3A_242 : i32 to vector<16xi32>
        %add3A_244 = arith.addi %add3A_243, %iota3A : vector<16xi32>
        %add3A_245 = arith.addi %mul3A_176, %add3A_244 : vector<16xi32>
        tpu.vector_store_idx %arg12[%add3A_241], %get3A_239 masked %le3A_240 : memref<2176xf32, #tpu.memory_space<vmem>>[vector<16xi32>], vector<16xf32>, vector<16xi1>
        tpu.vector_store_idx %arg13[%add3A_241], %add3A_245 masked %le3A_240 : memref<2176xi32, #tpu.memory_space<vmem>>[vector<16xi32>], vector<16xi32>, vector<16xi1>
        %jit3A_246 = arith.constant 1 : i32
        %jit3A_247 = arith.constant 0 : i32
        %broadcast_in_dim3A_248 = vector.broadcast %jit3A_246 : i32 to vector<16xi32>
        %broadcast_in_dim3A_249 = vector.broadcast %jit3A_247 : i32 to vector<16xi32>
        %select_n3A_250 = arith.select %le3A_240, %broadcast_in_dim3A_248, %broadcast_in_dim3A_249 : vector<16xi1>, vector<16xi32>
        %add3A_251 = arith.addi %add3A_236, %select_n3A_250 : vector<16xi32>
        %get3A_252 = arith.index_cast %add3A_179 : i32 to index
        %get3A_253 = arith.constant 80 : index
        %get3A_254 = tpu.vector_load %arg11[%get3A_252, %get3A_253] {strides = array<i32>} : memref<128x128xf32, #tpu.memory_space<vmem>>, vector<16xf32>,
        %le3A_255 = arith.cmpf ole, %get3A_254, %get3A_130 : vector<16xf32>
        %add3A_256 = arith.addi %mul3A_137, %add3A_251 : vector<16xi32>
        %add3A_257 = arith.constant 80 : i32
        %add3A_258 = vector.broadcast %add3A_257 : i32 to vector<16xi32>
        %add3A_259 = arith.addi %add3A_258, %iota3A : vector<16xi32>
        %add3A_260 = arith.addi %mul3A_176, %add3A_259 : vector<16xi32>
        tpu.vector_store_idx %arg12[%add3A_256], %get3A_254 masked %le3A_255 : memref<2176xf32, #tpu.memory_space<vmem>>[vector<16xi32>], vector<16xf32>, vector<16xi1>
        tpu.vector_store_idx %arg13[%add3A_256], %add3A_260 masked %le3A_255 : memref<2176xi32, #tpu.memory_space<vmem>>[vector<16xi32>], vector<16xi32>, vector<16xi1>
        %jit3A_261 = arith.constant 1 : i32
        %jit3A_262 = arith.constant 0 : i32
        %broadcast_in_dim3A_263 = vector.broadcast %jit3A_261 : i32 to vector<16xi32>
        %broadcast_in_dim3A_264 = vector.broadcast %jit3A_262 : i32 to vector<16xi32>
        %select_n3A_265 = arith.select %le3A_255, %broadcast_in_dim3A_263, %broadcast_in_dim3A_264 : vector<16xi1>, vector<16xi32>
        %add3A_266 = arith.addi %add3A_251, %select_n3A_265 : vector<16xi32>
        %get3A_267 = arith.index_cast %add3A_179 : i32 to index
        %get3A_268 = arith.constant 96 : index
        %get3A_269 = tpu.vector_load %arg11[%get3A_267, %get3A_268] {strides = array<i32>} : memref<128x128xf32, #tpu.memory_space<vmem>>, vector<16xf32>,
        %le3A_270 = arith.cmpf ole, %get3A_269, %get3A_130 : vector<16xf32>
        %add3A_271 = arith.addi %mul3A_137, %add3A_266 : vector<16xi32>
        %add3A_272 = arith.constant 96 : i32
        %add3A_273 = vector.broadcast %add3A_272 : i32 to vector<16xi32>
        %add3A_274 = arith.addi %add3A_273, %iota3A : vector<16xi32>
        %add3A_275 = arith.addi %mul3A_176, %add3A_274 : vector<16xi32>
        tpu.vector_store_idx %arg12[%add3A_271], %get3A_269 masked %le3A_270 : memref<2176xf32, #tpu.memory_space<vmem>>[vector<16xi32>], vector<16xf32>, vector<16xi1>
        tpu.vector_store_idx %arg13[%add3A_271], %add3A_275 masked %le3A_270 : memref<2176xi32, #tpu.memory_space<vmem>>[vector<16xi32>], vector<16xi32>, vector<16xi1>
        %jit3A_276 = arith.constant 1 : i32
        %jit3A_277 = arith.constant 0 : i32
        %broadcast_in_dim3A_278 = vector.broadcast %jit3A_276 : i32 to vector<16xi32>
        %broadcast_in_dim3A_279 = vector.broadcast %jit3A_277 : i32 to vector<16xi32>
        %select_n3A_280 = arith.select %le3A_270, %broadcast_in_dim3A_278, %broadcast_in_dim3A_279 : vector<16xi1>, vector<16xi32>
        %add3A_281 = arith.addi %add3A_266, %select_n3A_280 : vector<16xi32>
        %get3A_282 = arith.index_cast %add3A_179 : i32 to index
        %get3A_283 = arith.constant 112 : index
        %get3A_284 = tpu.vector_load %arg11[%get3A_282, %get3A_283] {strides = array<i32>} : memref<128x128xf32, #tpu.memory_space<vmem>>, vector<16xf32>,
        %le3A_285 = arith.cmpf ole, %get3A_284, %get3A_130 : vector<16xf32>
        %add3A_286 = arith.addi %mul3A_137, %add3A_281 : vector<16xi32>
        %add3A_287 = arith.constant 112 : i32
        %add3A_288 = vector.broadcast %add3A_287 : i32 to vector<16xi32>
        %add3A_289 = arith.addi %add3A_288, %iota3A : vector<16xi32>
        %add3A_290 = arith.addi %mul3A_176, %add3A_289 : vector<16xi32>
        tpu.vector_store_idx %arg12[%add3A_286], %get3A_284 masked %le3A_285 : memref<2176xf32, #tpu.memory_space<vmem>>[vector<16xi32>], vector<16xf32>, vector<16xi1>
        tpu.vector_store_idx %arg13[%add3A_286], %add3A_290 masked %le3A_285 : memref<2176xi32, #tpu.memory_space<vmem>>[vector<16xi32>], vector<16xi32>, vector<16xi1>
        %jit3A_291 = arith.constant 1 : i32
        %jit3A_292 = arith.constant 0 : i32
        %broadcast_in_dim3A_293 = vector.broadcast %jit3A_291 : i32 to vector<16xi32>
        %broadcast_in_dim3A_294 = vector.broadcast %jit3A_292 : i32 to vector<16xi32>
        %select_n3A_295 = arith.select %le3A_285, %broadcast_in_dim3A_293, %broadcast_in_dim3A_294 : vector<16xi1>, vector<16xi32>
        %add3A_296 = arith.addi %add3A_281, %select_n3A_295 : vector<16xi32>
        scf.yield %add3A_296 : vector<16xi32>
      }
      %scan3A_144 = arith.constant 16 : i32
      %reduce_max3A = arith.constant true
      %reduce_max3A_145 = vector.broadcast %reduce_max3A : i1 to vector<16xi1>
      %reduce_max3A_146 = arith.constant -2147483648 : i32
      %reduce_max3A_147 = vector.broadcast %reduce_max3A_146 : i32 to vector<16xi32>
      %reduce_max3A_148 = arith.xori %scan3A_143, %reduce_max3A_147 : vector<16xi32>
      %reduce_max3A_149 = tpu.scan <max>, %reduce_max3A_148 masked %reduce_max3A_145 : vector<16xi32>, vector<16xi1> -> vector<16xi32>
      %reduce_max3A_150 = arith.xori %reduce_max3A_149, %reduce_max3A_147 : vector<16xi32>
      %reduce_max3A_151 = vector.extract %reduce_max3A_150[15] : i32 from vector<16xi32>
      %broadcast_in_dim3A_152 = vector.broadcast %scan3A_88 : f32 to vector<16xf32>
      %broadcast_in_dim3A_153 = arith.constant 0 : i32
      %broadcast_in_dim3A_154 = vector.broadcast %broadcast_in_dim3A_153 : i32 to vector<16xi32>
      %while3A = arith.constant 0 : i32
      %while3A_155 = arith.subi %reduce_max3A_151, %while3A : i32
      %while3A_156 = arith.addi %while3A, %while3A_155 : i32
      %while3A_157 = arith.constant 1 : i32
      %while3A_158 = arith.divsi %while3A_155, %while3A_157 : i32
      %while3A_159 = arith.muli %while3A_158, %while3A_157 : i32
      %while3A_160 = arith.addi %while3A, %while3A_159 : i32
      %while3A_161 = arith.constant 1 : i32
      %while3A_162:2 = scf.for %while3A_169 = %while3A to %while3A_160 step %while3A_161 iter_args(%while3A_170 = %broadcast_in_dim3A_152, %while3A_171 = %broadcast_in_dim3A_154) -> (vector<16xf32>, vector<16xi32>)  : i32 {
        %add3A_172 = vector.broadcast %while3A_169 : i32 to vector<16xi32>
        %add3A_173 = arith.addi %mul3A_137, %add3A_172 : vector<16xi32>
        %gather3A = tpu.vector_load_idx %arg12[%add3A_173] : memref<2176xf32, #tpu.memory_space<vmem>>[vector<16xi32>], vector<16xf32>,
        %gather3A_174 = tpu.vector_load_idx %arg13[%add3A_173] : memref<2176xi32, #tpu.memory_space<vmem>>[vector<16xi32>], vector<16xi32>,
        %lt3A = vector.broadcast %while3A_169 : i32 to vector<16xi32>
        %lt3A_175 = arith.cmpi slt, %lt3A, %scan3A_143 : vector<16xi32>
        %broadcast_in_dim3A_176 = vector.broadcast %scan3A_88 : f32 to vector<16xf32>
        %select_n3A = arith.select %lt3A_175, %gather3A, %broadcast_in_dim3A_176 : vector<16xi1>, vector<16xf32>
        %masked_sort3A = arith.constant dense<true> : vector<16xi1>
        %masked_sort3A_177, %masked_sort3A_178, %masked_sort3A_179 = tpu.sort %select_n3A, %gather3A_174 masked %masked_sort3A : (vector<16xf32>, vector<16xi32>, vector<16xi1>) -> (vector<16xi1>, vector<16xf32>, vector<16xi32>)
        %rev3A = arith.constant 15 : i32
        %rev3A_180 = vector.broadcast %rev3A : i32 to vector<16xi32>
        %rev3A_181 = tpu.iota {dimensions = array<i32: 0>} : vector<16xi32>
        %rev3A_182 = arith.subi %rev3A_180, %rev3A_181 : vector<16xi32>
        %rev3A_183 = tpu.dynamic_gather %masked_sort3A_178[%rev3A_182] in [0] : vector<16xf32>, vector<16xi32> -> vector<16xf32>
        %rev3A_184 = arith.constant 15 : i32
        %rev3A_185 = vector.broadcast %rev3A_184 : i32 to vector<16xi32>
        %rev3A_186 = tpu.iota {dimensions = array<i32: 0>} : vector<16xi32>
        %rev3A_187 = arith.subi %rev3A_185, %rev3A_186 : vector<16xi32>
        %rev3A_188 = tpu.dynamic_gather %masked_sort3A_179[%rev3A_187] in [0] : vector<16xi32>, vector<16xi32> -> vector<16xi32>
        %le3A = arith.cmpf ole, %while3A_170, %rev3A_183 : vector<16xf32>
        %select_n3A_189 = arith.select %le3A, %while3A_170, %rev3A_183 : vector<16xi1>, vector<16xf32>
        %select_n3A_190 = arith.select %le3A, %while3A_171, %rev3A_188 : vector<16xi1>, vector<16xi32>
        %masked_sort3A_191 = arith.constant dense<true> : vector<16xi1>
        %masked_sort3A_192, %masked_sort3A_193, %masked_sort3A_194 = tpu.sort %select_n3A_189, %select_n3A_190 masked %masked_sort3A_191 : (vector<16xf32>, vector<16xi32>, vector<16xi1>) -> (vector<16xi1>, vector<16xf32>, vector<16xi32>)
        scf.yield %masked_sort3A_193, %masked_sort3A_194 : vector<16xf32>, vector<16xi32>
      }
      %while3A_163 = arith.constant 1 : i32
      %while3A_164:2 = scf.for %while3A_169 = %while3A_160 to %while3A_156 step %while3A_163 iter_args(%while3A_170 = %while3A_162#0, %while3A_171 = %while3A_162#1) -> (vector<16xf32>, vector<16xi32>)  : i32 {
        %add3A_172 = vector.broadcast %while3A_169 : i32 to vector<16xi32>
        %add3A_173 = arith.addi %mul3A_137, %add3A_172 : vector<16xi32>
        %gather3A = tpu.vector_load_idx %arg12[%add3A_173] : memref<2176xf32, #tpu.memory_space<vmem>>[vector<16xi32>], vector<16xf32>,
        %gather3A_174 = tpu.vector_load_idx %arg13[%add3A_173] : memref<2176xi32, #tpu.memory_space<vmem>>[vector<16xi32>], vector<16xi32>,
        %lt3A = vector.broadcast %while3A_169 : i32 to vector<16xi32>
        %lt3A_175 = arith.cmpi slt, %lt3A, %scan3A_143 : vector<16xi32>
        %broadcast_in_dim3A_176 = vector.broadcast %scan3A_88 : f32 to vector<16xf32>
        %select_n3A = arith.select %lt3A_175, %gather3A, %broadcast_in_dim3A_176 : vector<16xi1>, vector<16xf32>
        %masked_sort3A = arith.constant dense<true> : vector<16xi1>
        %masked_sort3A_177, %masked_sort3A_178, %masked_sort3A_179 = tpu.sort %select_n3A, %gather3A_174 masked %masked_sort3A : (vector<16xf32>, vector<16xi32>, vector<16xi1>) -> (vector<16xi1>, vector<16xf32>, vector<16xi32>)
        %rev3A = arith.constant 15 : i32
        %rev3A_180 = vector.broadcast %rev3A : i32 to vector<16xi32>
        %rev3A_181 = tpu.iota {dimensions = array<i32: 0>} : vector<16xi32>
        %rev3A_182 = arith.subi %rev3A_180, %rev3A_181 : vector<16xi32>
        %rev3A_183 = tpu.dynamic_gather %masked_sort3A_178[%rev3A_182] in [0] : vector<16xf32>, vector<16xi32> -> vector<16xf32>
        %rev3A_184 = arith.constant 15 : i32
        %rev3A_185 = vector.broadcast %rev3A_184 : i32 to vector<16xi32>
        %rev3A_186 = tpu.iota {dimensions = array<i32: 0>} : vector<16xi32>
        %rev3A_187 = arith.subi %rev3A_185, %rev3A_186 : vector<16xi32>
        %rev3A_188 = tpu.dynamic_gather %masked_sort3A_179[%rev3A_187] in [0] : vector<16xi32>, vector<16xi32> -> vector<16xi32>
        %le3A = arith.cmpf ole, %while3A_170, %rev3A_183 : vector<16xf32>
        %select_n3A_189 = arith.select %le3A, %while3A_170, %rev3A_183 : vector<16xi1>, vector<16xf32>
        %select_n3A_190 = arith.select %le3A, %while3A_171, %rev3A_188 : vector<16xi1>, vector<16xi32>
        %masked_sort3A_191 = arith.constant dense<true> : vector<16xi1>
        %masked_sort3A_192, %masked_sort3A_193, %masked_sort3A_194 = tpu.sort %select_n3A_189, %select_n3A_190 masked %masked_sort3A_191 : (vector<16xf32>, vector<16xi32>, vector<16xi1>) -> (vector<16xi1>, vector<16xf32>, vector<16xi32>)
        scf.yield %masked_sort3A_193, %masked_sort3A_194 : vector<16xf32>, vector<16xi32>
      }
      %mul3A_165 = arith.constant 16 : i32
      %mul3A_166 = arith.muli %mul3A_165, %add3A_127 : i32
      %swap3A = arith.index_cast %mul3A_166 : i32 to index
      %swap3A_167 = tpu.vector_load %arg14[%swap3A] {strides = array<i32>} : memref<512xi32, #tpu.memory_space<vmem>>, vector<16xi32>,
      tpu.vector_store %arg14[%swap3A], %while3A_164#1 {strides = array<i32>} : memref<512xi32, #tpu.memory_space<vmem>>, vector<16xi32>,
      %scan3A_168 = arith.constant 0 : i32
      scf.yield %scan3A_168 : i32
    }
    %scan3A_95 = arith.constant 8 : i32
    %dma_start3A_96 = arith.constant 3 : i32
    %dma_start3A_97 = arith.constant 0 : i32
    %dma_start3A_98 = tpu.memref_slice %arg10[%dma_start3A_96, %dma_start3A_97] : memref<4x128xi32, #tpu.memory_space<vmem>> -> memref<1x128xi32, #tpu.memory_space<vmem>>
    %dma_start3A_99 = tpu.memref_squeeze %dma_start3A_98 : memref<1x128xi32, #tpu.memory_space<vmem>> -> memref<128xi32, #tpu.memory_space<vmem>>
    %dma_start3A_100 = arith.constant 0 : i32
    %dma_start3A_101 = arith.constant 0 : i32
    %dma_start3A_102 = tpu.memref_slice %arg2[%dma_start3A_100, %dma_start3A_101] : memref<65536x128xf32, #tpu.memory_space<hbm>> -> memref<65536x128xf32, #tpu.memory_space<hbm>>
    tpu.enqueue_indirect_dma source(%dma_start3A_102 : memref<65536x128xf32, #tpu.memory_space<hbm>>) target(%arg11 : memref<128x128xf32, #tpu.memory_space<vmem>>) offsets(%dma_start3A_99 : memref<128xi32, #tpu.memory_space<vmem>>) semaphore(%arg16 : memref<!tpu.dma_semaphore, #tpu.memory_space<semaphore_mem>>)
    %dma_wait3A_103 = arith.constant 3 : i32
    %dma_wait3A_104 = arith.constant 0 : i32
    %dma_wait3A_105 = tpu.memref_slice %arg10[%dma_wait3A_103, %dma_wait3A_104] : memref<4x128xi32, #tpu.memory_space<vmem>> -> memref<1x128xi32, #tpu.memory_space<vmem>>
    %dma_wait3A_106 = tpu.memref_squeeze %dma_wait3A_105 : memref<1x128xi32, #tpu.memory_space<vmem>> -> memref<128xi32, #tpu.memory_space<vmem>>
    %dma_wait3A_107 = arith.constant 0 : i32
    %dma_wait3A_108 = arith.constant 0 : i32
    %dma_wait3A_109 = tpu.memref_slice %arg2[%dma_wait3A_107, %dma_wait3A_108] : memref<65536x128xf32, #tpu.memory_space<hbm>> -> memref<65536x128xf32, #tpu.memory_space<hbm>>
    tpu.wait_indirect_dma semaphore(%arg16 : memref<!tpu.dma_semaphore, #tpu.memory_space<semaphore_mem>>) src(%dma_wait3A_109 : memref<65536x128xf32, #tpu.memory_space<hbm>>) dst(%arg11 : memref<128x128xf32, #tpu.memory_space<vmem>>)
    %scan3A_110 = arith.constant 0x7F800000 : f32
    %scan3A_111 = arith.constant 0 : i32
    %scan3A_112 = arith.constant 0 : i32
    %scan3A_113 = arith.constant 8 : i32
    %scan3A_114 = arith.addi %scan3A_112, %scan3A_113 : i32
    %scan3A_115 = arith.constant 1 : i32
    %scan3A_116 = scf.for %scan3A_124 = %scan3A_112 to %scan3A_114 step %scan3A_115 iter_args(%scan3A_125 = %scan3A_111) -> (i32)  : i32 {
      %add3A_126 = arith.constant 24 : i32
      %add3A_127 = arith.addi %add3A_126, %scan3A_124 : i32
      %mul3A_128 = arith.constant 16 : i32
      %mul3A_129 = arith.muli %mul3A_128, %add3A_127 : i32
      %get3A = arith.index_cast %mul3A_129 : i32 to index
      %get3A_130 = tpu.vector_load %arg9[%get3A] {strides = array<i32>} : memref<512xf32, #tpu.memory_space<vmem>>, vector<16xf32>,
      %mul3A_131 = arith.constant 16 : i32
      %mul3A_132 = arith.muli %mul3A_131, %add3A_127 : i32
      %get3A_133 = arith.index_cast %mul3A_132 : i32 to index
      %get3A_134 = tpu.vector_load %arg8[%get3A_133] {strides = array<i32>} : memref<512xi32, #tpu.memory_space<vmem>>, vector<16xi32>,
      %mul3A_135 = arith.constant 136 : i32
      %mul3A_136 = vector.broadcast %mul3A_135 : i32 to vector<16xi32>
      %mul3A_137 = arith.muli %iota3A, %mul3A_136 : vector<16xi32>
      %broadcast_in_dim3A = arith.constant 0 : i32
      %broadcast_in_dim3A_138 = vector.broadcast %broadcast_in_dim3A : i32 to vector<16xi32>
      %scan3A_139 = arith.constant 0 : i32
      %scan3A_140 = arith.constant 16 : i32
      %scan3A_141 = arith.addi %scan3A_139, %scan3A_140 : i32
      %scan3A_142 = arith.constant 1 : i32
      %scan3A_143 = scf.for %scan3A_169 = %scan3A_139 to %scan3A_141 step %scan3A_142 iter_args(%scan3A_170 = %broadcast_in_dim3A_138) -> (vector<16xi32>)  : i32 {
        %broadcast_in_dim3A_171 = vector.broadcast %scan3A_169 : i32 to vector<16xi32>
        %broadcast_in_dim3A_172 = vector.shape_cast %broadcast_in_dim3A_171 : vector<16xi32> to vector<16x1xi32>
        %gather3A = vector.shape_cast %broadcast_in_dim3A_172 : vector<16x1xi32> to vector<16xi32>
        %gather3A_173 = tpu.dynamic_gather %get3A_134[%gather3A] in [0] : vector<16xi32>, vector<16xi32> -> vector<16xi32>
        %mul3A_174 = arith.constant 128 : i32
        %mul3A_175 = vector.broadcast %mul3A_174 : i32 to vector<16xi32>
        %mul3A_176 = arith.muli %gather3A_173, %mul3A_175 : vector<16xi32>
        %mul3A_177 = arith.constant 16 : i32
        %mul3A_178 = arith.muli %scan3A_124, %mul3A_177 : i32
        %add3A_179 = arith.addi %mul3A_178, %scan3A_169 : i32
        %get3A_180 = arith.index_cast %add3A_179 : i32 to index
        %get3A_181 = arith.constant 0 : index
        %get3A_182 = tpu.vector_load %arg11[%get3A_180, %get3A_181] {strides = array<i32>} : memref<128x128xf32, #tpu.memory_space<vmem>>, vector<16xf32>,
        %le3A = arith.cmpf ole, %get3A_182, %get3A_130 : vector<16xf32>
        %add3A_183 = arith.addi %mul3A_137, %scan3A_170 : vector<16xi32>
        %add3A_184 = arith.constant 0 : i32
        %add3A_185 = vector.broadcast %add3A_184 : i32 to vector<16xi32>
        %add3A_186 = arith.addi %add3A_185, %iota3A : vector<16xi32>
        %add3A_187 = arith.addi %mul3A_176, %add3A_186 : vector<16xi32>
        tpu.vector_store_idx %arg12[%add3A_183], %get3A_182 masked %le3A : memref<2176xf32, #tpu.memory_space<vmem>>[vector<16xi32>], vector<16xf32>, vector<16xi1>
        tpu.vector_store_idx %arg13[%add3A_183], %add3A_187 masked %le3A : memref<2176xi32, #tpu.memory_space<vmem>>[vector<16xi32>], vector<16xi32>, vector<16xi1>
        %jit3A = arith.constant 1 : i32
        %jit3A_188 = arith.constant 0 : i32
        %broadcast_in_dim3A_189 = vector.broadcast %jit3A : i32 to vector<16xi32>
        %broadcast_in_dim3A_190 = vector.broadcast %jit3A_188 : i32 to vector<16xi32>
        %select_n3A = arith.select %le3A, %broadcast_in_dim3A_189, %broadcast_in_dim3A_190 : vector<16xi1>, vector<16xi32>
        %add3A_191 = arith.addi %scan3A_170, %select_n3A : vector<16xi32>
        %get3A_192 = arith.index_cast %add3A_179 : i32 to index
        %get3A_193 = arith.constant 16 : index
        %get3A_194 = tpu.vector_load %arg11[%get3A_192, %get3A_193] {strides = array<i32>} : memref<128x128xf32, #tpu.memory_space<vmem>>, vector<16xf32>,
        %le3A_195 = arith.cmpf ole, %get3A_194, %get3A_130 : vector<16xf32>
        %add3A_196 = arith.addi %mul3A_137, %add3A_191 : vector<16xi32>
        %add3A_197 = arith.constant 16 : i32
        %add3A_198 = vector.broadcast %add3A_197 : i32 to vector<16xi32>
        %add3A_199 = arith.addi %add3A_198, %iota3A : vector<16xi32>
        %add3A_200 = arith.addi %mul3A_176, %add3A_199 : vector<16xi32>
        tpu.vector_store_idx %arg12[%add3A_196], %get3A_194 masked %le3A_195 : memref<2176xf32, #tpu.memory_space<vmem>>[vector<16xi32>], vector<16xf32>, vector<16xi1>
        tpu.vector_store_idx %arg13[%add3A_196], %add3A_200 masked %le3A_195 : memref<2176xi32, #tpu.memory_space<vmem>>[vector<16xi32>], vector<16xi32>, vector<16xi1>
        %jit3A_201 = arith.constant 1 : i32
        %jit3A_202 = arith.constant 0 : i32
        %broadcast_in_dim3A_203 = vector.broadcast %jit3A_201 : i32 to vector<16xi32>
        %broadcast_in_dim3A_204 = vector.broadcast %jit3A_202 : i32 to vector<16xi32>
        %select_n3A_205 = arith.select %le3A_195, %broadcast_in_dim3A_203, %broadcast_in_dim3A_204 : vector<16xi1>, vector<16xi32>
        %add3A_206 = arith.addi %add3A_191, %select_n3A_205 : vector<16xi32>
        %get3A_207 = arith.index_cast %add3A_179 : i32 to index
        %get3A_208 = arith.constant 32 : index
        %get3A_209 = tpu.vector_load %arg11[%get3A_207, %get3A_208] {strides = array<i32>} : memref<128x128xf32, #tpu.memory_space<vmem>>, vector<16xf32>,
        %le3A_210 = arith.cmpf ole, %get3A_209, %get3A_130 : vector<16xf32>
        %add3A_211 = arith.addi %mul3A_137, %add3A_206 : vector<16xi32>
        %add3A_212 = arith.constant 32 : i32
        %add3A_213 = vector.broadcast %add3A_212 : i32 to vector<16xi32>
        %add3A_214 = arith.addi %add3A_213, %iota3A : vector<16xi32>
        %add3A_215 = arith.addi %mul3A_176, %add3A_214 : vector<16xi32>
        tpu.vector_store_idx %arg12[%add3A_211], %get3A_209 masked %le3A_210 : memref<2176xf32, #tpu.memory_space<vmem>>[vector<16xi32>], vector<16xf32>, vector<16xi1>
        tpu.vector_store_idx %arg13[%add3A_211], %add3A_215 masked %le3A_210 : memref<2176xi32, #tpu.memory_space<vmem>>[vector<16xi32>], vector<16xi32>, vector<16xi1>
        %jit3A_216 = arith.constant 1 : i32
        %jit3A_217 = arith.constant 0 : i32
        %broadcast_in_dim3A_218 = vector.broadcast %jit3A_216 : i32 to vector<16xi32>
        %broadcast_in_dim3A_219 = vector.broadcast %jit3A_217 : i32 to vector<16xi32>
        %select_n3A_220 = arith.select %le3A_210, %broadcast_in_dim3A_218, %broadcast_in_dim3A_219 : vector<16xi1>, vector<16xi32>
        %add3A_221 = arith.addi %add3A_206, %select_n3A_220 : vector<16xi32>
        %get3A_222 = arith.index_cast %add3A_179 : i32 to index
        %get3A_223 = arith.constant 48 : index
        %get3A_224 = tpu.vector_load %arg11[%get3A_222, %get3A_223] {strides = array<i32>} : memref<128x128xf32, #tpu.memory_space<vmem>>, vector<16xf32>,
        %le3A_225 = arith.cmpf ole, %get3A_224, %get3A_130 : vector<16xf32>
        %add3A_226 = arith.addi %mul3A_137, %add3A_221 : vector<16xi32>
        %add3A_227 = arith.constant 48 : i32
        %add3A_228 = vector.broadcast %add3A_227 : i32 to vector<16xi32>
        %add3A_229 = arith.addi %add3A_228, %iota3A : vector<16xi32>
        %add3A_230 = arith.addi %mul3A_176, %add3A_229 : vector<16xi32>
        tpu.vector_store_idx %arg12[%add3A_226], %get3A_224 masked %le3A_225 : memref<2176xf32, #tpu.memory_space<vmem>>[vector<16xi32>], vector<16xf32>, vector<16xi1>
        tpu.vector_store_idx %arg13[%add3A_226], %add3A_230 masked %le3A_225 : memref<2176xi32, #tpu.memory_space<vmem>>[vector<16xi32>], vector<16xi32>, vector<16xi1>
        %jit3A_231 = arith.constant 1 : i32
        %jit3A_232 = arith.constant 0 : i32
        %broadcast_in_dim3A_233 = vector.broadcast %jit3A_231 : i32 to vector<16xi32>
        %broadcast_in_dim3A_234 = vector.broadcast %jit3A_232 : i32 to vector<16xi32>
        %select_n3A_235 = arith.select %le3A_225, %broadcast_in_dim3A_233, %broadcast_in_dim3A_234 : vector<16xi1>, vector<16xi32>
        %add3A_236 = arith.addi %add3A_221, %select_n3A_235 : vector<16xi32>
        %get3A_237 = arith.index_cast %add3A_179 : i32 to index
        %get3A_238 = arith.constant 64 : index
        %get3A_239 = tpu.vector_load %arg11[%get3A_237, %get3A_238] {strides = array<i32>} : memref<128x128xf32, #tpu.memory_space<vmem>>, vector<16xf32>,
        %le3A_240 = arith.cmpf ole, %get3A_239, %get3A_130 : vector<16xf32>
        %add3A_241 = arith.addi %mul3A_137, %add3A_236 : vector<16xi32>
        %add3A_242 = arith.constant 64 : i32
        %add3A_243 = vector.broadcast %add3A_242 : i32 to vector<16xi32>
        %add3A_244 = arith.addi %add3A_243, %iota3A : vector<16xi32>
        %add3A_245 = arith.addi %mul3A_176, %add3A_244 : vector<16xi32>
        tpu.vector_store_idx %arg12[%add3A_241], %get3A_239 masked %le3A_240 : memref<2176xf32, #tpu.memory_space<vmem>>[vector<16xi32>], vector<16xf32>, vector<16xi1>
        tpu.vector_store_idx %arg13[%add3A_241], %add3A_245 masked %le3A_240 : memref<2176xi32, #tpu.memory_space<vmem>>[vector<16xi32>], vector<16xi32>, vector<16xi1>
        %jit3A_246 = arith.constant 1 : i32
        %jit3A_247 = arith.constant 0 : i32
        %broadcast_in_dim3A_248 = vector.broadcast %jit3A_246 : i32 to vector<16xi32>
        %broadcast_in_dim3A_249 = vector.broadcast %jit3A_247 : i32 to vector<16xi32>
        %select_n3A_250 = arith.select %le3A_240, %broadcast_in_dim3A_248, %broadcast_in_dim3A_249 : vector<16xi1>, vector<16xi32>
        %add3A_251 = arith.addi %add3A_236, %select_n3A_250 : vector<16xi32>
        %get3A_252 = arith.index_cast %add3A_179 : i32 to index
        %get3A_253 = arith.constant 80 : index
        %get3A_254 = tpu.vector_load %arg11[%get3A_252, %get3A_253] {strides = array<i32>} : memref<128x128xf32, #tpu.memory_space<vmem>>, vector<16xf32>,
        %le3A_255 = arith.cmpf ole, %get3A_254, %get3A_130 : vector<16xf32>
        %add3A_256 = arith.addi %mul3A_137, %add3A_251 : vector<16xi32>
        %add3A_257 = arith.constant 80 : i32
        %add3A_258 = vector.broadcast %add3A_257 : i32 to vector<16xi32>
        %add3A_259 = arith.addi %add3A_258, %iota3A : vector<16xi32>
        %add3A_260 = arith.addi %mul3A_176, %add3A_259 : vector<16xi32>
        tpu.vector_store_idx %arg12[%add3A_256], %get3A_254 masked %le3A_255 : memref<2176xf32, #tpu.memory_space<vmem>>[vector<16xi32>], vector<16xf32>, vector<16xi1>
        tpu.vector_store_idx %arg13[%add3A_256], %add3A_260 masked %le3A_255 : memref<2176xi32, #tpu.memory_space<vmem>>[vector<16xi32>], vector<16xi32>, vector<16xi1>
        %jit3A_261 = arith.constant 1 : i32
        %jit3A_262 = arith.constant 0 : i32
        %broadcast_in_dim3A_263 = vector.broadcast %jit3A_261 : i32 to vector<16xi32>
        %broadcast_in_dim3A_264 = vector.broadcast %jit3A_262 : i32 to vector<16xi32>
        %select_n3A_265 = arith.select %le3A_255, %broadcast_in_dim3A_263, %broadcast_in_dim3A_264 : vector<16xi1>, vector<16xi32>
        %add3A_266 = arith.addi %add3A_251, %select_n3A_265 : vector<16xi32>
        %get3A_267 = arith.index_cast %add3A_179 : i32 to index
        %get3A_268 = arith.constant 96 : index
        %get3A_269 = tpu.vector_load %arg11[%get3A_267, %get3A_268] {strides = array<i32>} : memref<128x128xf32, #tpu.memory_space<vmem>>, vector<16xf32>,
        %le3A_270 = arith.cmpf ole, %get3A_269, %get3A_130 : vector<16xf32>
        %add3A_271 = arith.addi %mul3A_137, %add3A_266 : vector<16xi32>
        %add3A_272 = arith.constant 96 : i32
        %add3A_273 = vector.broadcast %add3A_272 : i32 to vector<16xi32>
        %add3A_274 = arith.addi %add3A_273, %iota3A : vector<16xi32>
        %add3A_275 = arith.addi %mul3A_176, %add3A_274 : vector<16xi32>
        tpu.vector_store_idx %arg12[%add3A_271], %get3A_269 masked %le3A_270 : memref<2176xf32, #tpu.memory_space<vmem>>[vector<16xi32>], vector<16xf32>, vector<16xi1>
        tpu.vector_store_idx %arg13[%add3A_271], %add3A_275 masked %le3A_270 : memref<2176xi32, #tpu.memory_space<vmem>>[vector<16xi32>], vector<16xi32>, vector<16xi1>
        %jit3A_276 = arith.constant 1 : i32
        %jit3A_277 = arith.constant 0 : i32
        %broadcast_in_dim3A_278 = vector.broadcast %jit3A_276 : i32 to vector<16xi32>
        %broadcast_in_dim3A_279 = vector.broadcast %jit3A_277 : i32 to vector<16xi32>
        %select_n3A_280 = arith.select %le3A_270, %broadcast_in_dim3A_278, %broadcast_in_dim3A_279 : vector<16xi1>, vector<16xi32>
        %add3A_281 = arith.addi %add3A_266, %select_n3A_280 : vector<16xi32>
        %get3A_282 = arith.index_cast %add3A_179 : i32 to index
        %get3A_283 = arith.constant 112 : index
        %get3A_284 = tpu.vector_load %arg11[%get3A_282, %get3A_283] {strides = array<i32>} : memref<128x128xf32, #tpu.memory_space<vmem>>, vector<16xf32>,
        %le3A_285 = arith.cmpf ole, %get3A_284, %get3A_130 : vector<16xf32>
        %add3A_286 = arith.addi %mul3A_137, %add3A_281 : vector<16xi32>
        %add3A_287 = arith.constant 112 : i32
        %add3A_288 = vector.broadcast %add3A_287 : i32 to vector<16xi32>
        %add3A_289 = arith.addi %add3A_288, %iota3A : vector<16xi32>
        %add3A_290 = arith.addi %mul3A_176, %add3A_289 : vector<16xi32>
        tpu.vector_store_idx %arg12[%add3A_286], %get3A_284 masked %le3A_285 : memref<2176xf32, #tpu.memory_space<vmem>>[vector<16xi32>], vector<16xf32>, vector<16xi1>
        tpu.vector_store_idx %arg13[%add3A_286], %add3A_290 masked %le3A_285 : memref<2176xi32, #tpu.memory_space<vmem>>[vector<16xi32>], vector<16xi32>, vector<16xi1>
        %jit3A_291 = arith.constant 1 : i32
        %jit3A_292 = arith.constant 0 : i32
        %broadcast_in_dim3A_293 = vector.broadcast %jit3A_291 : i32 to vector<16xi32>
        %broadcast_in_dim3A_294 = vector.broadcast %jit3A_292 : i32 to vector<16xi32>
        %select_n3A_295 = arith.select %le3A_285, %broadcast_in_dim3A_293, %broadcast_in_dim3A_294 : vector<16xi1>, vector<16xi32>
        %add3A_296 = arith.addi %add3A_281, %select_n3A_295 : vector<16xi32>
        scf.yield %add3A_296 : vector<16xi32>
      }
      %scan3A_144 = arith.constant 16 : i32
      %reduce_max3A = arith.constant true
      %reduce_max3A_145 = vector.broadcast %reduce_max3A : i1 to vector<16xi1>
      %reduce_max3A_146 = arith.constant -2147483648 : i32
      %reduce_max3A_147 = vector.broadcast %reduce_max3A_146 : i32 to vector<16xi32>
      %reduce_max3A_148 = arith.xori %scan3A_143, %reduce_max3A_147 : vector<16xi32>
      %reduce_max3A_149 = tpu.scan <max>, %reduce_max3A_148 masked %reduce_max3A_145 : vector<16xi32>, vector<16xi1> -> vector<16xi32>
      %reduce_max3A_150 = arith.xori %reduce_max3A_149, %reduce_max3A_147 : vector<16xi32>
      %reduce_max3A_151 = vector.extract %reduce_max3A_150[15] : i32 from vector<16xi32>
      %broadcast_in_dim3A_152 = vector.broadcast %scan3A_110 : f32 to vector<16xf32>
      %broadcast_in_dim3A_153 = arith.constant 0 : i32
      %broadcast_in_dim3A_154 = vector.broadcast %broadcast_in_dim3A_153 : i32 to vector<16xi32>
      %while3A = arith.constant 0 : i32
      %while3A_155 = arith.subi %reduce_max3A_151, %while3A : i32
      %while3A_156 = arith.addi %while3A, %while3A_155 : i32
      %while3A_157 = arith.constant 1 : i32
      %while3A_158 = arith.divsi %while3A_155, %while3A_157 : i32
      %while3A_159 = arith.muli %while3A_158, %while3A_157 : i32
      %while3A_160 = arith.addi %while3A, %while3A_159 : i32
      %while3A_161 = arith.constant 1 : i32
      %while3A_162:2 = scf.for %while3A_169 = %while3A to %while3A_160 step %while3A_161 iter_args(%while3A_170 = %broadcast_in_dim3A_152, %while3A_171 = %broadcast_in_dim3A_154) -> (vector<16xf32>, vector<16xi32>)  : i32 {
        %add3A_172 = vector.broadcast %while3A_169 : i32 to vector<16xi32>
        %add3A_173 = arith.addi %mul3A_137, %add3A_172 : vector<16xi32>
        %gather3A = tpu.vector_load_idx %arg12[%add3A_173] : memref<2176xf32, #tpu.memory_space<vmem>>[vector<16xi32>], vector<16xf32>,
        %gather3A_174 = tpu.vector_load_idx %arg13[%add3A_173] : memref<2176xi32, #tpu.memory_space<vmem>>[vector<16xi32>], vector<16xi32>,
        %lt3A = vector.broadcast %while3A_169 : i32 to vector<16xi32>
        %lt3A_175 = arith.cmpi slt, %lt3A, %scan3A_143 : vector<16xi32>
        %broadcast_in_dim3A_176 = vector.broadcast %scan3A_110 : f32 to vector<16xf32>
        %select_n3A = arith.select %lt3A_175, %gather3A, %broadcast_in_dim3A_176 : vector<16xi1>, vector<16xf32>
        %masked_sort3A = arith.constant dense<true> : vector<16xi1>
        %masked_sort3A_177, %masked_sort3A_178, %masked_sort3A_179 = tpu.sort %select_n3A, %gather3A_174 masked %masked_sort3A : (vector<16xf32>, vector<16xi32>, vector<16xi1>) -> (vector<16xi1>, vector<16xf32>, vector<16xi32>)
        %rev3A = arith.constant 15 : i32
        %rev3A_180 = vector.broadcast %rev3A : i32 to vector<16xi32>
        %rev3A_181 = tpu.iota {dimensions = array<i32: 0>} : vector<16xi32>
        %rev3A_182 = arith.subi %rev3A_180, %rev3A_181 : vector<16xi32>
        %rev3A_183 = tpu.dynamic_gather %masked_sort3A_178[%rev3A_182] in [0] : vector<16xf32>, vector<16xi32> -> vector<16xf32>
        %rev3A_184 = arith.constant 15 : i32
        %rev3A_185 = vector.broadcast %rev3A_184 : i32 to vector<16xi32>
        %rev3A_186 = tpu.iota {dimensions = array<i32: 0>} : vector<16xi32>
        %rev3A_187 = arith.subi %rev3A_185, %rev3A_186 : vector<16xi32>
        %rev3A_188 = tpu.dynamic_gather %masked_sort3A_179[%rev3A_187] in [0] : vector<16xi32>, vector<16xi32> -> vector<16xi32>
        %le3A = arith.cmpf ole, %while3A_170, %rev3A_183 : vector<16xf32>
        %select_n3A_189 = arith.select %le3A, %while3A_170, %rev3A_183 : vector<16xi1>, vector<16xf32>
        %select_n3A_190 = arith.select %le3A, %while3A_171, %rev3A_188 : vector<16xi1>, vector<16xi32>
        %masked_sort3A_191 = arith.constant dense<true> : vector<16xi1>
        %masked_sort3A_192, %masked_sort3A_193, %masked_sort3A_194 = tpu.sort %select_n3A_189, %select_n3A_190 masked %masked_sort3A_191 : (vector<16xf32>, vector<16xi32>, vector<16xi1>) -> (vector<16xi1>, vector<16xf32>, vector<16xi32>)
        scf.yield %masked_sort3A_193, %masked_sort3A_194 : vector<16xf32>, vector<16xi32>
      }
      %while3A_163 = arith.constant 1 : i32
      %while3A_164:2 = scf.for %while3A_169 = %while3A_160 to %while3A_156 step %while3A_163 iter_args(%while3A_170 = %while3A_162#0, %while3A_171 = %while3A_162#1) -> (vector<16xf32>, vector<16xi32>)  : i32 {
        %add3A_172 = vector.broadcast %while3A_169 : i32 to vector<16xi32>
        %add3A_173 = arith.addi %mul3A_137, %add3A_172 : vector<16xi32>
        %gather3A = tpu.vector_load_idx %arg12[%add3A_173] : memref<2176xf32, #tpu.memory_space<vmem>>[vector<16xi32>], vector<16xf32>,
        %gather3A_174 = tpu.vector_load_idx %arg13[%add3A_173] : memref<2176xi32, #tpu.memory_space<vmem>>[vector<16xi32>], vector<16xi32>,
        %lt3A = vector.broadcast %while3A_169 : i32 to vector<16xi32>
        %lt3A_175 = arith.cmpi slt, %lt3A, %scan3A_143 : vector<16xi32>
        %broadcast_in_dim3A_176 = vector.broadcast %scan3A_110 : f32 to vector<16xf32>
        %select_n3A = arith.select %lt3A_175, %gather3A, %broadcast_in_dim3A_176 : vector<16xi1>, vector<16xf32>
        %masked_sort3A = arith.constant dense<true> : vector<16xi1>
        %masked_sort3A_177, %masked_sort3A_178, %masked_sort3A_179 = tpu.sort %select_n3A, %gather3A_174 masked %masked_sort3A : (vector<16xf32>, vector<16xi32>, vector<16xi1>) -> (vector<16xi1>, vector<16xf32>, vector<16xi32>)
        %rev3A = arith.constant 15 : i32
        %rev3A_180 = vector.broadcast %rev3A : i32 to vector<16xi32>
        %rev3A_181 = tpu.iota {dimensions = array<i32: 0>} : vector<16xi32>
        %rev3A_182 = arith.subi %rev3A_180, %rev3A_181 : vector<16xi32>
        %rev3A_183 = tpu.dynamic_gather %masked_sort3A_178[%rev3A_182] in [0] : vector<16xf32>, vector<16xi32> -> vector<16xf32>
        %rev3A_184 = arith.constant 15 : i32
        %rev3A_185 = vector.broadcast %rev3A_184 : i32 to vector<16xi32>
        %rev3A_186 = tpu.iota {dimensions = array<i32: 0>} : vector<16xi32>
        %rev3A_187 = arith.subi %rev3A_185, %rev3A_186 : vector<16xi32>
        %rev3A_188 = tpu.dynamic_gather %masked_sort3A_179[%rev3A_187] in [0] : vector<16xi32>, vector<16xi32> -> vector<16xi32>
        %le3A = arith.cmpf ole, %while3A_170, %rev3A_183 : vector<16xf32>
        %select_n3A_189 = arith.select %le3A, %while3A_170, %rev3A_183 : vector<16xi1>, vector<16xf32>
        %select_n3A_190 = arith.select %le3A, %while3A_171, %rev3A_188 : vector<16xi1>, vector<16xi32>
        %masked_sort3A_191 = arith.constant dense<true> : vector<16xi1>
        %masked_sort3A_192, %masked_sort3A_193, %masked_sort3A_194 = tpu.sort %select_n3A_189, %select_n3A_190 masked %masked_sort3A_191 : (vector<16xf32>, vector<16xi32>, vector<16xi1>) -> (vector<16xi1>, vector<16xf32>, vector<16xi32>)
        scf.yield %masked_sort3A_193, %masked_sort3A_194 : vector<16xf32>, vector<16xi32>
      }
      %mul3A_165 = arith.constant 16 : i32
      %mul3A_166 = arith.muli %mul3A_165, %add3A_127 : i32
      %swap3A = arith.index_cast %mul3A_166 : i32 to index
      %swap3A_167 = tpu.vector_load %arg14[%swap3A] {strides = array<i32>} : memref<512xi32, #tpu.memory_space<vmem>>, vector<16xi32>,
      tpu.vector_store %arg14[%swap3A], %while3A_164#1 {strides = array<i32>} : memref<512xi32, #tpu.memory_space<vmem>>, vector<16xi32>,
      %scan3A_168 = arith.constant 0 : i32
      scf.yield %scan3A_168 : i32
    }
    %scan3A_117 = arith.constant 8 : i32
    "tpu.region"() ({
      %run_scoped3A = tpu.sem_alloc : memref<!tpu.dma_semaphore, #tpu.memory_space<semaphore_mem>>
      %dma_start3A_124 = tpu.memref_slice %arg6[%mul3A_2] : memref<16384xi32, #tpu.memory_space<hbm>> -> memref<512xi32, #tpu.memory_space<hbm>>
      %dma_start3A_125 = tpu.memref_slice %arg6[%mul3A_2] : memref<16384xi32, #tpu.memory_space<hbm>> -> memref<512xi32, #tpu.memory_space<hbm>>
      tpu.enqueue_dma source(%arg14 : memref<512xi32, #tpu.memory_space<vmem>>) target(%dma_start3A_125 : memref<512xi32, #tpu.memory_space<hbm>>) target_semaphore(%run_scoped3A : memref<!tpu.dma_semaphore, #tpu.memory_space<semaphore_mem>>)
      %dma_wait3A_126 = tpu.memref_slice %arg6[%mul3A_2] : memref<16384xi32, #tpu.memory_space<hbm>> -> memref<512xi32, #tpu.memory_space<hbm>>
      %dma_wait3A_127 = tpu.memref_slice %arg6[%mul3A_2] : memref<16384xi32, #tpu.memory_space<hbm>> -> memref<512xi32, #tpu.memory_space<hbm>>
      tpu.wait_dma2 semaphore(%run_scoped3A : memref<!tpu.dma_semaphore, #tpu.memory_space<semaphore_mem>>) src(%arg14 : memref<512xi32, #tpu.memory_space<vmem>>) dst(%dma_wait3A_127 : memref<512xi32, #tpu.memory_space<hbm>>)
      tpu.yield
    }) : () -> ()
    %dma_start3A_118 = arith.constant 0 : i32
    %dma_start3A_119 = arith.constant 0 : i32
    %dma_start3A_120 = tpu.memref_slice %arg5[%dma_start3A_118, %dma_start3A_119] : memref<8192x128xf32, #tpu.memory_space<hbm>> -> memref<8192x128xf32, #tpu.memory_space<hbm>>
    tpu.enqueue_indirect_dma source(%dma_start3A_120 : memref<8192x128xf32, #tpu.memory_space<hbm>>) target(%arg15 : memref<512x128xf32, #tpu.memory_space<vmem>>) offsets(%arg14 : memref<512xi32, #tpu.memory_space<vmem>>) semaphore(%arg16 : memref<!tpu.dma_semaphore, #tpu.memory_space<semaphore_mem>>)
    %dma_wait3A_121 = arith.constant 0 : i32
    %dma_wait3A_122 = arith.constant 0 : i32
    %dma_wait3A_123 = tpu.memref_slice %arg5[%dma_wait3A_121, %dma_wait3A_122] : memref<8192x128xf32, #tpu.memory_space<hbm>> -> memref<8192x128xf32, #tpu.memory_space<hbm>>
    tpu.wait_indirect_dma semaphore(%arg16 : memref<!tpu.dma_semaphore, #tpu.memory_space<semaphore_mem>>) src(%dma_wait3A_123 : memref<8192x128xf32, #tpu.memory_space<hbm>>) dst(%arg15 : memref<512x128xf32, #tpu.memory_space<vmem>>)
    "tpu.region"() ({
      %run_scoped3A = tpu.sem_alloc : memref<!tpu.dma_semaphore, #tpu.memory_space<semaphore_mem>>
      %dma_start3A_124 = arith.constant 0 : i32
      %dma_start3A_125 = tpu.memref_slice %arg7[%mul3A_2, %dma_start3A_124] : memref<16384x128xf32, #tpu.memory_space<hbm>> -> memref<512x128xf32, #tpu.memory_space<hbm>>
      %dma_start3A_126 = arith.constant 0 : i32
      %dma_start3A_127 = tpu.memref_slice %arg7[%mul3A_2, %dma_start3A_126] : memref<16384x128xf32, #tpu.memory_space<hbm>> -> memref<512x128xf32, #tpu.memory_space<hbm>>
      tpu.enqueue_dma source(%arg15 : memref<512x128xf32, #tpu.memory_space<vmem>>) target(%dma_start3A_127 : memref<512x128xf32, #tpu.memory_space<hbm>>) target_semaphore(%run_scoped3A : memref<!tpu.dma_semaphore, #tpu.memory_space<semaphore_mem>>)
      %dma_wait3A_128 = arith.constant 0 : i32
      %dma_wait3A_129 = tpu.memref_slice %arg7[%mul3A_2, %dma_wait3A_128] : memref<16384x128xf32, #tpu.memory_space<hbm>> -> memref<512x128xf32, #tpu.memory_space<hbm>>
      %dma_wait3A_130 = arith.constant 0 : i32
      %dma_wait3A_131 = tpu.memref_slice %arg7[%mul3A_2, %dma_wait3A_130] : memref<16384x128xf32, #tpu.memory_space<hbm>> -> memref<512x128xf32, #tpu.memory_space<hbm>>
      tpu.wait_dma2 semaphore(%run_scoped3A : memref<!tpu.dma_semaphore, #tpu.memory_space<semaphore_mem>>) src(%arg15 : memref<512x128xf32, #tpu.memory_space<vmem>>) dst(%dma_wait3A_131 : memref<512x128xf32, #tpu.memory_space<hbm>>)
      tpu.yield
    }) : () -> ()
    return
  }
}

module attributes {stable_mosaic.version = 14 : i64} {
  func.func @_dist_chunks_body(%arg0: i32, %arg1: memref<1024x32xf32, #tpu.memory_space<vmem>>, %arg2: memref<1024x32xf32, #tpu.memory_space<vmem>>, %arg3: memref<8x1024x128xf32, #tpu.memory_space<vmem>>, %arg4: memref<1024x16xi32, #tpu.memory_space<vmem>>, %arg5: memref<1024x16xf32, #tpu.memory_space<vmem>>, %arg6: memref<8x1024x8xf32, #tpu.memory_space<vmem>>) attributes {dimension_semantics = [#tpu.dimension_semantics<arbitrary>], iteration_bounds = array<i64: 8>, scalar_prefetch = 0 : i64, scratch_operands = 1 : i64, tpu.core_type = #tpu.core_type<tc>, window_params = [{pipeline_mode = #tpu.pipeline_mode<synchronous>, transform_indices = @transform_0, window_bounds = array<i64: 1024, 32>}, {transform_indices = @transform_1, window_bounds = array<i64: 1024, 32>}, {transform_indices = @transform_2, window_bounds = array<i64: 8, 1024, 128>}, {pipeline_mode = #tpu.pipeline_mode<synchronous>, transform_indices = @transform_3, window_bounds = array<i64: 1024, 16>}, {pipeline_mode = #tpu.pipeline_mode<synchronous>, transform_indices = @transform_4, window_bounds = array<i64: 1024, 16>}]} {
    %get3A = arith.constant 0 : index
    %get3A_0 = arith.constant 0 : index
    %get3A_1 = vector.load %arg1[%get3A, %get3A_0] : memref<1024x32xf32, #tpu.memory_space<vmem>>, vector<1024x32xf32>
    %get3A_2 = arith.constant 0 : index
    %get3A_3 = arith.constant 0 : index
    %get3A_4 = vector.load %arg2[%get3A_2, %get3A_3] : memref<1024x32xf32, #tpu.memory_space<vmem>>, vector<1024x32xf32>
    %mul3A = arith.mulf %get3A_1, %get3A_1 : vector<1024x32xf32>
    %reduce_sum3A = arith.constant dense<0.000000e+00> : vector<1024xf32>
    %reduce_sum3A_5 = vector.multi_reduction <add>, %mul3A, %reduce_sum3A [1] : vector<1024x32xf32> to vector<1024xf32>
    %broadcast_in_dim3A = vector.shape_cast %reduce_sum3A_5 : vector<1024xf32> to vector<1024x1xf32>
    %dot_general3A = arith.constant dense<0.000000e+00> : vector<1024x1024xf32>
    %dot_general3A_6 = tpu.matmul %get3A_1, %get3A_4, %dot_general3A {dimension_numbers = #tpu.dot_dimension_numbers<[1], [1], [0], [0], [0, 0, 1, 0], [], []>, transpose_lhs_hint = false} : vector<1024x32xf32>, vector<1024x32xf32>, vector<1024x1024xf32> -> vector<1024x1024xf32>
    %mul3A_7 = arith.mulf %get3A_4, %get3A_4 : vector<1024x32xf32>
    %reduce_sum3A_8 = arith.constant dense<0.000000e+00> : vector<1024xf32>
    %reduce_sum3A_9 = vector.multi_reduction <add>, %mul3A_7, %reduce_sum3A_8 [1] : vector<1024x32xf32> to vector<1024xf32>
    %broadcast_in_dim3A_10 = vector.shape_cast %reduce_sum3A_9 : vector<1024xf32> to vector<1x1024xf32>
    %mul3A_11 = arith.constant 2.000000e+00 : f32
    %mul3A_12 = vector.broadcast %mul3A_11 : f32 to vector<1024x1024xf32>
    %mul3A_13 = arith.mulf %mul3A_12, %dot_general3A_6 : vector<1024x1024xf32>
    %sub3A = vector.broadcast %broadcast_in_dim3A : vector<1024x1xf32> to vector<1024x1024xf32>
    %sub3A_14 = arith.subf %sub3A, %mul3A_13 : vector<1024x1024xf32>
    %add3A = vector.broadcast %broadcast_in_dim3A_10 : vector<1x1024xf32> to vector<1024x1024xf32>
    %add3A_15 = arith.addf %sub3A_14, %add3A : vector<1024x1024xf32>
    %slice3A = vector.extract_strided_slice %add3A_15 {offsets = [0, 0], sizes = [1024, 128], strides = [1, 1]} : vector<1024x1024xf32> to vector<1024x128xf32>
    %swap3A = arith.constant 0 : index
    %swap3A_16 = arith.constant 0 : index
    %swap3A_17 = arith.constant 0 : index
    %swap3A_18 = vector.load %arg3[%swap3A, %swap3A_16, %swap3A_17] : memref<8x1024x128xf32, #tpu.memory_space<vmem>>, vector<1x1024x128xf32>
    %swap3A_19 = vector.shape_cast %swap3A_18 : vector<1x1024x128xf32> to vector<1024x128xf32>
    %swap3A_20 = vector.shape_cast %slice3A : vector<1024x128xf32> to vector<1x1024x128xf32>
    tpu.vector_store %arg3[%swap3A, %swap3A_16, %swap3A_17], %swap3A_20 {strides = array<i32>} : memref<8x1024x128xf32, #tpu.memory_space<vmem>>, vector<1x1024x128xf32>,
    %reduce_min3A = arith.constant dense<0x7F800000> : vector<1024xf32>
    %reduce_min3A_21 = vector.multi_reduction <minimumf>, %slice3A, %reduce_min3A [1] : vector<1024x128xf32> to vector<1024xf32>
    %broadcast_in_dim3A_22 = vector.shape_cast %reduce_min3A_21 : vector<1024xf32> to vector<1024x1xf32>
    %slice3A_23 = vector.extract_strided_slice %add3A_15 {offsets = [0, 128], sizes = [1024, 128], strides = [1, 1]} : vector<1024x1024xf32> to vector<1024x128xf32>
    %swap3A_24 = arith.constant 1 : index
    %swap3A_25 = arith.constant 0 : index
    %swap3A_26 = arith.constant 0 : index
    %swap3A_27 = vector.load %arg3[%swap3A_24, %swap3A_25, %swap3A_26] : memref<8x1024x128xf32, #tpu.memory_space<vmem>>, vector<1x1024x128xf32>
    %swap3A_28 = vector.shape_cast %swap3A_27 : vector<1x1024x128xf32> to vector<1024x128xf32>
    %swap3A_29 = vector.shape_cast %slice3A_23 : vector<1024x128xf32> to vector<1x1024x128xf32>
    tpu.vector_store %arg3[%swap3A_24, %swap3A_25, %swap3A_26], %swap3A_29 {strides = array<i32>} : memref<8x1024x128xf32, #tpu.memory_space<vmem>>, vector<1x1024x128xf32>,
    %reduce_min3A_30 = arith.constant dense<0x7F800000> : vector<1024xf32>
    %reduce_min3A_31 = vector.multi_reduction <minimumf>, %slice3A_23, %reduce_min3A_30 [1] : vector<1024x128xf32> to vector<1024xf32>
    %broadcast_in_dim3A_32 = vector.shape_cast %reduce_min3A_31 : vector<1024xf32> to vector<1024x1xf32>
    %slice3A_33 = vector.extract_strided_slice %add3A_15 {offsets = [0, 256], sizes = [1024, 128], strides = [1, 1]} : vector<1024x1024xf32> to vector<1024x128xf32>
    %swap3A_34 = arith.constant 2 : index
    %swap3A_35 = arith.constant 0 : index
    %swap3A_36 = arith.constant 0 : index
    %swap3A_37 = vector.load %arg3[%swap3A_34, %swap3A_35, %swap3A_36] : memref<8x1024x128xf32, #tpu.memory_space<vmem>>, vector<1x1024x128xf32>
    %swap3A_38 = vector.shape_cast %swap3A_37 : vector<1x1024x128xf32> to vector<1024x128xf32>
    %swap3A_39 = vector.shape_cast %slice3A_33 : vector<1024x128xf32> to vector<1x1024x128xf32>
    tpu.vector_store %arg3[%swap3A_34, %swap3A_35, %swap3A_36], %swap3A_39 {strides = array<i32>} : memref<8x1024x128xf32, #tpu.memory_space<vmem>>, vector<1x1024x128xf32>,
    %reduce_min3A_40 = arith.constant dense<0x7F800000> : vector<1024xf32>
    %reduce_min3A_41 = vector.multi_reduction <minimumf>, %slice3A_33, %reduce_min3A_40 [1] : vector<1024x128xf32> to vector<1024xf32>
    %broadcast_in_dim3A_42 = vector.shape_cast %reduce_min3A_41 : vector<1024xf32> to vector<1024x1xf32>
    %slice3A_43 = vector.extract_strided_slice %add3A_15 {offsets = [0, 384], sizes = [1024, 128], strides = [1, 1]} : vector<1024x1024xf32> to vector<1024x128xf32>
    %swap3A_44 = arith.constant 3 : index
    %swap3A_45 = arith.constant 0 : index
    %swap3A_46 = arith.constant 0 : index
    %swap3A_47 = vector.load %arg3[%swap3A_44, %swap3A_45, %swap3A_46] : memref<8x1024x128xf32, #tpu.memory_space<vmem>>, vector<1x1024x128xf32>
    %swap3A_48 = vector.shape_cast %swap3A_47 : vector<1x1024x128xf32> to vector<1024x128xf32>
    %swap3A_49 = vector.shape_cast %slice3A_43 : vector<1024x128xf32> to vector<1x1024x128xf32>
    tpu.vector_store %arg3[%swap3A_44, %swap3A_45, %swap3A_46], %swap3A_49 {strides = array<i32>} : memref<8x1024x128xf32, #tpu.memory_space<vmem>>, vector<1x1024x128xf32>,
    %reduce_min3A_50 = arith.constant dense<0x7F800000> : vector<1024xf32>
    %reduce_min3A_51 = vector.multi_reduction <minimumf>, %slice3A_43, %reduce_min3A_50 [1] : vector<1024x128xf32> to vector<1024xf32>
    %broadcast_in_dim3A_52 = vector.shape_cast %reduce_min3A_51 : vector<1024xf32> to vector<1024x1xf32>
    %slice3A_53 = vector.extract_strided_slice %add3A_15 {offsets = [0, 512], sizes = [1024, 128], strides = [1, 1]} : vector<1024x1024xf32> to vector<1024x128xf32>
    %swap3A_54 = arith.constant 4 : index
    %swap3A_55 = arith.constant 0 : index
    %swap3A_56 = arith.constant 0 : index
    %swap3A_57 = vector.load %arg3[%swap3A_54, %swap3A_55, %swap3A_56] : memref<8x1024x128xf32, #tpu.memory_space<vmem>>, vector<1x1024x128xf32>
    %swap3A_58 = vector.shape_cast %swap3A_57 : vector<1x1024x128xf32> to vector<1024x128xf32>
    %swap3A_59 = vector.shape_cast %slice3A_53 : vector<1024x128xf32> to vector<1x1024x128xf32>
    tpu.vector_store %arg3[%swap3A_54, %swap3A_55, %swap3A_56], %swap3A_59 {strides = array<i32>} : memref<8x1024x128xf32, #tpu.memory_space<vmem>>, vector<1x1024x128xf32>,
    %reduce_min3A_60 = arith.constant dense<0x7F800000> : vector<1024xf32>
    %reduce_min3A_61 = vector.multi_reduction <minimumf>, %slice3A_53, %reduce_min3A_60 [1] : vector<1024x128xf32> to vector<1024xf32>
    %broadcast_in_dim3A_62 = vector.shape_cast %reduce_min3A_61 : vector<1024xf32> to vector<1024x1xf32>
    %slice3A_63 = vector.extract_strided_slice %add3A_15 {offsets = [0, 640], sizes = [1024, 128], strides = [1, 1]} : vector<1024x1024xf32> to vector<1024x128xf32>
    %swap3A_64 = arith.constant 5 : index
    %swap3A_65 = arith.constant 0 : index
    %swap3A_66 = arith.constant 0 : index
    %swap3A_67 = vector.load %arg3[%swap3A_64, %swap3A_65, %swap3A_66] : memref<8x1024x128xf32, #tpu.memory_space<vmem>>, vector<1x1024x128xf32>
    %swap3A_68 = vector.shape_cast %swap3A_67 : vector<1x1024x128xf32> to vector<1024x128xf32>
    %swap3A_69 = vector.shape_cast %slice3A_63 : vector<1024x128xf32> to vector<1x1024x128xf32>
    tpu.vector_store %arg3[%swap3A_64, %swap3A_65, %swap3A_66], %swap3A_69 {strides = array<i32>} : memref<8x1024x128xf32, #tpu.memory_space<vmem>>, vector<1x1024x128xf32>,
    %reduce_min3A_70 = arith.constant dense<0x7F800000> : vector<1024xf32>
    %reduce_min3A_71 = vector.multi_reduction <minimumf>, %slice3A_63, %reduce_min3A_70 [1] : vector<1024x128xf32> to vector<1024xf32>
    %broadcast_in_dim3A_72 = vector.shape_cast %reduce_min3A_71 : vector<1024xf32> to vector<1024x1xf32>
    %slice3A_73 = vector.extract_strided_slice %add3A_15 {offsets = [0, 768], sizes = [1024, 128], strides = [1, 1]} : vector<1024x1024xf32> to vector<1024x128xf32>
    %swap3A_74 = arith.constant 6 : index
    %swap3A_75 = arith.constant 0 : index
    %swap3A_76 = arith.constant 0 : index
    %swap3A_77 = vector.load %arg3[%swap3A_74, %swap3A_75, %swap3A_76] : memref<8x1024x128xf32, #tpu.memory_space<vmem>>, vector<1x1024x128xf32>
    %swap3A_78 = vector.shape_cast %swap3A_77 : vector<1x1024x128xf32> to vector<1024x128xf32>
    %swap3A_79 = vector.shape_cast %slice3A_73 : vector<1024x128xf32> to vector<1x1024x128xf32>
    tpu.vector_store %arg3[%swap3A_74, %swap3A_75, %swap3A_76], %swap3A_79 {strides = array<i32>} : memref<8x1024x128xf32, #tpu.memory_space<vmem>>, vector<1x1024x128xf32>,
    %reduce_min3A_80 = arith.constant dense<0x7F800000> : vector<1024xf32>
    %reduce_min3A_81 = vector.multi_reduction <minimumf>, %slice3A_73, %reduce_min3A_80 [1] : vector<1024x128xf32> to vector<1024xf32>
    %broadcast_in_dim3A_82 = vector.shape_cast %reduce_min3A_81 : vector<1024xf32> to vector<1024x1xf32>
    %slice3A_83 = vector.extract_strided_slice %add3A_15 {offsets = [0, 896], sizes = [1024, 128], strides = [1, 1]} : vector<1024x1024xf32> to vector<1024x128xf32>
    %swap3A_84 = arith.constant 7 : index
    %swap3A_85 = arith.constant 0 : index
    %swap3A_86 = arith.constant 0 : index
    %swap3A_87 = vector.load %arg3[%swap3A_84, %swap3A_85, %swap3A_86] : memref<8x1024x128xf32, #tpu.memory_space<vmem>>, vector<1x1024x128xf32>
    %swap3A_88 = vector.shape_cast %swap3A_87 : vector<1x1024x128xf32> to vector<1024x128xf32>
    %swap3A_89 = vector.shape_cast %slice3A_83 : vector<1024x128xf32> to vector<1x1024x128xf32>
    tpu.vector_store %arg3[%swap3A_84, %swap3A_85, %swap3A_86], %swap3A_89 {strides = array<i32>} : memref<8x1024x128xf32, #tpu.memory_space<vmem>>, vector<1x1024x128xf32>,
    %reduce_min3A_90 = arith.constant dense<0x7F800000> : vector<1024xf32>
    %reduce_min3A_91 = vector.multi_reduction <minimumf>, %slice3A_83, %reduce_min3A_90 [1] : vector<1024x128xf32> to vector<1024xf32>
    %broadcast_in_dim3A_92 = vector.shape_cast %reduce_min3A_91 : vector<1024xf32> to vector<1024x1xf32>
    %concatenate3A = tpu.concatenate %broadcast_in_dim3A_22, %broadcast_in_dim3A_32, %broadcast_in_dim3A_42, %broadcast_in_dim3A_52, %broadcast_in_dim3A_62, %broadcast_in_dim3A_72, %broadcast_in_dim3A_82, %broadcast_in_dim3A_92 in 1 : vector<1024x1xf32>, vector<1024x1xf32>, vector<1024x1xf32>, vector<1024x1xf32>, vector<1024x1xf32>, vector<1024x1xf32>, vector<1024x1xf32>, vector<1024x1xf32> -> vector<1024x8xf32>
    %swap3A_93 = arith.index_cast %arg0 : i32 to index
    %swap3A_94 = arith.constant 0 : index
    %swap3A_95 = arith.constant 0 : index
    %swap3A_96 = vector.load %arg6[%swap3A_93, %swap3A_94, %swap3A_95] : memref<8x1024x8xf32, #tpu.memory_space<vmem>>, vector<1x1024x8xf32>
    %swap3A_97 = vector.shape_cast %swap3A_96 : vector<1x1024x8xf32> to vector<1024x8xf32>
    %swap3A_98 = vector.shape_cast %concatenate3A : vector<1024x8xf32> to vector<1x1024x8xf32>
    tpu.vector_store %arg6[%swap3A_93, %swap3A_94, %swap3A_95], %swap3A_98 {strides = array<i32>} : memref<8x1024x8xf32, #tpu.memory_space<vmem>>, vector<1x1024x8xf32>,
    %eq3A = arith.constant 7 : i32
    %eq3A_99 = arith.cmpi eq, %arg0, %eq3A : i32
    %convert_element_type3A = arith.extui %eq3A_99 : i1 to i32
    %cond3A = arith.constant 0 : i32
    %cond3A_100 = arith.cmpi ne, %convert_element_type3A, %cond3A : i32
    scf.if %cond3A_100 {
      %get3A_101 = arith.constant 0 : index
      %get3A_102 = arith.constant 0 : index
      %get3A_103 = arith.constant 0 : index
      %get3A_104 = vector.load %arg6[%get3A_101, %get3A_102, %get3A_103] : memref<8x1024x8xf32, #tpu.memory_space<vmem>>, vector<1x1024x8xf32>
      %get3A_105 = vector.shape_cast %get3A_104 : vector<1x1024x8xf32> to vector<1024x8xf32>
      %get3A_106 = arith.constant 1 : index
      %get3A_107 = arith.constant 0 : index
      %get3A_108 = arith.constant 0 : index
      %get3A_109 = vector.load %arg6[%get3A_106, %get3A_107, %get3A_108] : memref<8x1024x8xf32, #tpu.memory_space<vmem>>, vector<1x1024x8xf32>
      %get3A_110 = vector.shape_cast %get3A_109 : vector<1x1024x8xf32> to vector<1024x8xf32>
      %get3A_111 = arith.constant 2 : index
      %get3A_112 = arith.constant 0 : index
      %get3A_113 = arith.constant 0 : index
      %get3A_114 = vector.load %arg6[%get3A_111, %get3A_112, %get3A_113] : memref<8x1024x8xf32, #tpu.memory_space<vmem>>, vector<1x1024x8xf32>
      %get3A_115 = vector.shape_cast %get3A_114 : vector<1x1024x8xf32> to vector<1024x8xf32>
      %get3A_116 = arith.constant 3 : index
      %get3A_117 = arith.constant 0 : index
      %get3A_118 = arith.constant 0 : index
      %get3A_119 = vector.load %arg6[%get3A_116, %get3A_117, %get3A_118] : memref<8x1024x8xf32, #tpu.memory_space<vmem>>, vector<1x1024x8xf32>
      %get3A_120 = vector.shape_cast %get3A_119 : vector<1x1024x8xf32> to vector<1024x8xf32>
      %get3A_121 = arith.constant 4 : index
      %get3A_122 = arith.constant 0 : index
      %get3A_123 = arith.constant 0 : index
      %get3A_124 = vector.load %arg6[%get3A_121, %get3A_122, %get3A_123] : memref<8x1024x8xf32, #tpu.memory_space<vmem>>, vector<1x1024x8xf32>
      %get3A_125 = vector.shape_cast %get3A_124 : vector<1x1024x8xf32> to vector<1024x8xf32>
      %get3A_126 = arith.constant 5 : index
      %get3A_127 = arith.constant 0 : index
      %get3A_128 = arith.constant 0 : index
      %get3A_129 = vector.load %arg6[%get3A_126, %get3A_127, %get3A_128] : memref<8x1024x8xf32, #tpu.memory_space<vmem>>, vector<1x1024x8xf32>
      %get3A_130 = vector.shape_cast %get3A_129 : vector<1x1024x8xf32> to vector<1024x8xf32>
      %get3A_131 = arith.constant 6 : index
      %get3A_132 = arith.constant 0 : index
      %get3A_133 = arith.constant 0 : index
      %get3A_134 = vector.load %arg6[%get3A_131, %get3A_132, %get3A_133] : memref<8x1024x8xf32, #tpu.memory_space<vmem>>, vector<1x1024x8xf32>
      %get3A_135 = vector.shape_cast %get3A_134 : vector<1x1024x8xf32> to vector<1024x8xf32>
      %get3A_136 = arith.constant 7 : index
      %get3A_137 = arith.constant 0 : index
      %get3A_138 = arith.constant 0 : index
      %get3A_139 = vector.load %arg6[%get3A_136, %get3A_137, %get3A_138] : memref<8x1024x8xf32, #tpu.memory_space<vmem>>, vector<1x1024x8xf32>
      %get3A_140 = vector.shape_cast %get3A_139 : vector<1x1024x8xf32> to vector<1024x8xf32>
      %concatenate3A_141 = tpu.concatenate %get3A_105, %get3A_110, %get3A_115, %get3A_120, %get3A_125, %get3A_130, %get3A_135, %get3A_140 in 1 : vector<1024x8xf32>, vector<1024x8xf32>, vector<1024x8xf32>, vector<1024x8xf32>, vector<1024x8xf32>, vector<1024x8xf32>, vector<1024x8xf32>, vector<1024x8xf32> -> vector<1024x64xf32>
      %iota3A = tpu.iota {dimensions = array<i32: 1>} : vector<1024x64xi32>
      %reduce_min3A_142 = arith.constant dense<0x7F800000> : vector<1024xf32>
      %reduce_min3A_143 = vector.multi_reduction <minimumf>, %concatenate3A_141, %reduce_min3A_142 [1] : vector<1024x64xf32> to vector<1024xf32>
      %broadcast_in_dim3A_144 = vector.shape_cast %reduce_min3A_143 : vector<1024xf32> to vector<1024x1xf32>
      %eq3A_145 = vector.broadcast %broadcast_in_dim3A_144 : vector<1024x1xf32> to vector<1024x64xf32>
      %eq3A_146 = arith.cmpf oeq, %concatenate3A_141, %eq3A_145 : vector<1024x64xf32>
      %jit3A = arith.constant 64 : i32
      %broadcast_in_dim3A_147 = vector.broadcast %jit3A : i32 to vector<1024x64xi32>
      %select_n3A = arith.select %eq3A_146, %iota3A, %broadcast_in_dim3A_147 : vector<1024x64xi1>, vector<1024x64xi32>
      %reduce_min3A_148 = arith.constant dense<2147483647> : vector<1024xi32>
      %reduce_min3A_149 = vector.multi_reduction <minsi>, %select_n3A, %reduce_min3A_148 [1] : vector<1024x64xi32> to vector<1024xi32>
      %broadcast_in_dim3A_150 = vector.shape_cast %reduce_min3A_149 : vector<1024xi32> to vector<1024x1xi32>
      %broadcast_in_dim3A_151 = vector.shape_cast %reduce_min3A_149 : vector<1024xi32> to vector<1024x1xi32>
      %eq3A_152 = vector.broadcast %broadcast_in_dim3A_151 : vector<1024x1xi32> to vector<1024x64xi32>
      %eq3A_153 = arith.cmpi eq, %iota3A, %eq3A_152 : vector<1024x64xi32>
      %jit3A_154 = arith.constant 0x7F800000 : f32
      %broadcast_in_dim3A_155 = vector.broadcast %jit3A_154 : f32 to vector<1024x64xf32>
      %select_n3A_156 = arith.select %eq3A_153, %broadcast_in_dim3A_155, %concatenate3A_141 : vector<1024x64xi1>, vector<1024x64xf32>
      %reduce_min3A_157 = arith.constant dense<0x7F800000> : vector<1024xf32>
      %reduce_min3A_158 = vector.multi_reduction <minimumf>, %select_n3A_156, %reduce_min3A_157 [1] : vector<1024x64xf32> to vector<1024xf32>
      %broadcast_in_dim3A_159 = vector.shape_cast %reduce_min3A_158 : vector<1024xf32> to vector<1024x1xf32>
      %eq3A_160 = vector.broadcast %broadcast_in_dim3A_159 : vector<1024x1xf32> to vector<1024x64xf32>
      %eq3A_161 = arith.cmpf oeq, %select_n3A_156, %eq3A_160 : vector<1024x64xf32>
      %jit3A_162 = arith.constant 64 : i32
      %broadcast_in_dim3A_163 = vector.broadcast %jit3A_162 : i32 to vector<1024x64xi32>
      %select_n3A_164 = arith.select %eq3A_161, %iota3A, %broadcast_in_dim3A_163 : vector<1024x64xi1>, vector<1024x64xi32>
      %reduce_min3A_165 = arith.constant dense<2147483647> : vector<1024xi32>
      %reduce_min3A_166 = vector.multi_reduction <minsi>, %select_n3A_164, %reduce_min3A_165 [1] : vector<1024x64xi32> to vector<1024xi32>
      %broadcast_in_dim3A_167 = vector.shape_cast %reduce_min3A_166 : vector<1024xi32> to vector<1024x1xi32>
      %broadcast_in_dim3A_168 = vector.shape_cast %reduce_min3A_166 : vector<1024xi32> to vector<1024x1xi32>
      %eq3A_169 = vector.broadcast %broadcast_in_dim3A_168 : vector<1024x1xi32> to vector<1024x64xi32>
      %eq3A_170 = arith.cmpi eq, %iota3A, %eq3A_169 : vector<1024x64xi32>
      %jit3A_171 = arith.constant 0x7F800000 : f32
      %broadcast_in_dim3A_172 = vector.broadcast %jit3A_171 : f32 to vector<1024x64xf32>
      %select_n3A_173 = arith.select %eq3A_170, %broadcast_in_dim3A_172, %select_n3A_156 : vector<1024x64xi1>, vector<1024x64xf32>
      %reduce_min3A_174 = arith.constant dense<0x7F800000> : vector<1024xf32>
      %reduce_min3A_175 = vector.multi_reduction <minimumf>, %select_n3A_173, %reduce_min3A_174 [1] : vector<1024x64xf32> to vector<1024xf32>
      %broadcast_in_dim3A_176 = vector.shape_cast %reduce_min3A_175 : vector<1024xf32> to vector<1024x1xf32>
      %eq3A_177 = vector.broadcast %broadcast_in_dim3A_176 : vector<1024x1xf32> to vector<1024x64xf32>
      %eq3A_178 = arith.cmpf oeq, %select_n3A_173, %eq3A_177 : vector<1024x64xf32>
      %jit3A_179 = arith.constant 64 : i32
      %broadcast_in_dim3A_180 = vector.broadcast %jit3A_179 : i32 to vector<1024x64xi32>
      %select_n3A_181 = arith.select %eq3A_178, %iota3A, %broadcast_in_dim3A_180 : vector<1024x64xi1>, vector<1024x64xi32>
      %reduce_min3A_182 = arith.constant dense<2147483647> : vector<1024xi32>
      %reduce_min3A_183 = vector.multi_reduction <minsi>, %select_n3A_181, %reduce_min3A_182 [1] : vector<1024x64xi32> to vector<1024xi32>
      %broadcast_in_dim3A_184 = vector.shape_cast %reduce_min3A_183 : vector<1024xi32> to vector<1024x1xi32>
      %broadcast_in_dim3A_185 = vector.shape_cast %reduce_min3A_183 : vector<1024xi32> to vector<1024x1xi32>
      %eq3A_186 = vector.broadcast %broadcast_in_dim3A_185 : vector<1024x1xi32> to vector<1024x64xi32>
      %eq3A_187 = arith.cmpi eq, %iota3A, %eq3A_186 : vector<1024x64xi32>
      %jit3A_188 = arith.constant 0x7F800000 : f32
      %broadcast_in_dim3A_189 = vector.broadcast %jit3A_188 : f32 to vector<1024x64xf32>
      %select_n3A_190 = arith.select %eq3A_187, %broadcast_in_dim3A_189, %select_n3A_173 : vector<1024x64xi1>, vector<1024x64xf32>
      %reduce_min3A_191 = arith.constant dense<0x7F800000> : vector<1024xf32>
      %reduce_min3A_192 = vector.multi_reduction <minimumf>, %select_n3A_190, %reduce_min3A_191 [1] : vector<1024x64xf32> to vector<1024xf32>
      %broadcast_in_dim3A_193 = vector.shape_cast %reduce_min3A_192 : vector<1024xf32> to vector<1024x1xf32>
      %eq3A_194 = vector.broadcast %broadcast_in_dim3A_193 : vector<1024x1xf32> to vector<1024x64xf32>
      %eq3A_195 = arith.cmpf oeq, %select_n3A_190, %eq3A_194 : vector<1024x64xf32>
      %jit3A_196 = arith.constant 64 : i32
      %broadcast_in_dim3A_197 = vector.broadcast %jit3A_196 : i32 to vector<1024x64xi32>
      %select_n3A_198 = arith.select %eq3A_195, %iota3A, %broadcast_in_dim3A_197 : vector<1024x64xi1>, vector<1024x64xi32>
      %reduce_min3A_199 = arith.constant dense<2147483647> : vector<1024xi32>
      %reduce_min3A_200 = vector.multi_reduction <minsi>, %select_n3A_198, %reduce_min3A_199 [1] : vector<1024x64xi32> to vector<1024xi32>
      %broadcast_in_dim3A_201 = vector.shape_cast %reduce_min3A_200 : vector<1024xi32> to vector<1024x1xi32>
      %broadcast_in_dim3A_202 = vector.shape_cast %reduce_min3A_200 : vector<1024xi32> to vector<1024x1xi32>
      %eq3A_203 = vector.broadcast %broadcast_in_dim3A_202 : vector<1024x1xi32> to vector<1024x64xi32>
      %eq3A_204 = arith.cmpi eq, %iota3A, %eq3A_203 : vector<1024x64xi32>
      %jit3A_205 = arith.constant 0x7F800000 : f32
      %broadcast_in_dim3A_206 = vector.broadcast %jit3A_205 : f32 to vector<1024x64xf32>
      %select_n3A_207 = arith.select %eq3A_204, %broadcast_in_dim3A_206, %select_n3A_190 : vector<1024x64xi1>, vector<1024x64xf32>
      %reduce_min3A_208 = arith.constant dense<0x7F800000> : vector<1024xf32>
      %reduce_min3A_209 = vector.multi_reduction <minimumf>, %select_n3A_207, %reduce_min3A_208 [1] : vector<1024x64xf32> to vector<1024xf32>
      %broadcast_in_dim3A_210 = vector.shape_cast %reduce_min3A_209 : vector<1024xf32> to vector<1024x1xf32>
      %eq3A_211 = vector.broadcast %broadcast_in_dim3A_210 : vector<1024x1xf32> to vector<1024x64xf32>
      %eq3A_212 = arith.cmpf oeq, %select_n3A_207, %eq3A_211 : vector<1024x64xf32>
      %jit3A_213 = arith.constant 64 : i32
      %broadcast_in_dim3A_214 = vector.broadcast %jit3A_213 : i32 to vector<1024x64xi32>
      %select_n3A_215 = arith.select %eq3A_212, %iota3A, %broadcast_in_dim3A_214 : vector<1024x64xi1>, vector<1024x64xi32>
      %reduce_min3A_216 = arith.constant dense<2147483647> : vector<1024xi32>
      %reduce_min3A_217 = vector.multi_reduction <minsi>, %select_n3A_215, %reduce_min3A_216 [1] : vector<1024x64xi32> to vector<1024xi32>
      %broadcast_in_dim3A_218 = vector.shape_cast %reduce_min3A_217 : vector<1024xi32> to vector<1024x1xi32>
      %broadcast_in_dim3A_219 = vector.shape_cast %reduce_min3A_217 : vector<1024xi32> to vector<1024x1xi32>
      %eq3A_220 = vector.broadcast %broadcast_in_dim3A_219 : vector<1024x1xi32> to vector<1024x64xi32>
      %eq3A_221 = arith.cmpi eq, %iota3A, %eq3A_220 : vector<1024x64xi32>
      %jit3A_222 = arith.constant 0x7F800000 : f32
      %broadcast_in_dim3A_223 = vector.broadcast %jit3A_222 : f32 to vector<1024x64xf32>
      %select_n3A_224 = arith.select %eq3A_221, %broadcast_in_dim3A_223, %select_n3A_207 : vector<1024x64xi1>, vector<1024x64xf32>
      %reduce_min3A_225 = arith.constant dense<0x7F800000> : vector<1024xf32>
      %reduce_min3A_226 = vector.multi_reduction <minimumf>, %select_n3A_224, %reduce_min3A_225 [1] : vector<1024x64xf32> to vector<1024xf32>
      %broadcast_in_dim3A_227 = vector.shape_cast %reduce_min3A_226 : vector<1024xf32> to vector<1024x1xf32>
      %eq3A_228 = vector.broadcast %broadcast_in_dim3A_227 : vector<1024x1xf32> to vector<1024x64xf32>
      %eq3A_229 = arith.cmpf oeq, %select_n3A_224, %eq3A_228 : vector<1024x64xf32>
      %jit3A_230 = arith.constant 64 : i32
      %broadcast_in_dim3A_231 = vector.broadcast %jit3A_230 : i32 to vector<1024x64xi32>
      %select_n3A_232 = arith.select %eq3A_229, %iota3A, %broadcast_in_dim3A_231 : vector<1024x64xi1>, vector<1024x64xi32>
      %reduce_min3A_233 = arith.constant dense<2147483647> : vector<1024xi32>
      %reduce_min3A_234 = vector.multi_reduction <minsi>, %select_n3A_232, %reduce_min3A_233 [1] : vector<1024x64xi32> to vector<1024xi32>
      %broadcast_in_dim3A_235 = vector.shape_cast %reduce_min3A_234 : vector<1024xi32> to vector<1024x1xi32>
      %broadcast_in_dim3A_236 = vector.shape_cast %reduce_min3A_234 : vector<1024xi32> to vector<1024x1xi32>
      %eq3A_237 = vector.broadcast %broadcast_in_dim3A_236 : vector<1024x1xi32> to vector<1024x64xi32>
      %eq3A_238 = arith.cmpi eq, %iota3A, %eq3A_237 : vector<1024x64xi32>
      %jit3A_239 = arith.constant 0x7F800000 : f32
      %broadcast_in_dim3A_240 = vector.broadcast %jit3A_239 : f32 to vector<1024x64xf32>
      %select_n3A_241 = arith.select %eq3A_238, %broadcast_in_dim3A_240, %select_n3A_224 : vector<1024x64xi1>, vector<1024x64xf32>
      %reduce_min3A_242 = arith.constant dense<0x7F800000> : vector<1024xf32>
      %reduce_min3A_243 = vector.multi_reduction <minimumf>, %select_n3A_241, %reduce_min3A_242 [1] : vector<1024x64xf32> to vector<1024xf32>
      %broadcast_in_dim3A_244 = vector.shape_cast %reduce_min3A_243 : vector<1024xf32> to vector<1024x1xf32>
      %eq3A_245 = vector.broadcast %broadcast_in_dim3A_244 : vector<1024x1xf32> to vector<1024x64xf32>
      %eq3A_246 = arith.cmpf oeq, %select_n3A_241, %eq3A_245 : vector<1024x64xf32>
      %jit3A_247 = arith.constant 64 : i32
      %broadcast_in_dim3A_248 = vector.broadcast %jit3A_247 : i32 to vector<1024x64xi32>
      %select_n3A_249 = arith.select %eq3A_246, %iota3A, %broadcast_in_dim3A_248 : vector<1024x64xi1>, vector<1024x64xi32>
      %reduce_min3A_250 = arith.constant dense<2147483647> : vector<1024xi32>
      %reduce_min3A_251 = vector.multi_reduction <minsi>, %select_n3A_249, %reduce_min3A_250 [1] : vector<1024x64xi32> to vector<1024xi32>
      %broadcast_in_dim3A_252 = vector.shape_cast %reduce_min3A_251 : vector<1024xi32> to vector<1024x1xi32>
      %broadcast_in_dim3A_253 = vector.shape_cast %reduce_min3A_251 : vector<1024xi32> to vector<1024x1xi32>
      %eq3A_254 = vector.broadcast %broadcast_in_dim3A_253 : vector<1024x1xi32> to vector<1024x64xi32>
      %eq3A_255 = arith.cmpi eq, %iota3A, %eq3A_254 : vector<1024x64xi32>
      %jit3A_256 = arith.constant 0x7F800000 : f32
      %broadcast_in_dim3A_257 = vector.broadcast %jit3A_256 : f32 to vector<1024x64xf32>
      %select_n3A_258 = arith.select %eq3A_255, %broadcast_in_dim3A_257, %select_n3A_241 : vector<1024x64xi1>, vector<1024x64xf32>
      %reduce_min3A_259 = arith.constant dense<0x7F800000> : vector<1024xf32>
      %reduce_min3A_260 = vector.multi_reduction <minimumf>, %select_n3A_258, %reduce_min3A_259 [1] : vector<1024x64xf32> to vector<1024xf32>
      %broadcast_in_dim3A_261 = vector.shape_cast %reduce_min3A_260 : vector<1024xf32> to vector<1024x1xf32>
      %eq3A_262 = vector.broadcast %broadcast_in_dim3A_261 : vector<1024x1xf32> to vector<1024x64xf32>
      %eq3A_263 = arith.cmpf oeq, %select_n3A_258, %eq3A_262 : vector<1024x64xf32>
      %jit3A_264 = arith.constant 64 : i32
      %broadcast_in_dim3A_265 = vector.broadcast %jit3A_264 : i32 to vector<1024x64xi32>
      %select_n3A_266 = arith.select %eq3A_263, %iota3A, %broadcast_in_dim3A_265 : vector<1024x64xi1>, vector<1024x64xi32>
      %reduce_min3A_267 = arith.constant dense<2147483647> : vector<1024xi32>
      %reduce_min3A_268 = vector.multi_reduction <minsi>, %select_n3A_266, %reduce_min3A_267 [1] : vector<1024x64xi32> to vector<1024xi32>
      %broadcast_in_dim3A_269 = vector.shape_cast %reduce_min3A_268 : vector<1024xi32> to vector<1024x1xi32>
      %broadcast_in_dim3A_270 = vector.shape_cast %reduce_min3A_268 : vector<1024xi32> to vector<1024x1xi32>
      %eq3A_271 = vector.broadcast %broadcast_in_dim3A_270 : vector<1024x1xi32> to vector<1024x64xi32>
      %eq3A_272 = arith.cmpi eq, %iota3A, %eq3A_271 : vector<1024x64xi32>
      %jit3A_273 = arith.constant 0x7F800000 : f32
      %broadcast_in_dim3A_274 = vector.broadcast %jit3A_273 : f32 to vector<1024x64xf32>
      %select_n3A_275 = arith.select %eq3A_272, %broadcast_in_dim3A_274, %select_n3A_258 : vector<1024x64xi1>, vector<1024x64xf32>
      %reduce_min3A_276 = arith.constant dense<0x7F800000> : vector<1024xf32>
      %reduce_min3A_277 = vector.multi_reduction <minimumf>, %select_n3A_275, %reduce_min3A_276 [1] : vector<1024x64xf32> to vector<1024xf32>
      %broadcast_in_dim3A_278 = vector.shape_cast %reduce_min3A_277 : vector<1024xf32> to vector<1024x1xf32>
      %eq3A_279 = vector.broadcast %broadcast_in_dim3A_278 : vector<1024x1xf32> to vector<1024x64xf32>
      %eq3A_280 = arith.cmpf oeq, %select_n3A_275, %eq3A_279 : vector<1024x64xf32>
      %jit3A_281 = arith.constant 64 : i32
      %broadcast_in_dim3A_282 = vector.broadcast %jit3A_281 : i32 to vector<1024x64xi32>
      %select_n3A_283 = arith.select %eq3A_280, %iota3A, %broadcast_in_dim3A_282 : vector<1024x64xi1>, vector<1024x64xi32>
      %reduce_min3A_284 = arith.constant dense<2147483647> : vector<1024xi32>
      %reduce_min3A_285 = vector.multi_reduction <minsi>, %select_n3A_283, %reduce_min3A_284 [1] : vector<1024x64xi32> to vector<1024xi32>
      %broadcast_in_dim3A_286 = vector.shape_cast %reduce_min3A_285 : vector<1024xi32> to vector<1024x1xi32>
      %broadcast_in_dim3A_287 = vector.shape_cast %reduce_min3A_285 : vector<1024xi32> to vector<1024x1xi32>
      %eq3A_288 = vector.broadcast %broadcast_in_dim3A_287 : vector<1024x1xi32> to vector<1024x64xi32>
      %eq3A_289 = arith.cmpi eq, %iota3A, %eq3A_288 : vector<1024x64xi32>
      %jit3A_290 = arith.constant 0x7F800000 : f32
      %broadcast_in_dim3A_291 = vector.broadcast %jit3A_290 : f32 to vector<1024x64xf32>
      %select_n3A_292 = arith.select %eq3A_289, %broadcast_in_dim3A_291, %select_n3A_275 : vector<1024x64xi1>, vector<1024x64xf32>
      %reduce_min3A_293 = arith.constant dense<0x7F800000> : vector<1024xf32>
      %reduce_min3A_294 = vector.multi_reduction <minimumf>, %select_n3A_292, %reduce_min3A_293 [1] : vector<1024x64xf32> to vector<1024xf32>
      %broadcast_in_dim3A_295 = vector.shape_cast %reduce_min3A_294 : vector<1024xf32> to vector<1024x1xf32>
      %eq3A_296 = vector.broadcast %broadcast_in_dim3A_295 : vector<1024x1xf32> to vector<1024x64xf32>
      %eq3A_297 = arith.cmpf oeq, %select_n3A_292, %eq3A_296 : vector<1024x64xf32>
      %jit3A_298 = arith.constant 64 : i32
      %broadcast_in_dim3A_299 = vector.broadcast %jit3A_298 : i32 to vector<1024x64xi32>
      %select_n3A_300 = arith.select %eq3A_297, %iota3A, %broadcast_in_dim3A_299 : vector<1024x64xi1>, vector<1024x64xi32>
      %reduce_min3A_301 = arith.constant dense<2147483647> : vector<1024xi32>
      %reduce_min3A_302 = vector.multi_reduction <minsi>, %select_n3A_300, %reduce_min3A_301 [1] : vector<1024x64xi32> to vector<1024xi32>
      %broadcast_in_dim3A_303 = vector.shape_cast %reduce_min3A_302 : vector<1024xi32> to vector<1024x1xi32>
      %broadcast_in_dim3A_304 = vector.shape_cast %reduce_min3A_302 : vector<1024xi32> to vector<1024x1xi32>
      %eq3A_305 = vector.broadcast %broadcast_in_dim3A_304 : vector<1024x1xi32> to vector<1024x64xi32>
      %eq3A_306 = arith.cmpi eq, %iota3A, %eq3A_305 : vector<1024x64xi32>
      %jit3A_307 = arith.constant 0x7F800000 : f32
      %broadcast_in_dim3A_308 = vector.broadcast %jit3A_307 : f32 to vector<1024x64xf32>
      %select_n3A_309 = arith.select %eq3A_306, %broadcast_in_dim3A_308, %select_n3A_292 : vector<1024x64xi1>, vector<1024x64xf32>
      %reduce_min3A_310 = arith.constant dense<0x7F800000> : vector<1024xf32>
      %reduce_min3A_311 = vector.multi_reduction <minimumf>, %select_n3A_309, %reduce_min3A_310 [1] : vector<1024x64xf32> to vector<1024xf32>
      %broadcast_in_dim3A_312 = vector.shape_cast %reduce_min3A_311 : vector<1024xf32> to vector<1024x1xf32>
      %eq3A_313 = vector.broadcast %broadcast_in_dim3A_312 : vector<1024x1xf32> to vector<1024x64xf32>
      %eq3A_314 = arith.cmpf oeq, %select_n3A_309, %eq3A_313 : vector<1024x64xf32>
      %jit3A_315 = arith.constant 64 : i32
      %broadcast_in_dim3A_316 = vector.broadcast %jit3A_315 : i32 to vector<1024x64xi32>
      %select_n3A_317 = arith.select %eq3A_314, %iota3A, %broadcast_in_dim3A_316 : vector<1024x64xi1>, vector<1024x64xi32>
      %reduce_min3A_318 = arith.constant dense<2147483647> : vector<1024xi32>
      %reduce_min3A_319 = vector.multi_reduction <minsi>, %select_n3A_317, %reduce_min3A_318 [1] : vector<1024x64xi32> to vector<1024xi32>
      %broadcast_in_dim3A_320 = vector.shape_cast %reduce_min3A_319 : vector<1024xi32> to vector<1024x1xi32>
      %broadcast_in_dim3A_321 = vector.shape_cast %reduce_min3A_319 : vector<1024xi32> to vector<1024x1xi32>
      %eq3A_322 = vector.broadcast %broadcast_in_dim3A_321 : vector<1024x1xi32> to vector<1024x64xi32>
      %eq3A_323 = arith.cmpi eq, %iota3A, %eq3A_322 : vector<1024x64xi32>
      %jit3A_324 = arith.constant 0x7F800000 : f32
      %broadcast_in_dim3A_325 = vector.broadcast %jit3A_324 : f32 to vector<1024x64xf32>
      %select_n3A_326 = arith.select %eq3A_323, %broadcast_in_dim3A_325, %select_n3A_309 : vector<1024x64xi1>, vector<1024x64xf32>
      %reduce_min3A_327 = arith.constant dense<0x7F800000> : vector<1024xf32>
      %reduce_min3A_328 = vector.multi_reduction <minimumf>, %select_n3A_326, %reduce_min3A_327 [1] : vector<1024x64xf32> to vector<1024xf32>
      %broadcast_in_dim3A_329 = vector.shape_cast %reduce_min3A_328 : vector<1024xf32> to vector<1024x1xf32>
      %eq3A_330 = vector.broadcast %broadcast_in_dim3A_329 : vector<1024x1xf32> to vector<1024x64xf32>
      %eq3A_331 = arith.cmpf oeq, %select_n3A_326, %eq3A_330 : vector<1024x64xf32>
      %jit3A_332 = arith.constant 64 : i32
      %broadcast_in_dim3A_333 = vector.broadcast %jit3A_332 : i32 to vector<1024x64xi32>
      %select_n3A_334 = arith.select %eq3A_331, %iota3A, %broadcast_in_dim3A_333 : vector<1024x64xi1>, vector<1024x64xi32>
      %reduce_min3A_335 = arith.constant dense<2147483647> : vector<1024xi32>
      %reduce_min3A_336 = vector.multi_reduction <minsi>, %select_n3A_334, %reduce_min3A_335 [1] : vector<1024x64xi32> to vector<1024xi32>
      %broadcast_in_dim3A_337 = vector.shape_cast %reduce_min3A_336 : vector<1024xi32> to vector<1024x1xi32>
      %broadcast_in_dim3A_338 = vector.shape_cast %reduce_min3A_336 : vector<1024xi32> to vector<1024x1xi32>
      %eq3A_339 = vector.broadcast %broadcast_in_dim3A_338 : vector<1024x1xi32> to vector<1024x64xi32>
      %eq3A_340 = arith.cmpi eq, %iota3A, %eq3A_339 : vector<1024x64xi32>
      %jit3A_341 = arith.constant 0x7F800000 : f32
      %broadcast_in_dim3A_342 = vector.broadcast %jit3A_341 : f32 to vector<1024x64xf32>
      %select_n3A_343 = arith.select %eq3A_340, %broadcast_in_dim3A_342, %select_n3A_326 : vector<1024x64xi1>, vector<1024x64xf32>
      %reduce_min3A_344 = arith.constant dense<0x7F800000> : vector<1024xf32>
      %reduce_min3A_345 = vector.multi_reduction <minimumf>, %select_n3A_343, %reduce_min3A_344 [1] : vector<1024x64xf32> to vector<1024xf32>
      %broadcast_in_dim3A_346 = vector.shape_cast %reduce_min3A_345 : vector<1024xf32> to vector<1024x1xf32>
      %eq3A_347 = vector.broadcast %broadcast_in_dim3A_346 : vector<1024x1xf32> to vector<1024x64xf32>
      %eq3A_348 = arith.cmpf oeq, %select_n3A_343, %eq3A_347 : vector<1024x64xf32>
      %jit3A_349 = arith.constant 64 : i32
      %broadcast_in_dim3A_350 = vector.broadcast %jit3A_349 : i32 to vector<1024x64xi32>
      %select_n3A_351 = arith.select %eq3A_348, %iota3A, %broadcast_in_dim3A_350 : vector<1024x64xi1>, vector<1024x64xi32>
      %reduce_min3A_352 = arith.constant dense<2147483647> : vector<1024xi32>
      %reduce_min3A_353 = vector.multi_reduction <minsi>, %select_n3A_351, %reduce_min3A_352 [1] : vector<1024x64xi32> to vector<1024xi32>
      %broadcast_in_dim3A_354 = vector.shape_cast %reduce_min3A_353 : vector<1024xi32> to vector<1024x1xi32>
      %broadcast_in_dim3A_355 = vector.shape_cast %reduce_min3A_353 : vector<1024xi32> to vector<1024x1xi32>
      %eq3A_356 = vector.broadcast %broadcast_in_dim3A_355 : vector<1024x1xi32> to vector<1024x64xi32>
      %eq3A_357 = arith.cmpi eq, %iota3A, %eq3A_356 : vector<1024x64xi32>
      %jit3A_358 = arith.constant 0x7F800000 : f32
      %broadcast_in_dim3A_359 = vector.broadcast %jit3A_358 : f32 to vector<1024x64xf32>
      %select_n3A_360 = arith.select %eq3A_357, %broadcast_in_dim3A_359, %select_n3A_343 : vector<1024x64xi1>, vector<1024x64xf32>
      %reduce_min3A_361 = arith.constant dense<0x7F800000> : vector<1024xf32>
      %reduce_min3A_362 = vector.multi_reduction <minimumf>, %select_n3A_360, %reduce_min3A_361 [1] : vector<1024x64xf32> to vector<1024xf32>
      %broadcast_in_dim3A_363 = vector.shape_cast %reduce_min3A_362 : vector<1024xf32> to vector<1024x1xf32>
      %eq3A_364 = vector.broadcast %broadcast_in_dim3A_363 : vector<1024x1xf32> to vector<1024x64xf32>
      %eq3A_365 = arith.cmpf oeq, %select_n3A_360, %eq3A_364 : vector<1024x64xf32>
      %jit3A_366 = arith.constant 64 : i32
      %broadcast_in_dim3A_367 = vector.broadcast %jit3A_366 : i32 to vector<1024x64xi32>
      %select_n3A_368 = arith.select %eq3A_365, %iota3A, %broadcast_in_dim3A_367 : vector<1024x64xi1>, vector<1024x64xi32>
      %reduce_min3A_369 = arith.constant dense<2147483647> : vector<1024xi32>
      %reduce_min3A_370 = vector.multi_reduction <minsi>, %select_n3A_368, %reduce_min3A_369 [1] : vector<1024x64xi32> to vector<1024xi32>
      %broadcast_in_dim3A_371 = vector.shape_cast %reduce_min3A_370 : vector<1024xi32> to vector<1024x1xi32>
      %broadcast_in_dim3A_372 = vector.shape_cast %reduce_min3A_370 : vector<1024xi32> to vector<1024x1xi32>
      %eq3A_373 = vector.broadcast %broadcast_in_dim3A_372 : vector<1024x1xi32> to vector<1024x64xi32>
      %eq3A_374 = arith.cmpi eq, %iota3A, %eq3A_373 : vector<1024x64xi32>
      %jit3A_375 = arith.constant 0x7F800000 : f32
      %broadcast_in_dim3A_376 = vector.broadcast %jit3A_375 : f32 to vector<1024x64xf32>
      %select_n3A_377 = arith.select %eq3A_374, %broadcast_in_dim3A_376, %select_n3A_360 : vector<1024x64xi1>, vector<1024x64xf32>
      %reduce_min3A_378 = arith.constant dense<0x7F800000> : vector<1024xf32>
      %reduce_min3A_379 = vector.multi_reduction <minimumf>, %select_n3A_377, %reduce_min3A_378 [1] : vector<1024x64xf32> to vector<1024xf32>
      %broadcast_in_dim3A_380 = vector.shape_cast %reduce_min3A_379 : vector<1024xf32> to vector<1024x1xf32>
      %eq3A_381 = vector.broadcast %broadcast_in_dim3A_380 : vector<1024x1xf32> to vector<1024x64xf32>
      %eq3A_382 = arith.cmpf oeq, %select_n3A_377, %eq3A_381 : vector<1024x64xf32>
      %jit3A_383 = arith.constant 64 : i32
      %broadcast_in_dim3A_384 = vector.broadcast %jit3A_383 : i32 to vector<1024x64xi32>
      %select_n3A_385 = arith.select %eq3A_382, %iota3A, %broadcast_in_dim3A_384 : vector<1024x64xi1>, vector<1024x64xi32>
      %reduce_min3A_386 = arith.constant dense<2147483647> : vector<1024xi32>
      %reduce_min3A_387 = vector.multi_reduction <minsi>, %select_n3A_385, %reduce_min3A_386 [1] : vector<1024x64xi32> to vector<1024xi32>
      %broadcast_in_dim3A_388 = vector.shape_cast %reduce_min3A_387 : vector<1024xi32> to vector<1024x1xi32>
      %broadcast_in_dim3A_389 = vector.shape_cast %reduce_min3A_387 : vector<1024xi32> to vector<1024x1xi32>
      %eq3A_390 = vector.broadcast %broadcast_in_dim3A_389 : vector<1024x1xi32> to vector<1024x64xi32>
      %eq3A_391 = arith.cmpi eq, %iota3A, %eq3A_390 : vector<1024x64xi32>
      %jit3A_392 = arith.constant 0x7F800000 : f32
      %broadcast_in_dim3A_393 = vector.broadcast %jit3A_392 : f32 to vector<1024x64xf32>
      %select_n3A_394 = arith.select %eq3A_391, %broadcast_in_dim3A_393, %select_n3A_377 : vector<1024x64xi1>, vector<1024x64xf32>
      %reduce_min3A_395 = arith.constant dense<0x7F800000> : vector<1024xf32>
      %reduce_min3A_396 = vector.multi_reduction <minimumf>, %select_n3A_394, %reduce_min3A_395 [1] : vector<1024x64xf32> to vector<1024xf32>
      %broadcast_in_dim3A_397 = vector.shape_cast %reduce_min3A_396 : vector<1024xf32> to vector<1024x1xf32>
      %eq3A_398 = vector.broadcast %broadcast_in_dim3A_397 : vector<1024x1xf32> to vector<1024x64xf32>
      %eq3A_399 = arith.cmpf oeq, %select_n3A_394, %eq3A_398 : vector<1024x64xf32>
      %jit3A_400 = arith.constant 64 : i32
      %broadcast_in_dim3A_401 = vector.broadcast %jit3A_400 : i32 to vector<1024x64xi32>
      %select_n3A_402 = arith.select %eq3A_399, %iota3A, %broadcast_in_dim3A_401 : vector<1024x64xi1>, vector<1024x64xi32>
      %reduce_min3A_403 = arith.constant dense<2147483647> : vector<1024xi32>
      %reduce_min3A_404 = vector.multi_reduction <minsi>, %select_n3A_402, %reduce_min3A_403 [1] : vector<1024x64xi32> to vector<1024xi32>
      %broadcast_in_dim3A_405 = vector.shape_cast %reduce_min3A_404 : vector<1024xi32> to vector<1024x1xi32>
      %concatenate3A_406 = tpu.concatenate %broadcast_in_dim3A_150, %broadcast_in_dim3A_167, %broadcast_in_dim3A_184, %broadcast_in_dim3A_201, %broadcast_in_dim3A_218, %broadcast_in_dim3A_235, %broadcast_in_dim3A_252, %broadcast_in_dim3A_269, %broadcast_in_dim3A_286, %broadcast_in_dim3A_303, %broadcast_in_dim3A_320, %broadcast_in_dim3A_337, %broadcast_in_dim3A_354, %broadcast_in_dim3A_371, %broadcast_in_dim3A_388, %broadcast_in_dim3A_405 in 1 : vector<1024x1xi32>, vector<1024x1xi32>, vector<1024x1xi32>, vector<1024x1xi32>, vector<1024x1xi32>, vector<1024x1xi32>, vector<1024x1xi32>, vector<1024x1xi32>, vector<1024x1xi32>, vector<1024x1xi32>, vector<1024x1xi32>, vector<1024x1xi32>, vector<1024x1xi32>, vector<1024x1xi32>, vector<1024x1xi32>, vector<1024x1xi32> -> vector<1024x16xi32>
      %swap3A_407 = arith.constant 0 : index
      %swap3A_408 = arith.constant 0 : index
      %swap3A_409 = vector.load %arg4[%swap3A_407, %swap3A_408] : memref<1024x16xi32, #tpu.memory_space<vmem>>, vector<1024x16xi32>
      tpu.vector_store %arg4[%swap3A_407, %swap3A_408], %concatenate3A_406 {strides = array<i32>} : memref<1024x16xi32, #tpu.memory_space<vmem>>, vector<1024x16xi32>,
      %broadcast_in_dim3A_410 = vector.shape_cast %broadcast_in_dim3A_397 : vector<1024x1xf32> to vector<1024x1xf32>
      %broadcast_in_dim3A_411 = vector.broadcast %broadcast_in_dim3A_410 : vector<1024x1xf32> to vector<1024x16xf32>
      %swap3A_412 = arith.constant 0 : index
      %swap3A_413 = arith.constant 0 : index
      %swap3A_414 = vector.load %arg5[%swap3A_412, %swap3A_413] : memref<1024x16xf32, #tpu.memory_space<vmem>>, vector<1024x16xf32>
      tpu.vector_store %arg5[%swap3A_412, %swap3A_413], %broadcast_in_dim3A_411 {strides = array<i32>} : memref<1024x16xf32, #tpu.memory_space<vmem>>, vector<1024x16xf32>,
    } else {
    }
    return
  }
  func.func @transform_0(%arg0: i32) -> (i32, i32) {
    %c0_i32 = arith.constant 0 : i32
    %c0_i32_0 = arith.constant 0 : i32
    %c0_i32_1 = arith.constant 0 : i32
    return %c0_i32, %c0_i32_0 : i32, i32
  }
  func.func @transform_1(%arg0: i32) -> (i32, i32) {
    %c0_i32 = arith.constant 0 : i32
    %c0_i32_0 = arith.constant 0 : i32
    return %arg0, %c0_i32 : i32, i32
  }
  func.func @transform_2(%arg0: i32) -> (i32, i32, i32) {
    %c0_i32 = arith.constant 0 : i32
    %c0_i32_0 = arith.constant 0 : i32
    %c0_i32_1 = arith.constant 0 : i32
    return %arg0, %c0_i32, %c0_i32_0 : i32, i32, i32
  }
  func.func @transform_3(%arg0: i32) -> (i32, i32) {
    %c0_i32 = arith.constant 0 : i32
    %c0_i32_0 = arith.constant 0 : i32
    %c0_i32_1 = arith.constant 0 : i32
    return %c0_i32, %c0_i32_0 : i32, i32
  }
  func.func @transform_4(%arg0: i32) -> (i32, i32) {
    %c0_i32 = arith.constant 0 : i32
    %c0_i32_0 = arith.constant 0 : i32
    %c0_i32_1 = arith.constant 0 : i32
    return %c0_i32, %c0_i32_0 : i32, i32
  }
}

module attributes {stable_mosaic.version = 14 : i64} {
  func.func @_refine_body(%arg0: i32, %arg1: memref<4096x128xf32, #tpu.memory_space<vmem>>, %arg2: memref<4096x32xf32, #tpu.memory_space<vmem>>, %arg3: memref<4096x32xf32, #tpu.memory_space<vmem>>, %arg4: memref<256x16xi32, #tpu.memory_space<vmem>>, %arg5: memref<64x64xf32, #tpu.memory_space<vmem>>, %arg6: memref<1x64xf32, #tpu.memory_space<vmem>>, %arg7: memref<2x64x64xf32, #tpu.memory_space<vmem>>, %arg8: memref<2x64xf32, #tpu.memory_space<vmem>>, %arg9: memref<64x32xf32, #tpu.memory_space<vmem>>, %arg10: memref<1x32xf32, #tpu.memory_space<vmem>>, %arg11: memref<256x32xf32, #tpu.memory_space<vmem>>, %arg12: memref<256x1xi32, #tpu.memory_space<vmem>>, %arg13: memref<1x1xf32, #tpu.memory_space<vmem>>, %arg14: memref<1x1xf32, #tpu.memory_space<vmem>>, %arg15: memref<1x8192xf32, #tpu.memory_space<vmem>>) attributes {dimension_semantics = [#tpu.dimension_semantics<arbitrary>], iteration_bounds = array<i64: 4>, scalar_prefetch = 0 : i64, scratch_operands = 1 : i64, tpu.core_type = #tpu.core_type<tc>, window_params = [{transform_indices = @transform_0, window_bounds = array<i64: 4096, 128>}, {transform_indices = @transform_1, window_bounds = array<i64: 4096, 32>}, {transform_indices = @transform_2, window_bounds = array<i64: 4096, 32>}, {transform_indices = @transform_3, window_bounds = array<i64: 256, 16>}, {pipeline_mode = #tpu.pipeline_mode<synchronous>, transform_indices = @transform_4, window_bounds = array<i64: 64, 64>}, {pipeline_mode = #tpu.pipeline_mode<synchronous>, transform_indices = @transform_5, window_bounds = array<i64: 1, 64>}, {pipeline_mode = #tpu.pipeline_mode<synchronous>, transform_indices = @transform_6, window_bounds = array<i64: 2, 64, 64>}, {pipeline_mode = #tpu.pipeline_mode<synchronous>, transform_indices = @transform_7, window_bounds = array<i64: 2, 64>}, {pipeline_mode = #tpu.pipeline_mode<synchronous>, transform_indices = @transform_8, window_bounds = array<i64: 64, 32>}, {pipeline_mode = #tpu.pipeline_mode<synchronous>, transform_indices = @transform_9, window_bounds = array<i64: 1, 32>}, {transform_indices = @transform_10, window_bounds = array<i64: 256, 32>}, {transform_indices = @transform_11, window_bounds = array<i64: 256, 1>}, {pipeline_mode = #tpu.pipeline_mode<synchronous>, transform_indices = @transform_12, window_bounds = array<i64: 1, 1>}, {pipeline_mode = #tpu.pipeline_mode<synchronous>, transform_indices = @transform_13, window_bounds = array<i64: 1, 1>}]} {
    %eq3A = arith.constant 0 : i32
    %eq3A_0 = arith.cmpi eq, %arg0, %eq3A : i32
    %convert_element_type3A = arith.extui %eq3A_0 : i1 to i32
    %cond3A = arith.constant 0 : i32
    %cond3A_1 = arith.cmpi ne, %convert_element_type3A, %cond3A : i32
    scf.if %cond3A_1 {
      %broadcast_in_dim3A_133 = arith.constant 0.000000e+00 : f32
      %broadcast_in_dim3A_134 = vector.broadcast %broadcast_in_dim3A_133 : f32 to vector<1x1xf32>
      %swap3A_135 = arith.constant 0 : index
      %swap3A_136 = arith.constant 0 : index
      %swap3A_137 = vector.load %arg13[%swap3A_135, %swap3A_136] : memref<1x1xf32, #tpu.memory_space<vmem>>, vector<1x1xf32>
      tpu.vector_store %arg13[%swap3A_135, %swap3A_136], %broadcast_in_dim3A_134 {strides = array<i32>} : memref<1x1xf32, #tpu.memory_space<vmem>>, vector<1x1xf32>,
      %broadcast_in_dim3A_138 = arith.constant 0.000000e+00 : f32
      %broadcast_in_dim3A_139 = vector.broadcast %broadcast_in_dim3A_138 : f32 to vector<1x1xf32>
      %swap3A_140 = arith.constant 0 : index
      %swap3A_141 = arith.constant 0 : index
      %swap3A_142 = vector.load %arg14[%swap3A_140, %swap3A_141] : memref<1x1xf32, #tpu.memory_space<vmem>>, vector<1x1xf32>
      tpu.vector_store %arg14[%swap3A_140, %swap3A_141], %broadcast_in_dim3A_139 {strides = array<i32>} : memref<1x1xf32, #tpu.memory_space<vmem>>, vector<1x1xf32>,
      %broadcast_in_dim3A_143 = arith.constant 0.000000e+00 : f32
      %broadcast_in_dim3A_144 = vector.broadcast %broadcast_in_dim3A_143 : f32 to vector<1x8192xf32>
      %swap3A_145 = arith.constant 0 : index
      %swap3A_146 = arith.constant 0 : index
      %swap3A_147 = vector.load %arg15[%swap3A_145, %swap3A_146] : memref<1x8192xf32, #tpu.memory_space<vmem>>, vector<1x8192xf32>
      tpu.vector_store %arg15[%swap3A_145, %swap3A_146], %broadcast_in_dim3A_144 {strides = array<i32>} : memref<1x8192xf32, #tpu.memory_space<vmem>>, vector<1x8192xf32>,
    } else {
    }
    %get3A = arith.constant 0 : index
    %get3A_2 = arith.constant 0 : index
    %get3A_3 = vector.load %arg1[%get3A, %get3A_2] : memref<4096x128xf32, #tpu.memory_space<vmem>>, vector<4096x32xf32>
    %get3A_4 = arith.constant 0 : index
    %get3A_5 = arith.constant 0 : index
    %get3A_6 = vector.load %arg3[%get3A_4, %get3A_5] : memref<4096x32xf32, #tpu.memory_space<vmem>>, vector<4096x32xf32>
    %concatenate3A = tpu.concatenate %get3A_3, %get3A_6 in 1 : vector<4096x32xf32>, vector<4096x32xf32> -> vector<4096x64xf32>
    %get3A_7 = arith.constant 0 : index
    %get3A_8 = arith.constant 0 : index
    %get3A_9 = vector.load %arg5[%get3A_7, %get3A_8] : memref<64x64xf32, #tpu.memory_space<vmem>>, vector<64x64xf32>
    %dot_general3A = arith.constant dense<0.000000e+00> : vector<4096x64xf32>
    %dot_general3A_10 = tpu.matmul %concatenate3A, %get3A_9, %dot_general3A {dimension_numbers = #tpu.dot_dimension_numbers<[1], [0], [0], [1], [0, 0, 1, 1], [], []>, transpose_lhs_hint = false} : vector<4096x64xf32>, vector<64x64xf32>, vector<4096x64xf32> -> vector<4096x64xf32>
    %get3A_11 = arith.constant 0 : index
    %get3A_12 = arith.constant 0 : index
    %get3A_13 = vector.load %arg6[%get3A_11, %get3A_12] : memref<1x64xf32, #tpu.memory_space<vmem>>, vector<1x64xf32>
    %add3A = vector.broadcast %get3A_13 : vector<1x64xf32> to vector<4096x64xf32>
    %add3A_14 = arith.addf %dot_general3A_10, %add3A : vector<4096x64xf32>
    %max3A = arith.constant 0.000000e+00 : f32
    %max3A_15 = vector.broadcast %max3A : f32 to vector<4096x64xf32>
    %max3A_16 = arith.maximumf %add3A_14, %max3A_15 : vector<4096x64xf32>
    %get3A_17 = arith.constant 0 : index
    %get3A_18 = arith.constant 0 : index
    %get3A_19 = arith.constant 0 : index
    %get3A_20 = vector.load %arg7[%get3A_17, %get3A_18, %get3A_19] : memref<2x64x64xf32, #tpu.memory_space<vmem>>, vector<1x64x64xf32>
    %get3A_21 = vector.shape_cast %get3A_20 : vector<1x64x64xf32> to vector<64x64xf32>
    %dot_general3A_22 = arith.constant dense<0.000000e+00> : vector<4096x64xf32>
    %dot_general3A_23 = tpu.matmul %max3A_16, %get3A_21, %dot_general3A_22 {dimension_numbers = #tpu.dot_dimension_numbers<[1], [0], [0], [1], [0, 0, 1, 1], [], []>, transpose_lhs_hint = false} : vector<4096x64xf32>, vector<64x64xf32>, vector<4096x64xf32> -> vector<4096x64xf32>
    %get3A_24 = arith.constant 0 : index
    %get3A_25 = arith.constant 0 : index
    %get3A_26 = vector.load %arg8[%get3A_24, %get3A_25] : memref<2x64xf32, #tpu.memory_space<vmem>>, vector<1x64xf32>
    %get3A_27 = vector.shape_cast %get3A_26 : vector<1x64xf32> to vector<64xf32>
    %broadcast_in_dim3A = vector.shape_cast %get3A_27 : vector<64xf32> to vector<1x64xf32>
    %add3A_28 = vector.broadcast %broadcast_in_dim3A : vector<1x64xf32> to vector<4096x64xf32>
    %add3A_29 = arith.addf %dot_general3A_23, %add3A_28 : vector<4096x64xf32>
    %max3A_30 = arith.constant 0.000000e+00 : f32
    %max3A_31 = vector.broadcast %max3A_30 : f32 to vector<4096x64xf32>
    %max3A_32 = arith.maximumf %add3A_29, %max3A_31 : vector<4096x64xf32>
    %add3A_33 = arith.addf %max3A_32, %max3A_16 : vector<4096x64xf32>
    %get3A_34 = arith.constant 1 : index
    %get3A_35 = arith.constant 0 : index
    %get3A_36 = arith.constant 0 : index
    %get3A_37 = vector.load %arg7[%get3A_34, %get3A_35, %get3A_36] : memref<2x64x64xf32, #tpu.memory_space<vmem>>, vector<1x64x64xf32>
    %get3A_38 = vector.shape_cast %get3A_37 : vector<1x64x64xf32> to vector<64x64xf32>
    %dot_general3A_39 = arith.constant dense<0.000000e+00> : vector<4096x64xf32>
    %dot_general3A_40 = tpu.matmul %add3A_33, %get3A_38, %dot_general3A_39 {dimension_numbers = #tpu.dot_dimension_numbers<[1], [0], [0], [1], [0, 0, 1, 1], [], []>, transpose_lhs_hint = false} : vector<4096x64xf32>, vector<64x64xf32>, vector<4096x64xf32> -> vector<4096x64xf32>
    %get3A_41 = arith.constant 1 : index
    %get3A_42 = arith.constant 0 : index
    %get3A_43 = vector.load %arg8[%get3A_41, %get3A_42] : memref<2x64xf32, #tpu.memory_space<vmem>>, vector<1x64xf32>
    %get3A_44 = vector.shape_cast %get3A_43 : vector<1x64xf32> to vector<64xf32>
    %broadcast_in_dim3A_45 = vector.shape_cast %get3A_44 : vector<64xf32> to vector<1x64xf32>
    %add3A_46 = vector.broadcast %broadcast_in_dim3A_45 : vector<1x64xf32> to vector<4096x64xf32>
    %add3A_47 = arith.addf %dot_general3A_40, %add3A_46 : vector<4096x64xf32>
    %max3A_48 = arith.constant 0.000000e+00 : f32
    %max3A_49 = vector.broadcast %max3A_48 : f32 to vector<4096x64xf32>
    %max3A_50 = arith.maximumf %add3A_47, %max3A_49 : vector<4096x64xf32>
    %add3A_51 = arith.addf %max3A_50, %add3A_33 : vector<4096x64xf32>
    %get3A_52 = arith.constant 0 : index
    %get3A_53 = arith.constant 0 : index
    %get3A_54 = vector.load %arg9[%get3A_52, %get3A_53] : memref<64x32xf32, #tpu.memory_space<vmem>>, vector<64x32xf32>
    %dot_general3A_55 = arith.constant dense<0.000000e+00> : vector<4096x32xf32>
    %dot_general3A_56 = tpu.matmul %add3A_51, %get3A_54, %dot_general3A_55 {dimension_numbers = #tpu.dot_dimension_numbers<[1], [0], [0], [1], [0, 0, 1, 1], [], []>, transpose_lhs_hint = false} : vector<4096x64xf32>, vector<64x32xf32>, vector<4096x32xf32> -> vector<4096x32xf32>
    %add3A_57 = arith.addf %get3A_3, %dot_general3A_56 : vector<4096x32xf32>
    %get3A_58 = arith.constant 0 : index
    %get3A_59 = arith.constant 0 : index
    %get3A_60 = vector.load %arg10[%get3A_58, %get3A_59] : memref<1x32xf32, #tpu.memory_space<vmem>>, vector<1x32xf32>
    %add3A_61 = vector.broadcast %get3A_60 : vector<1x32xf32> to vector<4096x32xf32>
    %add3A_62 = arith.addf %add3A_57, %add3A_61 : vector<4096x32xf32>
    %get3A_63 = arith.constant 0 : index
    %get3A_64 = arith.constant 0 : index
    %get3A_65 = vector.load %arg2[%get3A_63, %get3A_64] : memref<4096x32xf32, #tpu.memory_space<vmem>>, vector<4096x32xf32>
    %sub3A = arith.subf %get3A_65, %add3A_62 : vector<4096x32xf32>
    %reshape3A = vector.shape_cast %sub3A : vector<4096x32xf32> to vector<256x16x32xf32>
    %mul3A = arith.mulf %reshape3A, %reshape3A : vector<256x16x32xf32>
    %reduce_sum3A = arith.constant dense<0.000000e+00> : vector<256x16xf32>
    %reduce_sum3A_66 = vector.multi_reduction <add>, %mul3A, %reduce_sum3A [2] : vector<256x16x32xf32> to vector<256x16xf32>
    %reduce_min3A = arith.constant dense<0x7F800000> : vector<256xf32>
    %reduce_min3A_67 = vector.multi_reduction <minimumf>, %reduce_sum3A_66, %reduce_min3A [1] : vector<256x16xf32> to vector<256xf32>
    %broadcast_in_dim3A_68 = vector.shape_cast %reduce_min3A_67 : vector<256xf32> to vector<256x1xf32>
    %iota3A = tpu.iota {dimensions = array<i32: 1>} : vector<256x16xi32>
    %eq3A_69 = vector.broadcast %broadcast_in_dim3A_68 : vector<256x1xf32> to vector<256x16xf32>
    %eq3A_70 = arith.cmpf oeq, %reduce_sum3A_66, %eq3A_69 : vector<256x16xf32>
    %jit3A = arith.constant 16 : i32
    %broadcast_in_dim3A_71 = vector.broadcast %jit3A : i32 to vector<256x16xi32>
    %select_n3A = arith.select %eq3A_70, %iota3A, %broadcast_in_dim3A_71 : vector<256x16xi1>, vector<256x16xi32>
    %reduce_min3A_72 = arith.constant dense<2147483647> : vector<256xi32>
    %reduce_min3A_73 = vector.multi_reduction <minsi>, %select_n3A, %reduce_min3A_72 [1] : vector<256x16xi32> to vector<256xi32>
    %broadcast_in_dim3A_74 = vector.shape_cast %reduce_min3A_73 : vector<256xi32> to vector<256x1xi32>
    %eq3A_75 = vector.broadcast %broadcast_in_dim3A_74 : vector<256x1xi32> to vector<256x16xi32>
    %eq3A_76 = arith.cmpi eq, %iota3A, %eq3A_75 : vector<256x16xi32>
    %get3A_77 = arith.constant 0 : index
    %get3A_78 = arith.constant 0 : index
    %get3A_79 = vector.load %arg4[%get3A_77, %get3A_78] : memref<256x16xi32, #tpu.memory_space<vmem>>, vector<256x16xi32>
    %jit3A_80 = arith.constant 0 : i32
    %broadcast_in_dim3A_81 = vector.broadcast %jit3A_80 : i32 to vector<256x16xi32>
    %select_n3A_82 = arith.select %eq3A_76, %get3A_79, %broadcast_in_dim3A_81 : vector<256x16xi1>, vector<256x16xi32>
    %reduce_sum3A_83 = arith.constant dense<0> : vector<256xi32>
    %reduce_sum3A_84 = vector.multi_reduction <add>, %select_n3A_82, %reduce_sum3A_83 [1] : vector<256x16xi32> to vector<256xi32>
    %broadcast_in_dim3A_85 = vector.shape_cast %reduce_sum3A_84 : vector<256xi32> to vector<256x1xi32>
    %swap3A = arith.constant 0 : index
    %swap3A_86 = arith.constant 0 : index
    %swap3A_87 = vector.load %arg12[%swap3A, %swap3A_86] : memref<256x1xi32, #tpu.memory_space<vmem>>, vector<256x1xi32>
    tpu.vector_store %arg12[%swap3A, %swap3A_86], %broadcast_in_dim3A_85 {strides = array<i32>} : memref<256x1xi32, #tpu.memory_space<vmem>>, vector<256x1xi32>,
    %reshape3A_88 = vector.shape_cast %add3A_62 : vector<4096x32xf32> to vector<256x16x32xf32>
    %convert_element_type3A_89 = arith.extui %eq3A_76 : vector<256x16xi1> to vector<256x16xi32>
    %convert_element_type3A_90 = arith.sitofp %convert_element_type3A_89 : vector<256x16xi32> to vector<256x16xf32>
    %broadcast_in_dim3A_91 = vector.shape_cast %convert_element_type3A_90 : vector<256x16xf32> to vector<256x16x1xf32>
    %mul3A_92 = vector.broadcast %broadcast_in_dim3A_91 : vector<256x16x1xf32> to vector<256x16x32xf32>
    %mul3A_93 = arith.mulf %reshape3A_88, %mul3A_92 : vector<256x16x32xf32>
    %reduce_sum3A_94 = arith.constant dense<0.000000e+00> : vector<256x32xf32>
    %reduce_sum3A_95 = vector.multi_reduction <add>, %mul3A_93, %reduce_sum3A_94 [1] : vector<256x16x32xf32> to vector<256x32xf32>
    %swap3A_96 = arith.constant 0 : index
    %swap3A_97 = arith.constant 0 : index
    %swap3A_98 = vector.load %arg11[%swap3A_96, %swap3A_97] : memref<256x32xf32, #tpu.memory_space<vmem>>, vector<256x32xf32>
    tpu.vector_store %arg11[%swap3A_96, %swap3A_97], %reduce_sum3A_95 {strides = array<i32>} : memref<256x32xf32, #tpu.memory_space<vmem>>, vector<256x32xf32>,
    %get3A_99 = arith.constant 0 : index
    %get3A_100 = arith.constant 0 : index
    %get3A_101 = vector.load %arg13[%get3A_99, %get3A_100] : memref<1x1xf32, #tpu.memory_space<vmem>>, vector<1x1xf32>
    %reduce_sum3A_102 = vector.shape_cast %broadcast_in_dim3A_68 : vector<256x1xf32> to vector<1x256x1xf32>
    %reduce_sum3A_103 = arith.constant dense<0.000000e+00> : vector<1xf32>
    %reduce_sum3A_104 = vector.multi_reduction <add>, %reduce_sum3A_102, %reduce_sum3A_103 [1, 2] : vector<1x256x1xf32> to vector<1xf32>
    %reduce_sum3A_105 = vector.shape_cast %reduce_sum3A_104 : vector<1xf32> to vector<1x1x1xf32>
    %reduce_sum3A_106 = vector.extract %reduce_sum3A_105[0, 0, 0] : f32 from vector<1x1x1xf32>
    %reshape3A_107 = vector.broadcast %reduce_sum3A_106 : f32 to vector<1x1xf32>
    %add3A_108 = arith.addf %get3A_101, %reshape3A_107 : vector<1x1xf32>
    %swap3A_109 = arith.constant 0 : index
    %swap3A_110 = arith.constant 0 : index
    %swap3A_111 = vector.load %arg13[%swap3A_109, %swap3A_110] : memref<1x1xf32, #tpu.memory_space<vmem>>, vector<1x1xf32>
    tpu.vector_store %arg13[%swap3A_109, %swap3A_110], %add3A_108 {strides = array<i32>} : memref<1x1xf32, #tpu.memory_space<vmem>>, vector<1x1xf32>,
    %broadcast_in_dim3A_112 = vector.shape_cast %reduce_sum3A_84 : vector<256xi32> to vector<256x1xi32>
    %iota3A_113 = tpu.iota {dimensions = array<i32: 1>} : vector<256x8192xi32>
    %eq3A_114 = vector.broadcast %broadcast_in_dim3A_112 : vector<256x1xi32> to vector<256x8192xi32>
    %eq3A_115 = arith.cmpi eq, %eq3A_114, %iota3A_113 : vector<256x8192xi32>
    %get3A_116 = arith.constant 0 : index
    %get3A_117 = arith.constant 0 : index
    %get3A_118 = vector.load %arg15[%get3A_116, %get3A_117] : memref<1x8192xf32, #tpu.memory_space<vmem>>, vector<1x8192xf32>
    %convert_element_type3A_119 = arith.extui %eq3A_115 : vector<256x8192xi1> to vector<256x8192xi32>
    %convert_element_type3A_120 = arith.sitofp %convert_element_type3A_119 : vector<256x8192xi32> to vector<256x8192xf32>
    %reduce_sum3A_121 = arith.constant dense<0.000000e+00> : vector<8192xf32>
    %reduce_sum3A_122 = vector.multi_reduction <add>, %convert_element_type3A_120, %reduce_sum3A_121 [0] : vector<256x8192xf32> to vector<8192xf32>
    %broadcast_in_dim3A_123 = vector.shape_cast %reduce_sum3A_122 : vector<8192xf32> to vector<1x8192xf32>
    %add3A_124 = arith.addf %get3A_118, %broadcast_in_dim3A_123 : vector<1x8192xf32>
    %swap3A_125 = arith.constant 0 : index
    %swap3A_126 = arith.constant 0 : index
    %swap3A_127 = vector.load %arg15[%swap3A_125, %swap3A_126] : memref<1x8192xf32, #tpu.memory_space<vmem>>, vector<1x8192xf32>
    tpu.vector_store %arg15[%swap3A_125, %swap3A_126], %add3A_124 {strides = array<i32>} : memref<1x8192xf32, #tpu.memory_space<vmem>>, vector<1x8192xf32>,
    %eq3A_128 = arith.constant 3 : i32
    %eq3A_129 = arith.cmpi eq, %arg0, %eq3A_128 : i32
    %convert_element_type3A_130 = arith.extui %eq3A_129 : i1 to i32
    %cond3A_131 = arith.constant 0 : i32
    %cond3A_132 = arith.cmpi ne, %convert_element_type3A_130, %cond3A_131 : i32
    scf.if %cond3A_132 {
      %get3A_133 = arith.constant 0 : index
      %get3A_134 = arith.constant 0 : index
      %get3A_135 = vector.load %arg15[%get3A_133, %get3A_134] : memref<1x8192xf32, #tpu.memory_space<vmem>>, vector<1x8192xf32>
      %div3A = arith.constant 1.024000e+03 : f32
      %div3A_136 = vector.broadcast %div3A : f32 to vector<1x8192xf32>
      %div3A_137 = arith.divf %get3A_135, %div3A_136 : vector<1x8192xf32>
      %add3A_138 = arith.constant 1.000000e-10 : f32
      %add3A_139 = vector.broadcast %add3A_138 : f32 to vector<1x8192xf32>
      %add3A_140 = arith.addf %div3A_137, %add3A_139 : vector<1x8192xf32>
      %log3A = math.log %add3A_140 : vector<1x8192xf32>
      %mul3A_141 = arith.mulf %div3A_137, %log3A : vector<1x8192xf32>
      %reduce_sum3A_142 = vector.shape_cast %mul3A_141 : vector<1x8192xf32> to vector<1x1x8192xf32>
      %reduce_sum3A_143 = arith.constant dense<0.000000e+00> : vector<1xf32>
      %reduce_sum3A_144 = vector.multi_reduction <add>, %reduce_sum3A_142, %reduce_sum3A_143 [1, 2] : vector<1x1x8192xf32> to vector<1xf32>
      %reduce_sum3A_145 = vector.shape_cast %reduce_sum3A_144 : vector<1xf32> to vector<1x1x1xf32>
      %reduce_sum3A_146 = vector.extract %reduce_sum3A_145[0, 0, 0] : f32 from vector<1x1x1xf32>
      %neg3A = arith.constant 0.000000e+00 : f32
      %neg3A_147 = arith.subf %neg3A, %reduce_sum3A_146 : f32
      %exp3A = math.exp %neg3A_147 : f32
      %reshape3A_148 = vector.broadcast %exp3A : f32 to vector<1x1xf32>
      %swap3A_149 = arith.constant 0 : index
      %swap3A_150 = arith.constant 0 : index
      %swap3A_151 = vector.load %arg14[%swap3A_149, %swap3A_150] : memref<1x1xf32, #tpu.memory_space<vmem>>, vector<1x1xf32>
      tpu.vector_store %arg14[%swap3A_149, %swap3A_150], %reshape3A_148 {strides = array<i32>} : memref<1x1xf32, #tpu.memory_space<vmem>>, vector<1x1xf32>,
      %get3A_152 = arith.constant 0 : index
      %get3A_153 = arith.constant 0 : index
      %get3A_154 = vector.load %arg13[%get3A_152, %get3A_153] : memref<1x1xf32, #tpu.memory_space<vmem>>, vector<1x1xf32>
      %mul3A_155 = arith.constant 1.024000e+03 : f32
      %mul3A_156 = arith.constant 3.200000e+01 : f32
      %mul3A_157 = arith.mulf %mul3A_155, %mul3A_156 : f32
      %div3A_158 = vector.broadcast %mul3A_157 : f32 to vector<1x1xf32>
      %div3A_159 = arith.divf %get3A_154, %div3A_158 : vector<1x1xf32>
      %mul3A_160 = arith.constant 2.500000e-01 : f32
      %mul3A_161 = vector.broadcast %mul3A_160 : f32 to vector<1x1xf32>
      %mul3A_162 = arith.mulf %mul3A_161, %div3A_159 : vector<1x1xf32>
      %add3A_163 = arith.addf %div3A_159, %mul3A_162 : vector<1x1xf32>
      %swap3A_164 = arith.constant 0 : index
      %swap3A_165 = arith.constant 0 : index
      %swap3A_166 = vector.load %arg13[%swap3A_164, %swap3A_165] : memref<1x1xf32, #tpu.memory_space<vmem>>, vector<1x1xf32>
      tpu.vector_store %arg13[%swap3A_164, %swap3A_165], %add3A_163 {strides = array<i32>} : memref<1x1xf32, #tpu.memory_space<vmem>>, vector<1x1xf32>,
    } else {
    }
    return
  }
  func.func @transform_0(%arg0: i32) -> (i32, i32) {
    %c0_i32 = arith.constant 0 : i32
    %c0_i32_0 = arith.constant 0 : i32
    return %arg0, %c0_i32 : i32, i32
  }
  func.func @transform_1(%arg0: i32) -> (i32, i32) {
    %c0_i32 = arith.constant 0 : i32
    %c0_i32_0 = arith.constant 0 : i32
    return %arg0, %c0_i32 : i32, i32
  }
  func.func @transform_2(%arg0: i32) -> (i32, i32) {
    %c0_i32 = arith.constant 0 : i32
    %c0_i32_0 = arith.constant 0 : i32
    return %arg0, %c0_i32 : i32, i32
  }
  func.func @transform_3(%arg0: i32) -> (i32, i32) {
    %c0_i32 = arith.constant 0 : i32
    %c0_i32_0 = arith.constant 0 : i32
    return %arg0, %c0_i32 : i32, i32
  }
  func.func @transform_4(%arg0: i32) -> (i32, i32) {
    %c0_i32 = arith.constant 0 : i32
    %c0_i32_0 = arith.constant 0 : i32
    %c0_i32_1 = arith.constant 0 : i32
    return %c0_i32, %c0_i32_0 : i32, i32
  }
  func.func @transform_5(%arg0: i32) -> (i32, i32) {
    %c0_i32 = arith.constant 0 : i32
    %c0_i32_0 = arith.constant 0 : i32
    %c0_i32_1 = arith.constant 0 : i32
    return %c0_i32, %c0_i32_0 : i32, i32
  }
  func.func @transform_6(%arg0: i32) -> (i32, i32, i32) {
    %c0_i32 = arith.constant 0 : i32
    %c0_i32_0 = arith.constant 0 : i32
    %c0_i32_1 = arith.constant 0 : i32
    %c0_i32_2 = arith.constant 0 : i32
    return %c0_i32, %c0_i32_0, %c0_i32_1 : i32, i32, i32
  }
  func.func @transform_7(%arg0: i32) -> (i32, i32) {
    %c0_i32 = arith.constant 0 : i32
    %c0_i32_0 = arith.constant 0 : i32
    %c0_i32_1 = arith.constant 0 : i32
    return %c0_i32, %c0_i32_0 : i32, i32
  }
  func.func @transform_8(%arg0: i32) -> (i32, i32) {
    %c0_i32 = arith.constant 0 : i32
    %c0_i32_0 = arith.constant 0 : i32
    %c0_i32_1 = arith.constant 0 : i32
    return %c0_i32, %c0_i32_0 : i32, i32
  }
  func.func @transform_9(%arg0: i32) -> (i32, i32) {
    %c0_i32 = arith.constant 0 : i32
    %c0_i32_0 = arith.constant 0 : i32
    %c0_i32_1 = arith.constant 0 : i32
    return %c0_i32, %c0_i32_0 : i32, i32
  }
  func.func @transform_10(%arg0: i32) -> (i32, i32) {
    %c0_i32 = arith.constant 0 : i32
    %c0_i32_0 = arith.constant 0 : i32
    return %arg0, %c0_i32 : i32, i32
  }
  func.func @transform_11(%arg0: i32) -> (i32, i32) {
    %c0_i32 = arith.constant 0 : i32
    %c0_i32_0 = arith.constant 0 : i32
    return %arg0, %c0_i32 : i32, i32
  }
  func.func @transform_12(%arg0: i32) -> (i32, i32) {
    %c0_i32 = arith.constant 0 : i32
    %c0_i32_0 = arith.constant 0 : i32
    %c0_i32_1 = arith.constant 0 : i32
    return %c0_i32, %c0_i32_0 : i32, i32
  }
  func.func @transform_13(%arg0: i32) -> (i32, i32) {
    %c0_i32 = arith.constant 0 : i32
    %c0_i32_0 = arith.constant 0 : i32
    %c0_i32_1 = arith.constant 0 : i32
    return %c0_i32, %c0_i32_0 : i32, i32
  }
}

</mosaic_0001>

<sc_bundles>
// kernel: kernel.5.cloned.1.call-start
scs
__scs_entry_jumppad:
0x0: {  	(pc) =	sbr.rel $0x88, $3  }
0x1: {  	(tag) =	ssettag $0x0;
	lr =	simm.s32 $0x1  }
0x2: {  	[smem:$0x3F98] =	sst lr;
	_ =	strace $0xD0000000  }
0x3: {  	_ = 	snop  }
0x4: {  	_ = 	snop  }
0x5: {  	_ = 	snop  }
0x6: {  	_ = 	snop  }
0x7: {  	_ = 	snop  }
__scs_overlays_trampoline_lowered:
0x8: {  	[smem:$0x3FA7] =	sst s0  }
0x9: {  	[smem:$0x3FA8] =	sst s1  }
0xa: {  	[smem:$0x3FA9] =	sst s2  }
0xb: {  	[smem:$0x3FAA] =	sst s3  }
0xc: {  	[smem:$0x3FAB] =	sst s4  }
0xd: {  	[smem:$0x3FAC] =	sst s5  }
0xe: {  	[smem:$0x3FAD] =	sst s6  }
0xf: {  	[smem:$0x3FAE] =	sst s7  }
0x10: {  	[smem:$0x3FAF] =	sst s8  }
0x11: {  	[smem:$0x3FB0] =	sst s9;
	s0 =	simm.s32 @!p0 $0x0  }
0x12: {  	s1 =	sld [smem:$0x3F96];
	s0 =	simm.s32 @p0 $0x1  }
0x13: {  	[smem:$0x3FB1] =	sst s0;
	s0 =	simm.s32 @!p1 $0x0  }
0x14: {  	s2 =	sld [smem:$0x3F95];
	s0 =	simm.s32 @p1 $0x1  }
0x15: {  	[smem:$0x3FB2] =	sst s0;
	s0 =	simm.s32 @!p2 $0x0  }
0x16: {  	s3 =	sld [smem:$0x3FDB];
	s0 =	simm.s32 @p2 $0x1  }
0x17: {  	s4 =	simm.s32 $0x1BF5;
	[smem:$0x3FB4] =	sst s0  }
0x18: {  	s0 =	sld [smem:$0x3F97];
	_ =	swait.ge [sflag:s4], $0x0  }
0x19: {  	s7 =	sld [smem:$0x3F98]  }
0x1a: {  	s8 =	sadd.s32 $0xFFFFE003, lr  }
0x1b: {  	s9 =	sadd.s32 $0xFFFFFEF7, lr;
	s5 =	simm.s32 $0xFFFFFFFF;
	p2 =	slt.u32 s8, $0xFFFFF086  }
0x1c: {  	p1 =	slt.u32 s9, $0xF7A;
	s5 =	simm.s32 @!p2 $0x0  }
0x1d: {  	s5 =	simm.s32 @p1 $0x1;
	p0 =	seq.s32 s7, s2  }
0x1e: {  	s7 =	smul.u32 @!p0 $0xF7A, s2;
	p2 =	seq.s32 @!p0 s5, $0x0  }
0x1f: {  	s9 =	smul.u32 $0xF7A, s1;
	s8 =	simm.s32 @!p0 $0x1BF5;
	p2 =	por !p2, p0  }
0x20: {  	[sflag:s8] =	ssyncset.s32 @!p0 $0xFFFFF086;
	s6 =	sadd.s32 @!p0 s3, s7;
	s7 =	simm.s32 @!p0 $0x108  }
0x21: {  	s3 =	sadd.s32 s3, s9;
	s6 =	sadd.s32 @!p0 $0x88, s6;
	s7 =	simm.s32 @p2 $0x1082  }
0x22: {  	[simem:s7], [sflag:s8] =	dma.local @!p0 [hbm:s6], $0xF7A  }
0x23: {  	s9 =	sor.u32 $0xD0000000, s2;
	s6 =	simm.s32 $0x108;
	_ =	swait.ge @!p0 [sflag:s8], $0x0  }
0x24: {  	s3 =	sadd.s32 $0x88, s3;
	s6 =	simm.s32 @!p1 $0x1082;
	[sflag:s4] =	ssyncset.s32 $0xFFFFF086  }
0x25: {  	[simem:s6], [sflag:s4] =	dma.local [hbm:s3], $0xF7A  }
0x26: {  	[smem:$0x3F98] =	sst s1;
	(tag) =	ssettag s2;
	_ =	strace s9  }
0x27: {  	s1 =	sld [smem:$0x3FA8]  }
0x28: {  	s2 =	sld [smem:$0x3FA9]  }
0x29: {  	s4 =	sld [smem:$0x3FAB]  }
0x2a: {  	p0 =	seq.s32 s5, $0x0;
	s5 =	sld [smem:$0x3FAC]  }
0x2b: {  	s6 =	sld [smem:$0x3FAD]  }
0x2c: {  	s7 =	sld [smem:$0x3FAE]  }
0x2d: {  	s3 =	simm.s32 $0x108;
	s8 =	sld [smem:$0x3FAF]  }
0x2e: {  	s3 =	simm.s32 @!p0 $0x1082;
	s9 =	sld [smem:$0x3FB0]  }
0x2f: {  	lr =	sadd.s32 s0, s3;
	s0 =	sld [smem:$0x3FA7]  }
0x30: {  	s3 =	sld [smem:$0x3FAA]  }
0x31: {  	[smem:$0x3FB3] =	sst s10  }
0x32: {  	s10 =	sld [smem:$0x3FB1];
	_ =	sdelay $0x3  }
0x33: {  	p0 =	seq.s32 s10, $0x1;
	s10 =	sld [smem:$0x3FB3];
	_ =	sdelay $0x3  }
0x34: {  	[smem:$0x3FB3] =	sst s10  }
0x35: {  	s10 =	sld [smem:$0x3FB2];
	_ =	sdelay $0x3  }
0x36: {  	p1 =	seq.s32 s10, $0x1;
	s10 =	sld [smem:$0x3FB3];
	_ =	sdelay $0x3  }
0x37: {  	[smem:$0x3FB3] =	sst s10  }
0x38: {  	s10 =	sld [smem:$0x3FB4]  }
0x39: {  	_ = 	snop;
	(pc) =	sbr.ind lr, $3  }
0x3a: {  	_ = 	snop  }
0x3b: {  	_ = 	snop  }
0x3c: {  	p2 =	seq.s32 s10, $0x1;
	s10 =	sld [smem:$0x3FB3]  }
0x3d: {  	_ =	shalt  }
0x3e: {  	_ =	shalt  }
0x3f: {  	_ =	shalt  }
0x40: {  	_ =	shalt  }
0x41: {  	_ =	shalt  }
0x42: {  	_ =	shalt  }
0x43: {  	_ =	shalt  }
0x44: {  	_ =	shalt  }
0x45: {  	_ =	shalt  }
0x46: {  	_ =	shalt  }
0x47: {  	_ =	shalt  }
0x48: {  	_ =	shalt  }
0x49: {  	_ =	shalt  }
0x4a: {  	_ =	shalt  }
0x4b: {  	_ =	shalt  }
0x4c: {  	_ =	shalt  }
0x4d: {  	_ =	shalt  }
0x4e: {  	_ =	shalt  }
0x4f: {  	_ =	shalt  }
0x50: {  	_ =	shalt  }
0x51: {  	_ =	shalt  }
0x52: {  	_ =	shalt  }
0x53: {  	_ =	shalt  }
0x54: {  	_ =	shalt  }
0x55: {  	_ =	shalt  }
0x56: {  	_ =	shalt  }
0x57: {  	_ =	shalt  }
0x58: {  	_ =	shalt  }
0x59: {  	_ =	shalt  }
0x5a: {  	_ =	shalt  }
0x5b: {  	_ =	shalt  }
0x5c: {  	_ =	shalt  }
0x5d: {  	_ =	shalt  }
0x5e: {  	_ =	shalt  }
0x5f: {  	_ =	shalt  }
0x60: {  	_ =	shalt  }
0x61: {  	_ =	shalt  }
0x62: {  	_ =	shalt  }
0x63: {  	_ =	shalt  }
0x64: {  	_ =	shalt  }
0x65: {  	_ =	shalt  }
0x66: {  	_ =	shalt  }
0x67: {  	_ =	shalt  }
0x68: {  	_ =	shalt  }
0x69: {  	_ =	shalt  }
0x6a: {  	_ =	shalt  }
0x6b: {  	_ =	shalt  }
0x6c: {  	_ =	shalt  }
0x6d: {  	_ =	shalt  }
0x6e: {  	_ =	shalt  }
0x6f: {  	_ =	shalt  }
0x70: {  	_ =	shalt  }
0x71: {  	_ =	shalt  }
0x72: {  	_ =	shalt  }
0x73: {  	_ =	shalt  }
0x74: {  	_ =	shalt  }
0x75: {  	_ =	shalt  }
0x76: {  	_ =	shalt  }
0x77: {  	_ =	shalt  }
0x78: {  	_ =	shalt  }
0x79: {  	_ =	shalt  }
0x7a: {  	_ =	shalt  }
0x7b: {  	_ =	shalt  }
0x7c: {  	_ =	shalt  }
0x7d: {  	_ =	shalt  }
0x7e: {  	_ =	shalt  }
0x7f: {  	_ =	shalt  }
0x80: {  	_ =	shalt  }
0x81: {  	_ =	shalt  }
0x82: {  	_ =	shalt  }
0x83: {  	_ =	shalt  }
0x84: {  	_ =	shalt  }
0x85: {  	_ =	shalt  }
0x86: {  	_ =	shalt  }
0x87: {  	_ =	shalt  }
.Lfunc_end0:
.L_simem_size_0:
called_computation_lowered:
.L_overlay_start_0:
0x88: {  	s2 =	sld [smem:$0x3FD9]  }
0x89: {  	s3 =	sld [smem:$0x3FFE];
	_ =	sdelay $0x1  }
0x8a: {  	s1 =	srdreg.scid  }
0x8b: {  	s0 =	sand.u32 $0x1, s1  }
0x8c: {  	s14 =	sshll.u32 s0, $0xA;
	s2 =	sadd.s32 s3, s2  }
0x8d: {  	s2 =	sadd.s32 s2, s14  }
0x8e: {  	[smem:$0x3FBF] =	sst s2  }
0x8f: {  	_ = 	snop  }
0x90: {  	s2 =	sld [smem:$0x3FD0];
	_ =	sdelay $0x2  }
0x91: {  	s15 =	simm.s32 $0xA;
	s4 =	simm.s32 $0x10  }
0x92: {  	[smem:s4], [sflag:s15] =	dma.local [hbm:s2], $0x1  }
0x93: {  	_ =	swait.eq [sflag:s15], $0x1  }
0x94: {  	[sflag:s15] =	ssyncset.done $0x0  }
0x95: {  	[sflag:s15] =	ssyncadd.s32 $0xFFFFFFFF  }
0x96: {  	s16 =	sld [smem:$0x10];
	(tm) =	ssettm $0x1  }
0x97: {  	s17 =	sld [smem:$0x3FFB];
	_ =	sdelay $0x3  }
0x98: {  	_ =	strace s17  }
0x99: {  	s3 =	sld [smem:$0x3FFC];
	_ =	sdelay $0x3  }
0x9a: {  	_ =	strace s3  }
0x9b: {  	s3 =	sld [smem:$0x3FFD];
	_ =	sdelay $0x3  }
0x9c: {  	_ =	strace s3  }
0x9d: {  	_ =	strace $0x8FFFFFFF  }
0x9e: {  	s18 =	sld [smem:$0x3FDB];
	_ =	sdelay $0x1  }
0x9f: {  	s19 =	simm.s32 $_scs_section_size  }
0xa0: {  	s5 =	simm.s32 $_size__tile_overlayer_lowered;
	s6 =	simm.s32 $_tile_overlayer_lowered  }
0xa1: {  	s22 =	simm.s32 $0x1BFF;
	s21 =	sshll.u32 s6, $0x1;
	s3 =	sadd.s32 s19, s18  }
0xa2: {  	s7 =	simm.s32 $0x0;
	s20 =	sshll.u32 s5, $0x1;
	s5 =	sadd.s32 s21, s3  }
0xa3: {  	[timem:s7], [sflag:s22] =	dma.local [hbm:s5], s20  }
0xa4: {  	_ =	swait.ge [sflag:s22], s20  }
0xa5: {  	s4 =	ssub.s32 $0x0, s20;
	[sflag:s22] =	ssyncset.done $0x0  }
0xa6: {  	[sflag:s22] =	ssyncadd.s32 s4;
	_ =	sdelay $0x1  }
0xa7: {  	s23 =	simm.s32 $0x1B8B  }
0xa8: {  	_ =	swait.ge [sflag:s23], $0x1  }
0xa9: {  	[sflag:s23] =	ssyncset.done $0x0  }
0xaa: {  	s25 =	simm.s32 $0x1B8E;
	s24 =	sld [smem:$0x3FFE];
	[sflag:s23] =	ssyncadd.s32 $0xFFFFFFFF  }
0xab: {  	s26 =	simm.s32 $execute0_lowered;
	[smem:$0x3FD2] =	sst s25  }
0xac: {  	s5 =	sshll.u32 s26, $0x1;
	_ =	strace $0x80000046;
	[dreg:$0x1] =	wrdreg $0xFFFFFFFF  }
0xad: {  	s28 =	simm.s32 $_size_execute0_lowered;
	s3 =	sadd.s32 s3, s5;
	[dreg:$0x0] =	wrdreg $0x0  }
0xae: {  	s5 =	sshll.u32 s28, $0x1;
	[dreg:$0x2] =	wrdreg s3  }
0xaf: {  	[dreg:$0x3] =	wrdreg s5  }
0xb0: {  	[dreg:$0x4] =	wrdreg $0xC0  }
0xb1: {  	_ =	task [dreg:s7], $0x5FFFF  }
0xb2: {  	[dreg:$0x1] =	wrdreg $0xFFFFFFFF  }
0xb3: {  	[dreg:$0x0] =	wrdreg $0x60  }
0xb4: {  	[dreg:$0x2] =	wrdreg s24  }
0xb5: {  	[dreg:$0x3] =	wrdreg s16  }
0xb6: {  	[dreg:$0x4] =	wrdreg $0x9  }
0xb7: {  	_ =	task.clear_ibuf [dreg:s7], $0x5FFFF;
	_ =	strace $0x90000046  }
0xb8: {  	s29 =	simm.s32 $0x9;
	_ =	strace $0x80000048  }
0xb9: {  	_ =	swait.ge [sflag:s29], $0x1  }
0xba: {  	[sflag:s29] =	ssyncadd.s32 $0xFFFFFFFF  }
0xbb: {  	_ =	strace $0x90000048  }
0xbc: {  	_ =	sfence  }
0xbd: {  	s30 =	sld [smem:$0x0];
	_ =	sdelay $0x2  }
0xbe: {  	s31 =	sshll.u32 s1, $0xD;
	s1 =	sshrl.u32 s1, $0x2  }
0xbf: {  	s3 =	sand.u32 $0x4000, s31;
	s1 =	sadd.s32 s1, s30  }
0xc0: {  	s0 =	sor.u32 s3, s0;
	s1 =	sshll.u32 s1, $0x11  }
0xc1: {  	s0 =	sor.u32 s1, s0  }
0xc2: {  	s0 =	sadd.s32 $0x8F2B, s0  }
0xc3: {  	[sflag:s0] =	ssyncadd.remote.s32 $0x1  }
0xc4: {  	_ =	sfence.sel $0xFFFF  }
0xc5: {  	[dreg:$0x0] =	wrdreg $0xFFFFFFFF;
	(pc) =	sbr.abs _section_cstart, $3  }
0xc6: {  	[dreg:$0x1] =	wrdreg $0xFFFFFFFF  }
0xc7: {  	_ =	task.clear_ibuf [dreg:s7], $0x2FFFF;
	_ =	strace $0x9FFFFFFF  }
0xc8: {  	(tm) =	ssettm $0x7FFFFFFF  }
0xc9: {  	_ =	shalt  }
tec
execute0_lowered:
.L_overlay_start_1:
0x0: {  	(tag) =	ssettag $0x1  }
0x1: {  	s5 =	rddreg [dreg:$0x0]  }
0x2: {  	s6 =	rddreg [dreg:$0x1]  }
0x3: {  	s0 =	rddreg [dreg:$0x2]  }
0x4: {  	s2 =	simm.s32 $0x0;
	s4 =	srdreg.scid;
	s1 =	stileid.u32  }
0x5: {  	[smem:$0x7FF] =	sst s2;
	s7 =	sand.u32 $0x1, s4;
	s8 =	sshll.u32 s1, $0x1  }
0x6: {  	s3 =	sadd.s32 $0x1E00, s5;
	s4 =	sadd.s32 $0x102600, s5;
	s10 =	sor.u32 s7, s8  }
0x7: {  	_ =	strace $0x80000047;
	s7 =	ssub.s32 $0x2, s7;
	s8 =	sshll.u32 s10, $0x6  }
0x8: {  	s9 =	sshll.u32 s10, $0xD;
	s11 =	sshrl.u32 s7, $0x1;
	s12 =	sadd.s32 s8, s5  }
0x9: {  	s9 =	sadd.s32 s9, s5;
	s13 =	ssub.s32 s7, s11;
	s11 =	sshll.u32 s10, $0x5  }
0xa: {  	s5 =	sadd.s32 s6, s8;
	s6 =	sadd.s32 $0x101E00, s12;
	s7 =	sadd.s32 $0x122600, s12  }
0xb: {  	s8 =	sadd.s32 $0x122E00, s9;
	s19 =	sor.u32 $0x1, s11;
	s20 =	sor.u32 $0x2, s11  }
0xc: {  	v31 =	vlaneseq.u32;
	v34 =	vimm.s32 $0x0;
	s21 =	sor.u32 $0x3, s11;
	s14 =	sor.u32 $0x4, s11;
	s22 =	sor.u32 $0x5, s11  }
0xd: {  	v33 =	vmul.u32 $0x88, v31;
	v35 =	vor.u32 $0x10, v31;
	v36 =	vor.u32 $0x20, v31;
	s23 =	sor.u32 $0x6, s11;
	s24 =	sor.u32 $0x7, s11;
	s25 =	sor.u32 $0x8, s11  }
0xe: {  	v42 =	vmul.u32 $0xFFFFFFFF, v31;
	v37 =	vor.u32 $0x30, v31;
	v38 =	vor.u32 $0x40, v31;
	s26 =	sor.u32 $0x9, s11;
	s28 =	sor.u32 $0xA, s11;
	s29 =	sor.u32 $0xB, s11  }
0xf: {  	v39 =	vor.u32 $0x50, v31;
	v40 =	vor.u32 $0x60, v31;
	v41 =	vor.u32 $0x70, v31;
	s30 =	sor.u32 $0xC, s11;
	s31 =	sor.u32 $0xD, s11;
	s15 =	sor.u32 $0xE, s11  }
0x10: {  	v42 =	vadd.s32 $0xF, v42;
	v0 =	vmov s11;
	s16 =	sor.u32 $0xF, s11;
	s17 =	sor.u32 $0x10, s11;
	s18 =	sor.u32 $0x11, s11;
	v1 =	vmov s19  }
0x11: {  	s9 =	smax.u32 s13, $0x1;
	s12 =	simm.s32 $0x80;
	s13 =	simm.s32 $0x400;
	v2 =	vmov s20;
	v3 =	vmov s21;
	v4 =	vmov s14  }
0x12: {  	v5 =	vmov s22;
	v6 =	vmov s23;
	v7 =	vmov s24;
	s19 =	sor.u32 $0x12, s11;
	s20 =	sor.u32 $0x13, s11;
	s21 =	sor.u32 $0x14, s11  }
0x13: {  	v8 =	vmov s25;
	v9 =	vmov s26;
	v10 =	vmov s28;
	s22 =	sor.u32 $0x15, s11;
	s23 =	sor.u32 $0x16, s11;
	s24 =	sor.u32 $0x17, s11  }
0x14: {  	v11 =	vmov s29;
	v12 =	vmov s30;
	v13 =	vmov s31;
	s25 =	sor.u32 $0x18, s11;
	s26 =	sor.u32 $0x19, s11;
	s28 =	sor.u32 $0x1A, s11  }
0x15: {  	v14 =	vmov s15;
	v15 =	vmov s16;
	v16 =	vmov s17;
	s29 =	sor.u32 $0x1B, s11;
	s15 =	sor.u32 $0x1C, s11;
	s30 =	sor.u32 $0x1D, s11  }
.Ltmp0:
0x16: {  	v17 =	vmov s18;
	s11 =	sor.u32 $0x1E, s11;
	s31 =	sshllo.u32 s10, $0x5;
	v18 =	vmov s19;
	v19 =	vmov s20;
	(pc) =	sbr.rel .LBB2_1-.Ltmp0, $4  }
0x17: {  	s10 =	simm.s32 $0x2;
	s14 =	simm.s32 $0x600;
	s16 =	simm.s32 $0x4600;
	v20 =	vmov s21;
	v21 =	vmov s22;
	v22 =	vmov s23  }
0x18: {  	s17 =	simm.s32 $0x4E80;
	s18 =	simm.s32 $0x480;
	v23 =	vmov s24;
	v24 =	vmov s25;
	v30 =	vmov s11;
	s11 =	simm.s32 $0x200  }
0x19: {  	v25 =	vmov s26;
	v26 =	vmov s28;
	v28 =	vmov s15;
	s15 =	simm.s32 $0x1;
	s19 =	simm.s32 $0x500;
	s20 =	simm.s32 $0x580  }
0x1a: {  	v27 =	vmov s29;
	v29 =	vmov s30;
	v32 =	vmov s31;
	s21 =	simm.s32 $0x5700;
	s22 =	simm.s32 $0x5900;
	s23 =	simm.s32 $0x0  }
.LBB2_41:
0x1b: {  	[hbm4b:s7+s2] =	stream.linear.scatter [tilespmem:s21], [sflag:$0x2], $0x200, $0x38;
	[tilespmem:$0x15900] =	vst v63  }
0x1c: {  	_ =	swait.ge [sflag:s10], $0x200  }
0x1d: {  	[sflag:s10] =	ssyncset.done $0x0  }
0x1e: {  	[sflag:s10] =	ssyncadd.s32 $0xFFFFFE00  }
0x1f: {  	[tilespmem:s22], [sflag:$0x1] =	stream.indirect.gather [hbm4b:s4+s11], $0x80, s21, s11, $0xb8;
	[tilespmem:$0x15900] =	vst v63  }
0x20: {  	s23 =	sadd.s32 $0x1, s23;
	_ =	swait.ge [sflag:s15], $0x10000  }
0x21: {  	p0 =	sne.s32 s23, s9;
	[sflag:s15] =	ssyncset.done $0x0  }
.Ltmp1:
0x22: {  	[sflag:s15] =	ssyncadd.s32 $0xFFFF0000;
	(pc) =	sbr.rel @!p0 .LBB2_42-.Ltmp1, $4  }
0x23: {  	[hbm4b:s8+s2] =	stream.linear.scatter [tilespmem:s22], [sflag:$0x2], $0x10000, $0x38;
	[tilespmem:$0x15900] =	vst v63  }
0x24: {  	_ =	swait.ge [sflag:s10], $0x10000  }
0x25: {  	[sflag:s10] =	ssyncset.done $0x0  }
0x26: {  	[sflag:s10] =	ssyncadd.s32 $0xFFFF0000  }
.LBB2_1:
0x27: {  	[tilespmem:s2], [sflag:$0x2] =	stream.linear.gather [hbm4b:s5+s2], $0x200, $0x38;
	[tilespmem:$0x15900] =	vst v63  }
0x28: {  	_ =	swait.ge [sflag:s10], $0x200  }
0x29: {  	[sflag:s10] =	ssyncset.done $0x0  }
0x2a: {  	[sflag:s10] =	ssyncadd.s32 $0xFFFFFE00  }
0x2b: {  	[tilespmem:s11], [sflag:$0x2] =	stream.linear.gather [hbm4b:s6+s2], $0x200, $0x38;
	[tilespmem:$0x15900] =	vst v63  }
0x2c: {  	_ =	swait.ge [sflag:s10], $0x200  }
0x2d: {  	[sflag:s10] =	ssyncset.done $0x0  }
0x2e: {  	[sflag:s10] =	ssyncadd.s32 $0xFFFFFE00  }
0x2f: {  	v43 =	vld [tilespmem:$0x0]  }
0x30: {  	v44 =	vld [tilespmem:$0x10]  }
0x31: {  	v45 =	vld [tilespmem:$0x20]  }
0x32: {  	v46 =	vld [tilespmem:$0x30]  }
0x33: {  	v47 =	vld [tilespmem:$0x40]  }
0x34: {  	v48 =	vld [tilespmem:$0x50]  }
0x35: {  	v49 =	vld [tilespmem:$0x60];
	v43 =	vshll.u32 v43, $0xA  }
0x36: {  	v54 =	vld [tilespmem:$0x80];
	v44 =	vshll.u32 v44, $0xA;
	v43 =	vor.u32 v0, v43  }
0x37: {  	v57 =	vld [tilespmem:$0x90];
	v51 =	vshll.u32 v45, $0xA;
	v50 =	vor.u32 v1, v44;
	[tilespmem:$0x400] =	vst v43  }
0x38: {  	v60 =	vld [tilespmem:$0xA0];
	v53 =	vshll.u32 v46, $0xA;
	v52 =	vor.u32 v2, v51;
	[tilespmem:$0x410] =	vst v50  }
0x39: {  	v63 =	vld [tilespmem:$0xB0];
	v56 =	vshll.u32 v47, $0xA;
	v55 =	vor.u32 v3, v53;
	[tilespmem:$0x420] =	vst v52  }
0x3a: {  	v45 =	vld [tilespmem:$0x70];
	v59 =	vshll.u32 v48, $0xA;
	v58 =	vor.u32 v4, v56;
	[tilespmem:$0x430] =	vst v55  }
0x3b: {  	v62 =	vshll.u32 v49, $0xA;
	v61 =	vor.u32 v5, v59;
	v53 =	vshll.u32 v54, $0xA;
	v54 =	vld [tilespmem:$0xD0];
	[tilespmem:$0x440] =	vst v58  }
0x3c: {  	v56 =	vshll.u32 v57, $0xA;
	v57 =	vld [tilespmem:$0xE0];
	[tilespmem:$0x450] =	vst v61;
	v50 =	vor.u32 v6, v62  }
0x3d: {  	v59 =	vshll.u32 v60, $0xA;
	v60 =	vld [tilespmem:$0xF0];
	v55 =	vor.u32 v8, v53;
	[tilespmem:$0x460] =	vst v50  }
0x3e: {  	v58 =	vor.u32 v9, v56;
	v62 =	vshll.u32 v63, $0xA;
	v63 =	vld [tilespmem:$0x100];
	[tilespmem:$0x480] =	vst v55  }
0x3f: {  	v61 =	vor.u32 v10, v59;
	[tilespmem:$0x490] =	vst v58;
	v51 =	vshll.u32 v45, $0xA;
	v45 =	vld [tilespmem:$0xC0]  }
0x40: {  	[tilespmem:$0x4A0] =	vst v61;
	v50 =	vor.u32 v11, v62;
	v53 =	vshll.u32 v54, $0xA;
	v54 =	vld [tilespmem:$0x120]  }
0x41: {  	[tilespmem:$0x4B0] =	vst v50;
	v52 =	vor.u32 v7, v51;
	v56 =	vshll.u32 v57, $0xA;
	v57 =	vld [tilespmem:$0x130]  }
0x42: {  	v59 =	vshll.u32 v60, $0xA;
	v60 =	vld [tilespmem:$0x140];
	[tilespmem:$0x470] =	vst v52;
	v55 =	vor.u32 v13, v53  }
0x43: {  	v46 =	vld [tilespmem:$0x170];
	v58 =	vor.u32 v14, v56;
	[tilespmem:$0x4D0] =	vst v55  }
0x44: {  	v61 =	vor.u32 v15, v59;
	v62 =	vshll.u32 v63, $0xA;
	v63 =	vld [tilespmem:$0x150];
	[tilespmem:$0x4E0] =	vst v58;
	v51 =	vshll.u32 v45, $0xA  }
0x45: {  	[tilespmem:$0x4F0] =	vst v61;
	v45 =	vld [tilespmem:$0x110];
	v52 =	vor.u32 v12, v51  }
0x46: {  	v51 =	vor.u32 v16, v62;
	v54 =	vshll.u32 v54, $0xA;
	v56 =	vshll.u32 v57, $0xA;
	v57 =	vld [tilespmem:$0x180];
	[tilespmem:$0x4C0] =	vst v52  }
0x47: {  	v59 =	vshll.u32 v60, $0xA;
	v60 =	vld [tilespmem:$0x190];
	[tilespmem:$0x500] =	vst v51;
	v55 =	vor.u32 v18, v54  }
0x48: {  	v58 =	vor.u32 v19, v56;
	[tilespmem:$0x520] =	vst v55;
	v55 =	vshll.u32 v46, $0xA;
	v46 =	vld [tilespmem:$0x1C0]  }
0x49: {  	v61 =	vor.u32 v20, v59;
	[tilespmem:$0x530] =	vst v58;
	v58 =	vld [tilespmem:$0x1D0]  }
0x4a: {  	[tilespmem:$0x540] =	vst v61;
	v56 =	vor.u32 v23, v55;
	v52 =	vshll.u32 v45, $0xA;
	v45 =	vld [tilespmem:$0x160]  }
0x4b: {  	v62 =	vshll.u32 v63, $0xA;
	v61 =	vld [tilespmem:$0x1E0];
	[tilespmem:$0x570] =	vst v56;
	v53 =	vor.u32 v17, v52  }
0x4c: {  	v52 =	vor.u32 v21, v62;
	v57 =	vshll.u32 v57, $0xA;
	[tilespmem:$0x510] =	vst v53  }
0x4d: {  	v63 =	vld [tilespmem:$0x1A0];
	v60 =	vshll.u32 v60, $0xA;
	[tilespmem:$0x550] =	vst v52;
	v59 =	vor.u32 v24, v57  }
0x4e: {  	v62 =	vor.u32 v25, v60;
	v52 =	vld [tilespmem:$0x1F0];
	[tilespmem:$0x580] =	vst v59;
	v56 =	vshll.u32 v46, $0xA  }
0x4f: {  	[tilespmem:$0x590] =	vst v62;
	v58 =	vshll.u32 v58, $0xA;
	v57 =	vor.u32 v28, v56;
	v53 =	vshll.u32 v45, $0xA;
	v45 =	vld [tilespmem:$0x1B0]  }
0x50: {  	v60 =	vshll.u32 v61, $0xA;
	v59 =	vor.u32 v29, v58;
	[tilespmem:$0x5C0] =	vst v57  }
0x51: {  	v61 =	vor.u32 v30, v60;
	[tilespmem:$0x5D0] =	vst v59  }
0x52: {  	v63 =	vshll.u32 v63, $0xA;
	[tilespmem:$0x5E0] =	vst v61;
	v54 =	vor.u32 v22, v53  }
0x53: {  	v53 =	vor.u32 v26, v63;
	[tilespmem:$0x560] =	vst v54;
	v62 =	vshll.u32 v52, $0xA  }
0x54: {  	[tilespmem:$0x5A0] =	vst v53;
	v63 =	vor.u32 v32, v62;
	v54 =	vshll.u32 v45, $0xA  }
0x55: {  	[tilespmem:$0x5F0] =	vst v63;
	v55 =	vor.u32 v27, v54  }
.Ltmp2:
0x56: {  	[tilespmem:$0x5B0] =	vst v55;
	(pc) =	sbr.rel .LBB2_2-.Ltmp2, $4  }
0x57: {  	[tilespmem:s14], [sflag:$0x1] =	stream.indirect.gather [hbm4b:s3+s12], $0x80, s13, s12, $0xb8;
	[tilespmem:$0x15900] =	vst v63  }
0x58: {  	_ =	swait.ge [sflag:s15], $0x4000  }
0x59: {  	[sflag:s15] =	ssyncset.done $0x0  }
0x5a: {  	s24 =	simm.s32 $0x640;
	s25 =	simm.s32 $0x0;
	[sflag:s15] =	ssyncadd.s32 $0xFFFFC000  }
.LBB2_6:
0x5b: {  	_ = 	snop  }
.LBB2_9:
0x5c: {  	_ =	sdelay $0x6  }
0x5d: {  	v43, v46, _ =	vpop (xrf1)  }
0x5e: {  	v43 =	vperm.xlane v43, v42;
	v47, v48, _ =	vpop @p0 (xrf1)  }
0x5f: {  	v46 =	vperm.xlane v46, v42;
	v45 =	vpsel p0, v47, v45  }
0x60: {  	v44 =	vpsel p0, v48, v44;
	vm0 =	vle.f32 v45, v43  }
0x61: {  	v43 =	vsel vm0, v45, v43;
	v44 =	vsel vm0, v44, v46  }
0x62: {  	(xrf1) =	vsort.ascd.msk.f32 $0xffff, v43, v44;
	_ =	sdelay $0xd  }
0x63: {  	v43, v44, _ =	vpop (xrf1)  }
.LBB2_10:
0x64: {  	s25 =	sadd.s32 $0x1, s25  }
0x65: {  	p0 =	sne.s32 s25, $0x8  }
.Ltmp3:
0x66: {  	_ = 	snop;
	(pc) =	sbr.rel @!p0 .LBB2_11-.Ltmp3, $2  }
0x67: {  	_ =	sdelay $0x2  }
0x68: {  	[tilespmem:s26+$0x5700] =	vst v44;
	s24 =	sadd.s32 $0x800, s24  }
.LBB2_2:
0x69: {  	s26 =	sshll.u32 s25, $0x4  }
0x6a: {  	v44 =	vld [tilespmem:s26+$0x200]  }
0x6b: {  	s28 =	simm.s32 $0x0;
	v43 =	vimm.s32 $0x0;
	s29 =	smov.u32 s24;
	v45 =	vld [tilespmem:s26+$0x0]  }
.LBB2_3:
0x6c: {  	v46 =	vld [tilespmem:s29+$0xFFFFFFC0];
	_ =	sdelay $0x4  }
0x6d: {  	vm0 =	vle.f32 v46, v44  }
0x6e: {  	v47 =	vadd.s32 v33, v43  }
0x6f: {  	v48 =	vmov s28  }
0x70: {  	v48 =	vperm.xlane v45, v48;
	_ =	sdelay $0x1  }
0x71: {  	v48 =	vshll.u32 v48, $0x7  }
0x72: {  	v49 =	vor.u32 v31, v48;
	[tilespmem:v47+s16+$0x0] =	vst.idx.msk vm0, v46  }
0x73: {  	[tilespmem:v47+s17+$0x0] =	vst.idx.msk vm0, v49  }
0x74: {  	v46 =	vld [tilespmem:s29+$0xFFFFFFD0];
	_ =	sdelay $0x3  }
0x75: {  	v61 =	vsel vm0, $0x1, v34  }
0x76: {  	v62 =	vadd.s32 v61, v43;
	vm9 =	vle.f32 v46, v44  }
0x77: {  	v47 =	vadd.s32 v33, v62;
	_ =	sdelay $0x4  }
0x78: {  	v63 =	vor.u32 v35, v48;
	[tilespmem:v47+s16+$0x0] =	vst.idx.msk vm9, v46  }
0x79: {  	[tilespmem:v47+s17+$0x0] =	vst.idx.msk vm9, v63  }
0x7a: {  	v46 =	vld [tilespmem:s29+$0xFFFFFFE0];
	_ =	sdelay $0x3  }
0x7b: {  	v52 =	vsel vm9, $0x1, v34  }
0x7c: {  	v43 =	vadd.s32 v52, v62;
	vm10 =	vle.f32 v46, v44  }
0x7d: {  	v47 =	vadd.s32 v33, v43;
	_ =	sdelay $0x4  }
0x7e: {  	v53 =	vor.u32 v36, v48;
	[tilespmem:v47+s16+$0x0] =	vst.idx.msk vm10, v46  }
0x7f: {  	[tilespmem:v47+s17+$0x0] =	vst.idx.msk vm10, v53  }
0x80: {  	v46 =	vld [tilespmem:s29+$0xFFFFFFF0];
	_ =	sdelay $0x3  }
0x81: {  	v54 =	vsel vm10, $0x1, v34  }
0x82: {  	v43 =	vadd.s32 v54, v43;
	vm11 =	vle.f32 v46, v44  }
0x83: {  	v47 =	vadd.s32 v33, v43;
	_ =	sdelay $0x4  }
0x84: {  	v55 =	vor.u32 v37, v48;
	[tilespmem:v47+s16+$0x0] =	vst.idx.msk vm11, v46  }
0x85: {  	[tilespmem:v47+s17+$0x0] =	vst.idx.msk vm11, v55  }
0x86: {  	v46 =	vld [tilespmem:s29+$0x0];
	_ =	sdelay $0x3  }
0x87: {  	v56 =	vsel vm11, $0x1, v34  }
0x88: {  	v43 =	vadd.s32 v56, v43;
	vm12 =	vle.f32 v46, v44  }
0x89: {  	v47 =	vadd.s32 v33, v43;
	_ =	sdelay $0x4  }
0x8a: {  	v57 =	vor.u32 v38, v48;
	[tilespmem:v47+s16+$0x0] =	vst.idx.msk vm12, v46  }
0x8b: {  	[tilespmem:v47+s17+$0x0] =	vst.idx.msk vm12, v57  }
0x8c: {  	v46 =	vld [tilespmem:s29+$0x10];
	_ =	sdelay $0x3  }
0x8d: {  	v58 =	vsel vm12, $0x1, v34  }
0x8e: {  	v43 =	vadd.s32 v58, v43;
	vm13 =	vle.f32 v46, v44  }
0x8f: {  	v47 =	vadd.s32 v33, v43;
	_ =	sdelay $0x4  }
0x90: {  	v59 =	vor.u32 v39, v48;
	[tilespmem:v47+s16+$0x0] =	vst.idx.msk vm13, v46  }
0x91: {  	[tilespmem:v47+s17+$0x0] =	vst.idx.msk vm13, v59  }
0x92: {  	v46 =	vld [tilespmem:s29+$0x20];
	_ =	sdelay $0x3  }
0x93: {  	v60 =	vsel vm13, $0x1, v34  }
0x94: {  	v43 =	vadd.s32 v60, v43;
	vm14 =	vle.f32 v46, v44  }
0x95: {  	v47 =	vadd.s32 v33, v43;
	_ =	sdelay $0x4  }
0x96: {  	v61 =	vor.u32 v40, v48;
	[tilespmem:v47+s16+$0x0] =	vst.idx.msk vm14, v46  }
0x97: {  	[tilespmem:v47+s17+$0x0] =	vst.idx.msk vm14, v61  }
0x98: {  	v46 =	vld [tilespmem:s29+$0x30];
	_ =	sdelay $0x3  }
0x99: {  	v62 =	vsel vm14, $0x1, v34  }
0x9a: {  	v43 =	vadd.s32 v62, v43;
	vm15 =	vle.f32 v46, v44  }
0x9b: {  	v47 =	vadd.s32 v33, v43  }
0x9c: {  	p0 =	sne.s32 s28, $0xF  }
.Ltmp4:
0x9d: {  	_ = 	snop;
	(pc) =	sbr.rel @p0 .LBB2_3-.Ltmp4, $3  }
0x9e: {  	_ =	sdelay $0x1  }
0x9f: {  	v48 =	vor.u32 v41, v48;
	v63 =	vsel vm15, $0x1, v34;
	[tilespmem:v47+s16+$0x0] =	vst.idx.msk vm15, v46  }
0xa0: {  	s28 =	sadd.s32 $0x1, s28;
	s29 =	sadd.s32 $0x80, s29;
	v43 =	vadd.s32 v63, v43;
	[tilespmem:v47+s17+$0x0] =	vst.idx.msk vm15, v48  }
0xa1: {  	v44 =	vxor.u32 $0x80000000, v43  }
0xa2: {  	(xrf0) =	vmax.scan.msk.u32 $0xffff, v44;
	_ =	sdelay $0x5  }
0xa3: {  	v44, _, _ =	vpop (xrf0)  }
0xa4: {  	(v2sf) =	vpush v44, $0xF;
	_ =	sdelay $0xe  }
0xa5: {  	s28 =	spop (v2sf)  }
0xa6: {  	s28 =	sxor.u32 $0x80000000, s28  }
0xa7: {  	p0 =	slt.s32 s28, $0x1  }
.Ltmp5:
0xa8: {  	_ = 	snop;
	(pc) =	sbr.rel @p0 .LBB2_10-.Ltmp5, $2  }
0xa9: {  	_ =	sdelay $0x2  }
0xaa: {  	v44 =	vimm.s32 $0x0  }
0xab: {  	s29 =	simm.s32 $0x0  }
0xac: {  	v45 =	vadd.s32 s29, v33;
	_ =	sdelay $0x4  }
0xad: {  	v46 =	vld.idx.msk [tilespmem:v45+s16+$0x0], $0xffff  }
0xae: {  	v47 =	vld.idx.msk [tilespmem:v45+s17+$0x0], $0xffff;
	_ =	sdelay $0x1  }
0xaf: {  	v63 =	vmov s29  }
0xb0: {  	vm0 =	vlt.s32 v63, v43  }
0xb1: {  	v46 =	vnsel vm0, $0x7F800000, v46  }
0xb2: {  	(xrf1) =	vsort.ascd.msk.f32 $0xffff, v46, v47  }
0xb3: {  	p1 =	sne.s32 s28, $0x1  }
.Ltmp6:
0xb4: {  	_ = 	snop;
	(pc) =	sbr.rel @!p1 .LBB2_6-.Ltmp6, $2  }
0xb5: {  	_ =	sdelay $0x2  }
0xb6: {  	p0 =	por $0x0, $0x0;
	s29 =	simm.s32 $0x1;
	v45 =	vimm.f32 $+Inf  }
0xb7: {  	v46 =	vadd.s32 s29, v33;
	_ =	sdelay $0x4  }
0xb8: {  	v47 =	vld.idx.msk [tilespmem:v46+s16+$0x0], $0xffff  }
0xb9: {  	v46 =	vld.idx.msk [tilespmem:v46+s17+$0x0], $0xffff  }
0xba: {  	v48, v49, _ =	vpop (xrf1)  }
0xbb: {  	v50 =	vmov s29;
	v48 =	vperm.xlane v48, v42  }
0xbc: {  	vm0 =	vlt.s32 v50, v43;
	v49 =	vperm.xlane v49, v42  }
0xbd: {  	v47 =	vnsel vm0, $0x7F800000, v47;
	vm15 =	vle.f32 v45, v48  }
0xbe: {  	(xrf1) =	vsort.ascd.msk.f32 $0xffff, v47, v46;
	v62 =	vsel vm15, v45, v48;
	v63 =	vsel vm15, v44, v49  }
0xbf: {  	p1 =	sne.s32 s28, $0x2;
	(xrf1) =	vsort.ascd.msk.f32 $0xffff, v62, v63  }
.Ltmp7:
0xc0: {  	_ = 	snop;
	(pc) =	sbr.rel @!p1 .LBB2_9-.Ltmp7, $2  }
0xc1: {  	_ =	sdelay $0x2  }
0xc2: {  	s29 =	simm.s32 $0x2;
	p0 =	por $0x1, $0x1  }
.LBB2_8:
0xc3: {  	v46 =	vadd.s32 s29, v33;
	s30 =	smov.u32 s29;
	s29 =	sadd.s32 $0x1, s29  }
0xc4: {  	p1 =	sne.s32 s28, s29;
	_ =	sdelay $0x3  }
0xc5: {  	v47 =	vld.idx.msk [tilespmem:v46+s16+$0x0], $0xffff  }
0xc6: {  	v46 =	vld.idx.msk [tilespmem:v46+s17+$0x0], $0xffff;
	_ =	sdelay $0x2  }
0xc7: {  	v48 =	vmov s30;
	v49, v50, _ =	vpop (xrf1)  }
.Ltmp8:
0xc8: {  	vm0 =	vlt.s32 v48, v43;
	v48 =	vperm.xlane v49, v42;
	(pc) =	sbr.rel @p1 .LBB2_8-.Ltmp8, $4  }
0xc9: {  	v47 =	vnsel vm0, $0x7F800000, v47;
	v49 =	vperm.xlane v50, v42;
	v50, v51, _ =	vpop (xrf1)  }
0xca: {  	(xrf1) =	vsort.ascd.msk.f32 $0xffff, v47, v46;
	vm0 =	vle.f32 v50, v48  }
0xcb: {  	v46 =	vsel vm0, v50, v48;
	v47 =	vsel vm0, v51, v49  }
0xcc: {  	(xrf1) =	vsort.ascd.msk.f32 $0xffff, v46, v47  }
.Ltmp9:
0xcd: {  	_ = 	snop;
	(pc) =	sbr.rel .LBB2_9-.Ltmp9, $1  }
0xce: {  	_ =	sdelay $0x3  }
.LBB2_11:
.Ltmp10:
0xcf: {  	(pc) =	sbr.rel .LBB2_12-.Ltmp10, $4  }
0xd0: {  	[tilespmem:s14], [sflag:$0x1] =	stream.indirect.gather [hbm4b:s3+s12], $0x80, s18, s12, $0xb8;
	[tilespmem:$0x15900] =	vst v63  }
0xd1: {  	_ =	swait.ge [sflag:s15], $0x4000  }
0xd2: {  	[sflag:s15] =	ssyncset.done $0x0  }
0xd3: {  	s24 =	simm.s32 $0x0;
	s25 =	simm.s32 $0x640;
	[sflag:s15] =	ssyncadd.s32 $0xFFFFC000  }
.LBB2_16:
0xd4: {  	_ = 	snop  }
.LBB2_19:
0xd5: {  	_ =	sdelay $0x6  }
0xd6: {  	v43, v46, _ =	vpop (xrf1)  }
0xd7: {  	v43 =	vperm.xlane v43, v42;
	v47, v48, _ =	vpop @p0 (xrf1)  }
0xd8: {  	v46 =	vperm.xlane v46, v42;
	v45 =	vpsel p0, v47, v45  }
0xd9: {  	v44 =	vpsel p0, v48, v44;
	vm0 =	vle.f32 v45, v43  }
0xda: {  	v43 =	vsel vm0, v45, v43;
	v44 =	vsel vm0, v44, v46  }
0xdb: {  	(xrf1) =	vsort.ascd.msk.f32 $0xffff, v43, v44;
	_ =	sdelay $0xd  }
0xdc: {  	v43, v44, _ =	vpop (xrf1)  }
.LBB2_20:
0xdd: {  	s24 =	sadd.s32 $0x1, s24  }
0xde: {  	p0 =	sne.s32 s24, $0x8  }
.Ltmp11:
0xdf: {  	_ = 	snop;
	(pc) =	sbr.rel @!p0 .LBB2_21-.Ltmp11, $2  }
0xe0: {  	_ =	sdelay $0x2  }
0xe1: {  	[tilespmem:s26+$0x5700] =	vst v44;
	s25 =	sadd.s32 $0x800, s25  }
.LBB2_12:
0xe2: {  	s28 =	sshll.u32 s24, $0x4  }
0xe3: {  	v44 =	vld [tilespmem:s28+$0x280]  }
0xe4: {  	v43 =	vimm.s32 $0x0;
	s29 =	simm.s32 $0x0;
	s26 =	sadd.s32 $0x80, s28;
	v45 =	vld [tilespmem:s28+$0x80];
	s28 =	smov.u32 s25  }
.LBB2_13:
0xe5: {  	v46 =	vld [tilespmem:s28+$0xFFFFFFC0];
	_ =	sdelay $0x4  }
0xe6: {  	vm0 =	vle.f32 v46, v44  }
0xe7: {  	v47 =	vadd.s32 v33, v43  }
0xe8: {  	v48 =	vmov s29  }
0xe9: {  	v48 =	vperm.xlane v45, v48;
	_ =	sdelay $0x1  }
0xea: {  	v48 =	vshll.u32 v48, $0x7  }
0xeb: {  	v49 =	vor.u32 v31, v48;
	[tilespmem:v47+s16+$0x0] =	vst.idx.msk vm0, v46  }
0xec: {  	[tilespmem:v47+s17+$0x0] =	vst.idx.msk vm0, v49  }
0xed: {  	v46 =	vld [tilespmem:s28+$0xFFFFFFD0];
	_ =	sdelay $0x3  }
0xee: {  	v61 =	vsel vm0, $0x1, v34  }
0xef: {  	v62 =	vadd.s32 v61, v43;
	vm9 =	vle.f32 v46, v44  }
0xf0: {  	v47 =	vadd.s32 v33, v62;
	_ =	sdelay $0x4  }
0xf1: {  	v63 =	vor.u32 v35, v48;
	[tilespmem:v47+s16+$0x0] =	vst.idx.msk vm9, v46  }
0xf2: {  	[tilespmem:v47+s17+$0x0] =	vst.idx.msk vm9, v63  }
0xf3: {  	v46 =	vld [tilespmem:s28+$0xFFFFFFE0];
	_ =	sdelay $0x3  }
0xf4: {  	v52 =	vsel vm9, $0x1, v34  }
0xf5: {  	v43 =	vadd.s32 v52, v62;
	vm10 =	vle.f32 v46, v44  }
0xf6: {  	v47 =	vadd.s32 v33, v43;
	_ =	sdelay $0x4  }
0xf7: {  	v53 =	vor.u32 v36, v48;
	[tilespmem:v47+s16+$0x0] =	vst.idx.msk vm10, v46  }
0xf8: {  	[tilespmem:v47+s17+$0x0] =	vst.idx.msk vm10, v53  }
0xf9: {  	v46 =	vld [tilespmem:s28+$0xFFFFFFF0];
	_ =	sdelay $0x3  }
0xfa: {  	v54 =	vsel vm10, $0x1, v34  }
0xfb: {  	v43 =	vadd.s32 v54, v43;
	vm11 =	vle.f32 v46, v44  }
0xfc: {  	v47 =	vadd.s32 v33, v43;
	_ =	sdelay $0x4  }
0xfd: {  	v55 =	vor.u32 v37, v48;
	[tilespmem:v47+s16+$0x0] =	vst.idx.msk vm11, v46  }
0xfe: {  	[tilespmem:v47+s17+$0x0] =	vst.idx.msk vm11, v55  }
0xff: {  	v46 =	vld [tilespmem:s28+$0x0];
	_ =	sdelay $0x3  }
0x100: {  	v56 =	vsel vm11, $0x1, v34  }
0x101: {  	v43 =	vadd.s32 v56, v43;
	vm12 =	vle.f32 v46, v44  }
0x102: {  	v47 =	vadd.s32 v33, v43;
	_ =	sdelay $0x4  }
0x103: {  	v57 =	vor.u32 v38, v48;
	[tilespmem:v47+s16+$0x0] =	vst.idx.msk vm12, v46  }
0x104: {  	[tilespmem:v47+s17+$0x0] =	vst.idx.msk vm12, v57  }
0x105: {  	v46 =	vld [tilespmem:s28+$0x10];
	_ =	sdelay $0x3  }
0x106: {  	v58 =	vsel vm12, $0x1, v34  }
0x107: {  	v43 =	vadd.s32 v58, v43;
	vm13 =	vle.f32 v46, v44  }
0x108: {  	v47 =	vadd.s32 v33, v43;
	_ =	sdelay $0x4  }
0x109: {  	v59 =	vor.u32 v39, v48;
	[tilespmem:v47+s16+$0x0] =	vst.idx.msk vm13, v46  }
0x10a: {  	[tilespmem:v47+s17+$0x0] =	vst.idx.msk vm13, v59  }
0x10b: {  	v46 =	vld [tilespmem:s28+$0x20];
	_ =	sdelay $0x3  }
0x10c: {  	v60 =	vsel vm13, $0x1, v34  }
0x10d: {  	v43 =	vadd.s32 v60, v43;
	vm14 =	vle.f32 v46, v44  }
0x10e: {  	v47 =	vadd.s32 v33, v43;
	_ =	sdelay $0x4  }
0x10f: {  	v61 =	vor.u32 v40, v48;
	[tilespmem:v47+s16+$0x0] =	vst.idx.msk vm14, v46  }
0x110: {  	[tilespmem:v47+s17+$0x0] =	vst.idx.msk vm14, v61  }
0x111: {  	v46 =	vld [tilespmem:s28+$0x30];
	_ =	sdelay $0x3  }
0x112: {  	v62 =	vsel vm14, $0x1, v34  }
0x113: {  	v43 =	vadd.s32 v62, v43;
	vm15 =	vle.f32 v46, v44  }
0x114: {  	v47 =	vadd.s32 v33, v43  }
0x115: {  	p0 =	sne.s32 s29, $0xF  }
.Ltmp12:
0x116: {  	_ = 	snop;
	(pc) =	sbr.rel @p0 .LBB2_13-.Ltmp12, $3  }
0x117: {  	_ =	sdelay $0x1  }
0x118: {  	v48 =	vor.u32 v41, v48;
	v63 =	vsel vm15, $0x1, v34;
	[tilespmem:v47+s16+$0x0] =	vst.idx.msk vm15, v46  }
0x119: {  	s29 =	sadd.s32 $0x1, s29;
	s28 =	sadd.s32 $0x80, s28;
	v43 =	vadd.s32 v63, v43;
	[tilespmem:v47+s17+$0x0] =	vst.idx.msk vm15, v48  }
0x11a: {  	v44 =	vxor.u32 $0x80000000, v43  }
0x11b: {  	(xrf0) =	vmax.scan.msk.u32 $0xffff, v44;
	_ =	sdelay $0x5  }
0x11c: {  	v44, _, _ =	vpop (xrf0)  }
0x11d: {  	(v2sf) =	vpush v44, $0xF;
	_ =	sdelay $0xe  }
0x11e: {  	s28 =	spop (v2sf)  }
0x11f: {  	s28 =	sxor.u32 $0x80000000, s28  }
0x120: {  	p0 =	slt.s32 s28, $0x1  }
.Ltmp13:
0x121: {  	_ = 	snop;
	(pc) =	sbr.rel @p0 .LBB2_20-.Ltmp13, $2  }
0x122: {  	_ =	sdelay $0x2  }
0x123: {  	v44 =	vimm.s32 $0x0  }
0x124: {  	s29 =	simm.s32 $0x0  }
0x125: {  	v45 =	vadd.s32 s29, v33;
	_ =	sdelay $0x4  }
0x126: {  	v46 =	vld.idx.msk [tilespmem:v45+s16+$0x0], $0xffff  }
0x127: {  	v47 =	vld.idx.msk [tilespmem:v45+s17+$0x0], $0xffff;
	_ =	sdelay $0x1  }
0x128: {  	v63 =	vmov s29  }
0x129: {  	vm0 =	vlt.s32 v63, v43  }
0x12a: {  	v46 =	vnsel vm0, $0x7F800000, v46  }
0x12b: {  	(xrf1) =	vsort.ascd.msk.f32 $0xffff, v46, v47  }
0x12c: {  	p1 =	sne.s32 s28, $0x1  }
.Ltmp14:
0x12d: {  	_ = 	snop;
	(pc) =	sbr.rel @!p1 .LBB2_16-.Ltmp14, $2  }
0x12e: {  	_ =	sdelay $0x2  }
0x12f: {  	p0 =	por $0x0, $0x0;
	s29 =	simm.s32 $0x1;
	v45 =	vimm.f32 $+Inf  }
0x130: {  	v46 =	vadd.s32 s29, v33;
	_ =	sdelay $0x4  }
0x131: {  	v47 =	vld.idx.msk [tilespmem:v46+s16+$0x0], $0xffff  }
0x132: {  	v46 =	vld.idx.msk [tilespmem:v46+s17+$0x0], $0xffff  }
0x133: {  	v48, v49, _ =	vpop (xrf1)  }
0x134: {  	v50 =	vmov s29;
	v48 =	vperm.xlane v48, v42  }
0x135: {  	vm0 =	vlt.s32 v50, v43;
	v49 =	vperm.xlane v49, v42  }
0x136: {  	v47 =	vnsel vm0, $0x7F800000, v47;
	vm15 =	vle.f32 v45, v48  }
0x137: {  	(xrf1) =	vsort.ascd.msk.f32 $0xffff, v47, v46;
	v62 =	vsel vm15, v45, v48;
	v63 =	vsel vm15, v44, v49  }
0x138: {  	p1 =	sne.s32 s28, $0x2;
	(xrf1) =	vsort.ascd.msk.f32 $0xffff, v62, v63  }
.Ltmp15:
0x139: {  	_ = 	snop;
	(pc) =	sbr.rel @!p1 .LBB2_19-.Ltmp15, $2  }
0x13a: {  	_ =	sdelay $0x2  }
0x13b: {  	s29 =	simm.s32 $0x2;
	p0 =	por $0x1, $0x1  }
.LBB2_18:
0x13c: {  	v46 =	vadd.s32 s29, v33;
	s30 =	smov.u32 s29;
	s29 =	sadd.s32 $0x1, s29  }
0x13d: {  	p1 =	sne.s32 s28, s29;
	_ =	sdelay $0x3  }
0x13e: {  	v47 =	vld.idx.msk [tilespmem:v46+s16+$0x0], $0xffff  }
0x13f: {  	v46 =	vld.idx.msk [tilespmem:v46+s17+$0x0], $0xffff;
	_ =	sdelay $0x2  }
0x140: {  	v48 =	vmov s30;
	v49, v50, _ =	vpop (xrf1)  }
.Ltmp16:
0x141: {  	vm0 =	vlt.s32 v48, v43;
	v48 =	vperm.xlane v49, v42;
	(pc) =	sbr.rel @p1 .LBB2_18-.Ltmp16, $4  }
0x142: {  	v47 =	vnsel vm0, $0x7F800000, v47;
	v49 =	vperm.xlane v50, v42;
	v50, v51, _ =	vpop (xrf1)  }
0x143: {  	(xrf1) =	vsort.ascd.msk.f32 $0xffff, v47, v46;
	vm0 =	vle.f32 v50, v48  }
0x144: {  	v46 =	vsel vm0, v50, v48;
	v47 =	vsel vm0, v51, v49  }
0x145: {  	(xrf1) =	vsort.ascd.msk.f32 $0xffff, v46, v47  }
.Ltmp17:
0x146: {  	_ = 	snop;
	(pc) =	sbr.rel .LBB2_19-.Ltmp17, $1  }
0x147: {  	_ =	sdelay $0x3  }
.LBB2_21:
.Ltmp18:
0x148: {  	(pc) =	sbr.rel .LBB2_22-.Ltmp18, $4  }
0x149: {  	[tilespmem:s14], [sflag:$0x1] =	stream.indirect.gather [hbm4b:s3+s12], $0x80, s19, s12, $0xb8;
	[tilespmem:$0x15900] =	vst v63  }
0x14a: {  	_ =	swait.ge [sflag:s15], $0x4000  }
0x14b: {  	[sflag:s15] =	ssyncset.done $0x0  }
0x14c: {  	s24 =	simm.s32 $0x0;
	s25 =	simm.s32 $0x640;
	[sflag:s15] =	ssyncadd.s32 $0xFFFFC000  }
.LBB2_26:
0x14d: {  	_ = 	snop  }
.LBB2_29:
0x14e: {  	_ =	sdelay $0x6  }
0x14f: {  	v43, v46, _ =	vpop (xrf1)  }
0x150: {  	v43 =	vperm.xlane v43, v42;
	v47, v48, _ =	vpop @p0 (xrf1)  }
0x151: {  	v46 =	vperm.xlane v46, v42;
	v45 =	vpsel p0, v47, v45  }
0x152: {  	v44 =	vpsel p0, v48, v44;
	vm0 =	vle.f32 v45, v43  }
0x153: {  	v43 =	vsel vm0, v45, v43;
	v44 =	vsel vm0, v44, v46  }
0x154: {  	(xrf1) =	vsort.ascd.msk.f32 $0xffff, v43, v44;
	_ =	sdelay $0xd  }
0x155: {  	v43, v44, _ =	vpop (xrf1)  }
.LBB2_30:
0x156: {  	s24 =	sadd.s32 $0x1, s24  }
0x157: {  	p0 =	sne.s32 s24, $0x8  }
.Ltmp19:
0x158: {  	_ = 	snop;
	(pc) =	sbr.rel @!p0 .LBB2_31-.Ltmp19, $2  }
0x159: {  	_ =	sdelay $0x2  }
0x15a: {  	[tilespmem:s26+$0x5700] =	vst v44;
	s25 =	sadd.s32 $0x800, s25  }
.LBB2_22:
0x15b: {  	s28 =	sshll.u32 s24, $0x4  }
0x15c: {  	v44 =	vld [tilespmem:s28+$0x300]  }
0x15d: {  	v43 =	vimm.s32 $0x0;
	s29 =	simm.s32 $0x0;
	s26 =	sadd.s32 $0x100, s28;
	v45 =	vld [tilespmem:s28+$0x100];
	s28 =	smov.u32 s25  }
.LBB2_23:
0x15e: {  	v46 =	vld [tilespmem:s28+$0xFFFFFFC0];
	_ =	sdelay $0x4  }
0x15f: {  	vm0 =	vle.f32 v46, v44  }
0x160: {  	v47 =	vadd.s32 v33, v43  }
0x161: {  	v48 =	vmov s29  }
0x162: {  	v48 =	vperm.xlane v45, v48;
	_ =	sdelay $0x1  }
0x163: {  	v48 =	vshll.u32 v48, $0x7  }
0x164: {  	v49 =	vor.u32 v31, v48;
	[tilespmem:v47+s16+$0x0] =	vst.idx.msk vm0, v46  }
0x165: {  	[tilespmem:v47+s17+$0x0] =	vst.idx.msk vm0, v49  }
0x166: {  	v46 =	vld [tilespmem:s28+$0xFFFFFFD0];
	_ =	sdelay $0x3  }
0x167: {  	v61 =	vsel vm0, $0x1, v34  }
0x168: {  	v62 =	vadd.s32 v61, v43;
	vm9 =	vle.f32 v46, v44  }
0x169: {  	v47 =	vadd.s32 v33, v62;
	_ =	sdelay $0x4  }
0x16a: {  	v63 =	vor.u32 v35, v48;
	[tilespmem:v47+s16+$0x0] =	vst.idx.msk vm9, v46  }
0x16b: {  	[tilespmem:v47+s17+$0x0] =	vst.idx.msk vm9, v63  }
0x16c: {  	v46 =	vld [tilespmem:s28+$0xFFFFFFE0];
	_ =	sdelay $0x3  }
0x16d: {  	v52 =	vsel vm9, $0x1, v34  }
0x16e: {  	v43 =	vadd.s32 v52, v62;
	vm10 =	vle.f32 v46, v44  }
0x16f: {  	v47 =	vadd.s32 v33, v43;
	_ =	sdelay $0x4  }
0x170: {  	v53 =	vor.u32 v36, v48;
	[tilespmem:v47+s16+$0x0] =	vst.idx.msk vm10, v46  }
0x171: {  	[tilespmem:v47+s17+$0x0] =	vst.idx.msk vm10, v53  }
0x172: {  	v46 =	vld [tilespmem:s28+$0xFFFFFFF0];
	_ =	sdelay $0x3  }
0x173: {  	v54 =	vsel vm10, $0x1, v34  }
0x174: {  	v43 =	vadd.s32 v54, v43;
	vm11 =	vle.f32 v46, v44  }
0x175: {  	v47 =	vadd.s32 v33, v43;
	_ =	sdelay $0x4  }
0x176: {  	v55 =	vor.u32 v37, v48;
	[tilespmem:v47+s16+$0x0] =	vst.idx.msk vm11, v46  }
0x177: {  	[tilespmem:v47+s17+$0x0] =	vst.idx.msk vm11, v55  }
0x178: {  	v46 =	vld [tilespmem:s28+$0x0];
	_ =	sdelay $0x3  }
0x179: {  	v56 =	vsel vm11, $0x1, v34  }
0x17a: {  	v43 =	vadd.s32 v56, v43;
	vm12 =	vle.f32 v46, v44  }
0x17b: {  	v47 =	vadd.s32 v33, v43;
	_ =	sdelay $0x4  }
0x17c: {  	v57 =	vor.u32 v38, v48;
	[tilespmem:v47+s16+$0x0] =	vst.idx.msk vm12, v46  }
0x17d: {  	[tilespmem:v47+s17+$0x0] =	vst.idx.msk vm12, v57  }
0x17e: {  	v46 =	vld [tilespmem:s28+$0x10];
	_ =	sdelay $0x3  }
0x17f: {  	v58 =	vsel vm12, $0x1, v34  }
0x180: {  	v43 =	vadd.s32 v58, v43;
	vm13 =	vle.f32 v46, v44  }
0x181: {  	v47 =	vadd.s32 v33, v43;
	_ =	sdelay $0x4  }
0x182: {  	v59 =	vor.u32 v39, v48;
	[tilespmem:v47+s16+$0x0] =	vst.idx.msk vm13, v46  }
0x183: {  	[tilespmem:v47+s17+$0x0] =	vst.idx.msk vm13, v59  }
0x184: {  	v46 =	vld [tilespmem:s28+$0x20];
	_ =	sdelay $0x3  }
0x185: {  	v60 =	vsel vm13, $0x1, v34  }
0x186: {  	v43 =	vadd.s32 v60, v43;
	vm14 =	vle.f32 v46, v44  }
0x187: {  	v47 =	vadd.s32 v33, v43;
	_ =	sdelay $0x4  }
0x188: {  	v61 =	vor.u32 v40, v48;
	[tilespmem:v47+s16+$0x0] =	vst.idx.msk vm14, v46  }
0x189: {  	[tilespmem:v47+s17+$0x0] =	vst.idx.msk vm14, v61  }
0x18a: {  	v46 =	vld [tilespmem:s28+$0x30];
	_ =	sdelay $0x3  }
0x18b: {  	v62 =	vsel vm14, $0x1, v34  }
0x18c: {  	v43 =	vadd.s32 v62, v43;
	vm15 =	vle.f32 v46, v44  }
0x18d: {  	v47 =	vadd.s32 v33, v43  }
0x18e: {  	p0 =	sne.s32 s29, $0xF  }
.Ltmp20:
0x18f: {  	_ = 	snop;
	(pc) =	sbr.rel @p0 .LBB2_23-.Ltmp20, $3  }
0x190: {  	_ =	sdelay $0x1  }
0x191: {  	v48 =	vor.u32 v41, v48;
	v63 =	vsel vm15, $0x1, v34;
	[tilespmem:v47+s16+$0x0] =	vst.idx.msk vm15, v46  }
0x192: {  	s29 =	sadd.s32 $0x1, s29;
	s28 =	sadd.s32 $0x80, s28;
	v43 =	vadd.s32 v63, v43;
	[tilespmem:v47+s17+$0x0] =	vst.idx.msk vm15, v48  }
0x193: {  	v44 =	vxor.u32 $0x80000000, v43  }
0x194: {  	(xrf0) =	vmax.scan.msk.u32 $0xffff, v44;
	_ =	sdelay $0x5  }
0x195: {  	v44, _, _ =	vpop (xrf0)  }
0x196: {  	(v2sf) =	vpush v44, $0xF;
	_ =	sdelay $0xe  }
0x197: {  	s28 =	spop (v2sf)  }
0x198: {  	s28 =	sxor.u32 $0x80000000, s28  }
0x199: {  	p0 =	slt.s32 s28, $0x1  }
.Ltmp21:
0x19a: {  	_ = 	snop;
	(pc) =	sbr.rel @p0 .LBB2_30-.Ltmp21, $2  }
0x19b: {  	_ =	sdelay $0x2  }
0x19c: {  	v44 =	vimm.s32 $0x0  }
0x19d: {  	s29 =	simm.s32 $0x0  }
0x19e: {  	v45 =	vadd.s32 s29, v33;
	_ =	sdelay $0x4  }
0x19f: {  	v46 =	vld.idx.msk [tilespmem:v45+s16+$0x0], $0xffff  }
0x1a0: {  	v47 =	vld.idx.msk [tilespmem:v45+s17+$0x0], $0xffff;
	_ =	sdelay $0x1  }
0x1a1: {  	v63 =	vmov s29  }
0x1a2: {  	vm0 =	vlt.s32 v63, v43  }
0x1a3: {  	v46 =	vnsel vm0, $0x7F800000, v46  }
0x1a4: {  	(xrf1) =	vsort.ascd.msk.f32 $0xffff, v46, v47  }
0x1a5: {  	p1 =	sne.s32 s28, $0x1  }
.Ltmp22:
0x1a6: {  	_ = 	snop;
	(pc) =	sbr.rel @!p1 .LBB2_26-.Ltmp22, $2  }
0x1a7: {  	_ =	sdelay $0x2  }
0x1a8: {  	p0 =	por $0x0, $0x0;
	s29 =	simm.s32 $0x1;
	v45 =	vimm.f32 $+Inf  }
0x1a9: {  	v46 =	vadd.s32 s29, v33;
	_ =	sdelay $0x4  }
0x1aa: {  	v47 =	vld.idx.msk [tilespmem:v46+s16+$0x0], $0xffff  }
0x1ab: {  	v46 =	vld.idx.msk [tilespmem:v46+s17+$0x0], $0xffff  }
0x1ac: {  	v48, v49, _ =	vpop (xrf1)  }
0x1ad: {  	v50 =	vmov s29;
	v48 =	vperm.xlane v48, v42  }
0x1ae: {  	vm0 =	vlt.s32 v50, v43;
	v49 =	vperm.xlane v49, v42  }
0x1af: {  	v47 =	vnsel vm0, $0x7F800000, v47;
	vm15 =	vle.f32 v45, v48  }
0x1b0: {  	(xrf1) =	vsort.ascd.msk.f32 $0xffff, v47, v46;
	v62 =	vsel vm15, v45, v48;
	v63 =	vsel vm15, v44, v49  }
0x1b1: {  	p1 =	sne.s32 s28, $0x2;
	(xrf1) =	vsort.ascd.msk.f32 $0xffff, v62, v63  }
.Ltmp23:
0x1b2: {  	_ = 	snop;
	(pc) =	sbr.rel @!p1 .LBB2_29-.Ltmp23, $2  }
0x1b3: {  	_ =	sdelay $0x2  }
0x1b4: {  	s29 =	simm.s32 $0x2;
	p0 =	por $0x1, $0x1  }
.LBB2_28:
0x1b5: {  	v46 =	vadd.s32 s29, v33;
	s30 =	smov.u32 s29;
	s29 =	sadd.s32 $0x1, s29  }
0x1b6: {  	p1 =	sne.s32 s28, s29;
	_ =	sdelay $0x3  }
0x1b7: {  	v47 =	vld.idx.msk [tilespmem:v46+s16+$0x0], $0xffff  }
0x1b8: {  	v46 =	vld.idx.msk [tilespmem:v46+s17+$0x0], $0xffff;
	_ =	sdelay $0x2  }
0x1b9: {  	v48 =	vmov s30;
	v49, v50, _ =	vpop (xrf1)  }
.Ltmp24:
0x1ba: {  	vm0 =	vlt.s32 v48, v43;
	v48 =	vperm.xlane v49, v42;
	(pc) =	sbr.rel @p1 .LBB2_28-.Ltmp24, $4  }
0x1bb: {  	v47 =	vnsel vm0, $0x7F800000, v47;
	v49 =	vperm.xlane v50, v42;
	v50, v51, _ =	vpop (xrf1)  }
0x1bc: {  	(xrf1) =	vsort.ascd.msk.f32 $0xffff, v47, v46;
	vm0 =	vle.f32 v50, v48  }
0x1bd: {  	v46 =	vsel vm0, v50, v48;
	v47 =	vsel vm0, v51, v49  }
0x1be: {  	(xrf1) =	vsort.ascd.msk.f32 $0xffff, v46, v47  }
.Ltmp25:
0x1bf: {  	_ = 	snop;
	(pc) =	sbr.rel .LBB2_29-.Ltmp25, $1  }
0x1c0: {  	_ =	sdelay $0x3  }
.LBB2_31:
.Ltmp26:
0x1c1: {  	(pc) =	sbr.rel .LBB2_32-.Ltmp26, $4  }
0x1c2: {  	[tilespmem:s14], [sflag:$0x1] =	stream.indirect.gather [hbm4b:s3+s12], $0x80, s20, s12, $0xb8;
	[tilespmem:$0x15900] =	vst v63  }
0x1c3: {  	_ =	swait.ge [sflag:s15], $0x4000  }
0x1c4: {  	[sflag:s15] =	ssyncset.done $0x0  }
0x1c5: {  	s24 =	simm.s32 $0x0;
	s25 =	simm.s32 $0x640;
	[sflag:s15] =	ssyncadd.s32 $0xFFFFC000  }
.LBB2_36:
0x1c6: {  	_ = 	snop  }
.LBB2_39:
0x1c7: {  	_ =	sdelay $0x6  }
0x1c8: {  	v43, v46, _ =	vpop (xrf1)  }
0x1c9: {  	v43 =	vperm.xlane v43, v42;
	v47, v48, _ =	vpop @p0 (xrf1)  }
0x1ca: {  	v46 =	vperm.xlane v46, v42;
	v45 =	vpsel p0, v47, v45  }
0x1cb: {  	v44 =	vpsel p0, v48, v44;
	vm0 =	vle.f32 v45, v43  }
0x1cc: {  	v43 =	vsel vm0, v45, v43;
	v44 =	vsel vm0, v44, v46  }
0x1cd: {  	(xrf1) =	vsort.ascd.msk.f32 $0xffff, v43, v44;
	_ =	sdelay $0xd  }
0x1ce: {  	v43, v44, _ =	vpop (xrf1)  }
.LBB2_40:
0x1cf: {  	s24 =	sadd.s32 $0x1, s24  }
0x1d0: {  	p0 =	sne.s32 s24, $0x8  }
.Ltmp27:
0x1d1: {  	_ = 	snop;
	(pc) =	sbr.rel @!p0 .LBB2_41-.Ltmp27, $2  }
0x1d2: {  	_ =	sdelay $0x2  }
0x1d3: {  	[tilespmem:s26+$0x5700] =	vst v44;
	s25 =	sadd.s32 $0x800, s25  }
.LBB2_32:
0x1d4: {  	s28 =	sshll.u32 s24, $0x4  }
0x1d5: {  	v44 =	vld [tilespmem:s28+$0x380]  }
0x1d6: {  	v43 =	vimm.s32 $0x0;
	s29 =	simm.s32 $0x0;
	s26 =	sadd.s32 $0x180, s28;
	v45 =	vld [tilespmem:s28+$0x180];
	s28 =	smov.u32 s25  }
.LBB2_33:
0x1d7: {  	v46 =	vld [tilespmem:s28+$0xFFFFFFC0];
	_ =	sdelay $0x4  }
0x1d8: {  	vm0 =	vle.f32 v46, v44  }
0x1d9: {  	v47 =	vadd.s32 v33, v43  }
0x1da: {  	v48 =	vmov s29  }
0x1db: {  	v48 =	vperm.xlane v45, v48;
	_ =	sdelay $0x1  }
0x1dc: {  	v48 =	vshll.u32 v48, $0x7  }
0x1dd: {  	v49 =	vor.u32 v31, v48;
	[tilespmem:v47+s16+$0x0] =	vst.idx.msk vm0, v46  }
0x1de: {  	[tilespmem:v47+s17+$0x0] =	vst.idx.msk vm0, v49  }
0x1df: {  	v46 =	vld [tilespmem:s28+$0xFFFFFFD0];
	_ =	sdelay $0x3  }
0x1e0: {  	v61 =	vsel vm0, $0x1, v34  }
0x1e1: {  	v62 =	vadd.s32 v61, v43;
	vm9 =	vle.f32 v46, v44  }
0x1e2: {  	v47 =	vadd.s32 v33, v62;
	_ =	sdelay $0x4  }
0x1e3: {  	v63 =	vor.u32 v35, v48;
	[tilespmem:v47+s16+$0x0] =	vst.idx.msk vm9, v46  }
0x1e4: {  	[tilespmem:v47+s17+$0x0] =	vst.idx.msk vm9, v63  }
0x1e5: {  	v46 =	vld [tilespmem:s28+$0xFFFFFFE0];
	_ =	sdelay $0x3  }
0x1e6: {  	v52 =	vsel vm9, $0x1, v34  }
0x1e7: {  	v43 =	vadd.s32 v52, v62;
	vm10 =	vle.f32 v46, v44  }
0x1e8: {  	v47 =	vadd.s32 v33, v43;
	_ =	sdelay $0x4  }
0x1e9: {  	v53 =	vor.u32 v36, v48;
	[tilespmem:v47+s16+$0x0] =	vst.idx.msk vm10, v46  }
0x1ea: {  	[tilespmem:v47+s17+$0x0] =	vst.idx.msk vm10, v53  }
0x1eb: {  	v46 =	vld [tilespmem:s28+$0xFFFFFFF0];
	_ =	sdelay $0x3  }
0x1ec: {  	v54 =	vsel vm10, $0x1, v34  }
0x1ed: {  	v43 =	vadd.s32 v54, v43;
	vm11 =	vle.f32 v46, v44  }
0x1ee: {  	v47 =	vadd.s32 v33, v43;
	_ =	sdelay $0x4  }
0x1ef: {  	v55 =	vor.u32 v37, v48;
	[tilespmem:v47+s16+$0x0] =	vst.idx.msk vm11, v46  }
0x1f0: {  	[tilespmem:v47+s17+$0x0] =	vst.idx.msk vm11, v55  }
0x1f1: {  	v46 =	vld [tilespmem:s28+$0x0];
	_ =	sdelay $0x3  }
0x1f2: {  	v56 =	vsel vm11, $0x1, v34  }
0x1f3: {  	v43 =	vadd.s32 v56, v43;
	vm12 =	vle.f32 v46, v44  }
0x1f4: {  	v47 =	vadd.s32 v33, v43;
	_ =	sdelay $0x4  }
0x1f5: {  	v57 =	vor.u32 v38, v48;
	[tilespmem:v47+s16+$0x0] =	vst.idx.msk vm12, v46  }
0x1f6: {  	[tilespmem:v47+s17+$0x0] =	vst.idx.msk vm12, v57  }
0x1f7: {  	v46 =	vld [tilespmem:s28+$0x10];
	_ =	sdelay $0x3  }
0x1f8: {  	v58 =	vsel vm12, $0x1, v34  }
0x1f9: {  	v43 =	vadd.s32 v58, v43;
	vm13 =	vle.f32 v46, v44  }
0x1fa: {  	v47 =	vadd.s32 v33, v43;
	_ =	sdelay $0x4  }
0x1fb: {  	v59 =	vor.u32 v39, v48;
	[tilespmem:v47+s16+$0x0] =	vst.idx.msk vm13, v46  }
0x1fc: {  	[tilespmem:v47+s17+$0x0] =	vst.idx.msk vm13, v59  }
0x1fd: {  	v46 =	vld [tilespmem:s28+$0x20];
	_ =	sdelay $0x3  }
0x1fe: {  	v60 =	vsel vm13, $0x1, v34  }
0x1ff: {  	v43 =	vadd.s32 v60, v43;
	vm14 =	vle.f32 v46, v44  }
0x200: {  	v47 =	vadd.s32 v33, v43;
	_ =	sdelay $0x4  }
0x201: {  	v61 =	vor.u32 v40, v48;
	[tilespmem:v47+s16+$0x0] =	vst.idx.msk vm14, v46  }
0x202: {  	[tilespmem:v47+s17+$0x0] =	vst.idx.msk vm14, v61  }
0x203: {  	v46 =	vld [tilespmem:s28+$0x30];
	_ =	sdelay $0x3  }
0x204: {  	v62 =	vsel vm14, $0x1, v34  }
0x205: {  	v43 =	vadd.s32 v62, v43;
	vm15 =	vle.f32 v46, v44  }
0x206: {  	v47 =	vadd.s32 v33, v43  }
0x207: {  	p0 =	sne.s32 s29, $0xF  }
.Ltmp28:
0x208: {  	_ = 	snop;
	(pc) =	sbr.rel @p0 .LBB2_33-.Ltmp28, $3  }
0x209: {  	_ =	sdelay $0x1  }
0x20a: {  	v48 =	vor.u32 v41, v48;
	v63 =	vsel vm15, $0x1, v34;
	[tilespmem:v47+s16+$0x0] =	vst.idx.msk vm15, v46  }
0x20b: {  	s29 =	sadd.s32 $0x1, s29;
	s28 =	sadd.s32 $0x80, s28;
	v43 =	vadd.s32 v63, v43;
	[tilespmem:v47+s17+$0x0] =	vst.idx.msk vm15, v48  }
0x20c: {  	v44 =	vxor.u32 $0x80000000, v43  }
0x20d: {  	(xrf0) =	vmax.scan.msk.u32 $0xffff, v44;
	_ =	sdelay $0x5  }
0x20e: {  	v44, _, _ =	vpop (xrf0)  }
0x20f: {  	(v2sf) =	vpush v44, $0xF;
	_ =	sdelay $0xe  }
0x210: {  	s28 =	spop (v2sf)  }
0x211: {  	s28 =	sxor.u32 $0x80000000, s28  }
0x212: {  	p0 =	slt.s32 s28, $0x1  }
.Ltmp29:
0x213: {  	_ = 	snop;
	(pc) =	sbr.rel @p0 .LBB2_40-.Ltmp29, $2  }
0x214: {  	_ =	sdelay $0x2  }
0x215: {  	v44 =	vimm.s32 $0x0  }
0x216: {  	s29 =	simm.s32 $0x0  }
0x217: {  	v45 =	vadd.s32 s29, v33;
	_ =	sdelay $0x4  }
0x218: {  	v46 =	vld.idx.msk [tilespmem:v45+s16+$0x0], $0xffff  }
0x219: {  	v47 =	vld.idx.msk [tilespmem:v45+s17+$0x0], $0xffff;
	_ =	sdelay $0x1  }
0x21a: {  	v63 =	vmov s29  }
0x21b: {  	vm0 =	vlt.s32 v63, v43  }
0x21c: {  	v46 =	vnsel vm0, $0x7F800000, v46  }
0x21d: {  	(xrf1) =	vsort.ascd.msk.f32 $0xffff, v46, v47  }
0x21e: {  	p1 =	sne.s32 s28, $0x1  }
.Ltmp30:
0x21f: {  	_ = 	snop;
	(pc) =	sbr.rel @!p1 .LBB2_36-.Ltmp30, $2  }
0x220: {  	_ =	sdelay $0x2  }
0x221: {  	p0 =	por $0x0, $0x0;
	s29 =	simm.s32 $0x1;
	v45 =	vimm.f32 $+Inf  }
0x222: {  	v46 =	vadd.s32 s29, v33;
	_ =	sdelay $0x4  }
0x223: {  	v47 =	vld.idx.msk [tilespmem:v46+s16+$0x0], $0xffff  }
0x224: {  	v46 =	vld.idx.msk [tilespmem:v46+s17+$0x0], $0xffff  }
0x225: {  	v48, v49, _ =	vpop (xrf1)  }
0x226: {  	v50 =	vmov s29;
	v48 =	vperm.xlane v48, v42  }
0x227: {  	vm0 =	vlt.s32 v50, v43;
	v49 =	vperm.xlane v49, v42  }
0x228: {  	v47 =	vnsel vm0, $0x7F800000, v47;
	vm15 =	vle.f32 v45, v48  }
0x229: {  	(xrf1) =	vsort.ascd.msk.f32 $0xffff, v47, v46;
	v62 =	vsel vm15, v45, v48;
	v63 =	vsel vm15, v44, v49  }
0x22a: {  	p1 =	sne.s32 s28, $0x2;
	(xrf1) =	vsort.ascd.msk.f32 $0xffff, v62, v63  }
.Ltmp31:
0x22b: {  	_ = 	snop;
	(pc) =	sbr.rel @!p1 .LBB2_39-.Ltmp31, $2  }
0x22c: {  	_ =	sdelay $0x2  }
0x22d: {  	s29 =	simm.s32 $0x2;
	p0 =	por $0x1, $0x1  }
.LBB2_38:
0x22e: {  	v46 =	vadd.s32 s29, v33;
	s30 =	smov.u32 s29;
	s29 =	sadd.s32 $0x1, s29  }
0x22f: {  	p1 =	sne.s32 s28, s29;
	_ =	sdelay $0x3  }
0x230: {  	v47 =	vld.idx.msk [tilespmem:v46+s16+$0x0], $0xffff  }
0x231: {  	v46 =	vld.idx.msk [tilespmem:v46+s17+$0x0], $0xffff;
	_ =	sdelay $0x2  }
0x232: {  	v48 =	vmov s30;
	v49, v50, _ =	vpop (xrf1)  }
.Ltmp32:
0x233: {  	vm0 =	vlt.s32 v48, v43;
	v48 =	vperm.xlane v49, v42;
	(pc) =	sbr.rel @p1 .LBB2_38-.Ltmp32, $4  }
0x234: {  	v47 =	vnsel vm0, $0x7F800000, v47;
	v49 =	vperm.xlane v50, v42;
	v50, v51, _ =	vpop (xrf1)  }
0x235: {  	(xrf1) =	vsort.ascd.msk.f32 $0xffff, v47, v46;
	vm0 =	vle.f32 v50, v48  }
0x236: {  	v46 =	vsel vm0, v50, v48;
	v47 =	vsel vm0, v51, v49  }
0x237: {  	(xrf1) =	vsort.ascd.msk.f32 $0xffff, v46, v47  }
.Ltmp33:
0x238: {  	_ = 	snop;
	(pc) =	sbr.rel .LBB2_39-.Ltmp33, $1  }
0x239: {  	_ =	sdelay $0x3  }
.LBB2_42:
0x23a: {  	_ =	sfence.sel $0x180000  }
0x23b: {  	[bflag:$0x0] =	sbarrier.arrive $0xFFFF  }
0x23c: {  	p0 =	sne.s32 s1, $0x0;
	_ =	strace $0x90000047  }
0x23d: {  	s0 =	sadd.s32 @!p0 $0x100000, s0;
	[bflag:$0x2] =	sbarrier.arrive $0xFFFF  }
0x23e: {  	[sflag:s0] =	ssyncadd.tile.s32 @!p0 $0x1;
	_ =	shalt  }
.Lfunc_end2:
_tile_overlayer_lowered:
.L_overlay_start_2:
0x23f: {  	(tag) =	ssettag $0x2  }
0x240: {  	s0 =	rddreg [dreg:$0x0];
	s2 =	stileid.u32  }
0x241: {  	s1 =	rddreg [dreg:$0x1];
	p0 =	sne.s32 s2, $0x0  }
0x242: {  	s3 =	rddreg [dreg:$0x2];
	[bflag:$0x3] =	sbarrier.arrive $0xFFFF;
	s2 =	simm.s32 @!p0 $0x1C02  }
0x243: {  	[timem:s3], [sflag:s2] =	dma.local @!p0 [hbm:s0], s1  }
0x244: {  	s0 =	simm.s32 @!p0 $0x2  }
0x245: {  	_ =	swait.ge @!p0 [sflag:s0], s1  }
0x246: {  	s1 =	ssub.s32 @!p0 $0x0, s1;
	[sflag:s0] =	ssyncset.done @!p0 $0x0  }
0x247: {  	[sflag:s0] =	ssyncadd.s32 @!p0 s1  }
0x248: {  	[bflag:$0x3] =	sbarrier.arrive $0xFFFF  }
0x249: {  	_ =	shalt  }

</sc_bundles>
